<compile_context>
chip_gen: v7x
topology: tpu7x:2x2x1
jax: 0.10.2.dev20260603
libtpu: 0.0.44.dev20260713+nightly
codegen_flags: <defaults>
</compile_context>

<pallas_src>
import jax
import jax.numpy as jnp
from jax import lax
from jax.experimental import pallas as pl
from jax.experimental.pallas import tpu as pltpu
from jax.experimental.pallas import tpu_sc as plsc

_N = 16384
_D = 64
_L = 16
_NW = 32
_ROWS = _N // _NW
_PCOLS = 176

_mesh = plsc.VectorSubcoreMesh(core_axis_name="c", subcore_axis_name="s")


_CH = 128
_NCH = _ROWS // _CH


def _sc_body(mb_hbm, cen_hbm, out_hbm, xa, xb, cen_v, row_v, sema, semb):
    wid = lax.axis_index("c") * 16 + lax.axis_index("s")
    base = wid * _ROWS
    bufs = (xa, xb)
    sems = (sema, semb)
    copies = [
        pltpu.async_copy(mb_hbm.at[pl.ds(base + c * _CH, _CH)],
                         bufs[c % 2], sems[c % 2])
        for c in range(min(2, _NCH))
    ]
    pltpu.sync_copy(cen_hbm, cen_v)

    lane = lax.iota(jnp.int32, _L)
    perms = [lane ^ k for k in (1, 2, 4, 8)]

    def allsum(v):
        for p in perms:
            v = v + v.at[p].get(mode="promise_in_bounds")
        return v

    c0 = [cen_v[0, pl.ds(16 * j, 16)] for j in range(4)]
    c1 = [cen_v[1, pl.ds(16 * j, 16)] for j in range(4)]
    d01 = [a - b for a, b in zip(c0, c1)]

    def dot4(a, b):
        return allsum(a[0] * b[0] + a[1] * b[1] + a[2] * b[2] + a[3] * b[3])

    th = dot4([a + b for a, b in zip(c0, c1)], d01) * jnp.float32(0.5)
    q0 = dot4(c0, d01)
    q1 = dot4(c1, d01)

    zv = jnp.zeros((_L,), jnp.float32)
    one = jnp.float32(1.0)

    m4 = lane < 4
    m8 = lane < 8
    m12 = lane < 12
    p8, p4, p2, p1 = perms[3], perms[2], perms[1], perms[0]
    row_idx = [jnp.full((_L,), 4 * k, jnp.int32) for k in range(4)]

    def gat(v, p):
        return v.at[p].get(mode="promise_in_bounds")

    def make_body(x_v):
        def body(g, carry):
            cnt1, psm, ps1, s1, sall = carry
            r = g * 4
            x = [[x_v[r + k, pl.ds(16 * j, 16)] for j in range(4)]
                 for k in range(4)]
            f = []
            for k in range(4):
                tv = (x[k][0] * d01[0] + x[k][1] * d01[1]
                      + x[k][2] * d01[2] + x[k][3] * d01[3])
                tv = tv + gat(tv, p8)
                f.append(tv + gat(tv, p4))
            u = jnp.where(m4, f[0], jnp.where(m8, f[1],
                                              jnp.where(m12, f[2], f[3])))
            u = u + gat(u, p1)
            t = u + gat(u, p2)
            af = jnp.where(t < th, one, jnp.float32(0.0))
            cnt1 = cnt1 + af
            pm = jnp.minimum(jnp.abs(t - q0), jnp.abs(t - q1))
            psm = psm + pm
            ps1 = ps1 + af * pm
            for k in range(4):
                afk = gat(af, row_idx[k])
                s1 = tuple(s + afk * xv for s, xv in zip(s1, x[k]))
                sall = tuple(s + xv for s, xv in zip(sall, x[k]))
            return cnt1, psm, ps1, s1, sall
        return body

    carry = (zv, zv, zv, (zv, zv, zv, zv), (zv, zv, zv, zv))
    for c in range(_NCH):
        copies[c].wait()
        carry = lax.fori_loop(0, _CH // 4, make_body(bufs[c % 2]), carry)
        if c + 2 < _NCH:
            copies.append(
                pltpu.async_copy(mb_hbm.at[pl.ds(base + (c + 2) * _CH, _CH)],
                                 bufs[c % 2], sems[c % 2]))
    cnt1, psm, ps1, s1, sall = carry

    for j in range(4):
        row_v[pl.ds(16 * j, 16)] = s1[j]
        row_v[pl.ds(64 + 16 * j, 16)] = sall[j]
    row_v[pl.ds(128, 16)] = cnt1
    row_v[pl.ds(144, 16)] = psm
    row_v[pl.ds(160, 16)] = ps1
    pltpu.sync_copy(row_v, out_hbm.at[wid])


_sc_partials = pl.kernel(
    _sc_body,
    out_type=jax.ShapeDtypeStruct((_NW, _PCOLS), jnp.float32),
    mesh=_mesh,
    scratch_types=[
        pltpu.VMEM((_CH, _D), jnp.float32),
        pltpu.VMEM((_CH, _D), jnp.float32),
        pltpu.VMEM((2, _D), jnp.float32),
        pltpu.VMEM((_PCOLS,), jnp.float32),
        pltpu.SemaphoreType.DMA,
        pltpu.SemaphoreType.DMA,
    ],
)


def _finish_body(p_ref, cen_ref, out_ref):
    p = p_ref[...]
    cen = cen_ref[...]
    s1 = jnp.sum(p[:, 0:_D], axis=0)
    sall = jnp.sum(p[:, _D:2 * _D], axis=0)
    cnt1 = jnp.sum(p[:, 128:144]) * 0.25
    psm = jnp.sum(p[:, 144:160]) * 0.25
    ps1 = jnp.sum(p[:, 160:176]) * 0.25
    ps0 = psm - ps1
    s0 = sall - s1
    cnt0 = jnp.float32(_N) - cnt1
    sc0 = jnp.maximum(cnt0, 1.0)
    sc1 = jnp.maximum(cnt1, 1.0)
    m0 = s0 / sc0
    m1 = s1 / sc1
    nc = 0.5 * (jnp.sqrt(jnp.sum((cen[0] - m0) ** 2))
                + jnp.sqrt(jnp.sum((cen[1] - m1) ** 2)))
    d01 = cen[0] - cen[1]
    nrm = jnp.sqrt(jnp.sum(d01 * d01)) + 1e-12
    dc = 0.5 * (ps0 / sc0 + ps1 / sc1) / nrm
    out_ref[...] = jnp.reshape(nc + dc, (1, 1))


_finish = pl.pallas_call(
    _finish_body,
    out_shape=jax.ShapeDtypeStruct((1, 1), jnp.float32),
)


def kernel(minibatch, centers):
    partials = _sc_partials(minibatch, centers)
    return _finish(partials, centers)[0, 0]

# --- scband reference (transcript-rebuilt; emitter-appended) ---
"""Pipeline reference for scband-deep-ect-module-43920335569157 (READ-ONLY COPY).

The authoritative reference and input builder live on the scoring server;
editing this copy changes nothing except your own understanding.
"""

import jax, jax.numpy as jnp
import numpy as np

N = 16384
D = 64
K = 2

def setup_inputs(seed: int = 0) -> dict:
    key = jax.random.key(seed)
    k1, k2 = jax.random.split(key)
    minibatch = jax.random.normal(k1, (N, D), dtype=jnp.float32)
    # learned leaf-node centers (the 'codebook' of the DeepECT cluster tree)
    centers = jax.random.normal(k2, (K, D), dtype=jnp.float32)
    return {"minibatch": minibatch, "centers": centers}

def reference(minibatch, centers):
    # --- assign_to_nodes: cdist + argmin (done under no_grad in torch) ---
    diff = minibatch[:, None, :] - centers[None, :, :]
    dist = jnp.sqrt(jnp.sum(diff * diff, axis=-1) + 1e-12)
    assignments = jnp.argmin(jax.lax.stop_gradient(dist), axis=1)
    onehot = jax.nn.one_hot(assignments, K, dtype=minibatch.dtype)  # [N, K]
    counts = onehot.sum(axis=0)                                     # [K]
    safe_counts = jnp.maximum(counts, 1.0)
    sums = onehot.T @ minibatch                                     # [K, D]
    means = sums / safe_counts[:, None]
    # --- nc_loss: ||center_i - mean(assigned samples)|| averaged over leaves ---
    nc_loss = jnp.mean(jnp.linalg.norm(centers - means, axis=1))
    # --- dc_loss: |projection of (x - center_i) onto direction toward sibling| ---
    d01 = centers[0] - centers[1]
    dirn = d01 / (jnp.linalg.norm(d01) + 1e-12)
    proj0 = jnp.abs((minibatch - centers[0]) @ dirn)
    proj1 = jnp.abs((minibatch - centers[1]) @ (-dirn))
    projs = jnp.stack([proj0, proj1], axis=1)                       # [N, K]
    per_leaf = (onehot * projs).sum(axis=0) / safe_counts
    dc_loss = jnp.mean(per_leaf)
    return nc_loss + dc_loss

if False:  # reference __main__ guard neutralized (emitter)
    out = reference(**setup_inputs())
    print(out)

if __name__ == "__main__":
    import jax
    _d = setup_inputs()
    print(jax.jit(kernel)(*tuple(_d.values())))

</pallas_src>

<mosaic_0001>
#map = affine_map<(d0, d1) -> (0, 0)>
module attributes {stable_mosaic.version = 14 : i64} {
  func.func @_sc_body(%arg0: i32, %arg1: i32, %arg2: memref<16384x64xf32, #tpu.memory_space<hbm>>, %arg3: memref<2x64xf32, #tpu.memory_space<hbm>>, %arg4: memref<32x176xf32, #tpu.memory_space<hbm>>, %arg5: memref<128x64xf32, #tpu.memory_space<vmem>>, %arg6: memref<128x64xf32, #tpu.memory_space<vmem>>, %arg7: memref<2x64xf32, #tpu.memory_space<vmem>>, %arg8: memref<176xf32, #tpu.memory_space<vmem>>, %arg9: memref<!tpu.dma_semaphore, #tpu.memory_space<semaphore_mem>>, %arg10: memref<!tpu.dma_semaphore, #tpu.memory_space<semaphore_mem>>) attributes {dimension_semantics = [#tpu.dimension_semantics<core_parallel>, #tpu.dimension_semantics<subcore_parallel>], iteration_bounds = array<i64: 2, 16>, scalar_prefetch = 0 : i64, scratch_operands = 6 : i64, tpu.core_type = #tpu.core_type<sc_vector_subcore>, window_params = [{transform_indices = #map}, {transform_indices = #map}, {transform_indices = #map}]} {
    %mul3A = arith.constant 16 : i32
    %mul3A_0 = arith.muli %arg0, %mul3A : i32
    %add3A = arith.addi %mul3A_0, %arg1 : i32
    %mul3A_1 = arith.constant 512 : i32
    %mul3A_2 = arith.muli %add3A, %mul3A_1 : i32
    %add3A_3 = arith.constant 0 : i32
    %add3A_4 = arith.addi %mul3A_2, %add3A_3 : i32
    %dma_start3A = arith.constant 0 : i32
    %dma_start3A_5 = tpu.memref_slice %arg2[%add3A_4, %dma_start3A] : memref<16384x64xf32, #tpu.memory_space<hbm>> -> memref<128x64xf32, #tpu.memory_space<hbm>>
    %dma_start3A_6 = arith.constant 0 : i32
    %dma_start3A_7 = tpu.memref_slice %arg2[%add3A_4, %dma_start3A_6] : memref<16384x64xf32, #tpu.memory_space<hbm>> -> memref<128x64xf32, #tpu.memory_space<hbm>>
    tpu.enqueue_dma source(%dma_start3A_7 : memref<128x64xf32, #tpu.memory_space<hbm>>) target(%arg5 : memref<128x64xf32, #tpu.memory_space<vmem>>) target_semaphore(%arg9 : memref<!tpu.dma_semaphore, #tpu.memory_space<semaphore_mem>>)
    %add3A_8 = arith.constant 128 : i32
    %add3A_9 = arith.addi %mul3A_2, %add3A_8 : i32
    %dma_start3A_10 = arith.constant 0 : i32
    %dma_start3A_11 = tpu.memref_slice %arg2[%add3A_9, %dma_start3A_10] : memref<16384x64xf32, #tpu.memory_space<hbm>> -> memref<128x64xf32, #tpu.memory_space<hbm>>
    %dma_start3A_12 = arith.constant 0 : i32
    %dma_start3A_13 = tpu.memref_slice %arg2[%add3A_9, %dma_start3A_12] : memref<16384x64xf32, #tpu.memory_space<hbm>> -> memref<128x64xf32, #tpu.memory_space<hbm>>
    tpu.enqueue_dma source(%dma_start3A_13 : memref<128x64xf32, #tpu.memory_space<hbm>>) target(%arg6 : memref<128x64xf32, #tpu.memory_space<vmem>>) target_semaphore(%arg10 : memref<!tpu.dma_semaphore, #tpu.memory_space<semaphore_mem>>)
    "tpu.region"() ({
      %run_scoped3A = tpu.sem_alloc : memref<!tpu.dma_semaphore, #tpu.memory_space<semaphore_mem>>
      tpu.enqueue_dma source(%arg3 : memref<2x64xf32, #tpu.memory_space<hbm>>) target(%arg7 : memref<2x64xf32, #tpu.memory_space<vmem>>) target_semaphore(%run_scoped3A : memref<!tpu.dma_semaphore, #tpu.memory_space<semaphore_mem>>)
      tpu.wait_dma2 semaphore(%run_scoped3A : memref<!tpu.dma_semaphore, #tpu.memory_space<semaphore_mem>>) src(%arg3 : memref<2x64xf32, #tpu.memory_space<hbm>>) dst(%arg7 : memref<2x64xf32, #tpu.memory_space<vmem>>)
      tpu.yield
    }) : () -> ()
    %iota3A = tpu.iota {dimensions = array<i32: 0>} : vector<16xi32>
    %xor3A = arith.constant 1 : i32
    %xor3A_14 = vector.broadcast %xor3A : i32 to vector<16xi32>
    %xor3A_15 = arith.xori %iota3A, %xor3A_14 : vector<16xi32>
    %xor3A_16 = arith.constant 2 : i32
    %xor3A_17 = vector.broadcast %xor3A_16 : i32 to vector<16xi32>
    %xor3A_18 = arith.xori %iota3A, %xor3A_17 : vector<16xi32>
    %xor3A_19 = arith.constant 4 : i32
    %xor3A_20 = vector.broadcast %xor3A_19 : i32 to vector<16xi32>
    %xor3A_21 = arith.xori %iota3A, %xor3A_20 : vector<16xi32>
    %xor3A_22 = arith.constant 8 : i32
    %xor3A_23 = vector.broadcast %xor3A_22 : i32 to vector<16xi32>
    %xor3A_24 = arith.xori %iota3A, %xor3A_23 : vector<16xi32>
    %get3A = arith.constant 0 : i32
    %get3A_25 = arith.index_cast %get3A : i32 to index
    %get3A_26 = arith.constant 0 : index
    %get3A_27 = tpu.vector_load %arg7[%get3A_25, %get3A_26] {strides = array<i32>} : memref<2x64xf32, #tpu.memory_space<vmem>>, vector<1x16xf32>,
    %get3A_28 = vector.shape_cast %get3A_27 : vector<1x16xf32> to vector<16xf32>
    %get3A_29 = arith.constant 0 : i32
    %get3A_30 = arith.index_cast %get3A_29 : i32 to index
    %get3A_31 = arith.constant 16 : index
    %get3A_32 = tpu.vector_load %arg7[%get3A_30, %get3A_31] {strides = array<i32>} : memref<2x64xf32, #tpu.memory_space<vmem>>, vector<1x16xf32>,
    %get3A_33 = vector.shape_cast %get3A_32 : vector<1x16xf32> to vector<16xf32>
    %get3A_34 = arith.constant 0 : i32
    %get3A_35 = arith.index_cast %get3A_34 : i32 to index
    %get3A_36 = arith.constant 32 : index
    %get3A_37 = tpu.vector_load %arg7[%get3A_35, %get3A_36] {strides = array<i32>} : memref<2x64xf32, #tpu.memory_space<vmem>>, vector<1x16xf32>,
    %get3A_38 = vector.shape_cast %get3A_37 : vector<1x16xf32> to vector<16xf32>
    %get3A_39 = arith.constant 0 : i32
    %get3A_40 = arith.index_cast %get3A_39 : i32 to index
    %get3A_41 = arith.constant 48 : index
    %get3A_42 = tpu.vector_load %arg7[%get3A_40, %get3A_41] {strides = array<i32>} : memref<2x64xf32, #tpu.memory_space<vmem>>, vector<1x16xf32>,
    %get3A_43 = vector.shape_cast %get3A_42 : vector<1x16xf32> to vector<16xf32>
    %get3A_44 = arith.constant 1 : i32
    %get3A_45 = arith.index_cast %get3A_44 : i32 to index
    %get3A_46 = arith.constant 0 : index
    %get3A_47 = tpu.vector_load %arg7[%get3A_45, %get3A_46] {strides = array<i32>} : memref<2x64xf32, #tpu.memory_space<vmem>>, vector<1x16xf32>,
    %get3A_48 = vector.shape_cast %get3A_47 : vector<1x16xf32> to vector<16xf32>
    %get3A_49 = arith.constant 1 : i32
    %get3A_50 = arith.index_cast %get3A_49 : i32 to index
    %get3A_51 = arith.constant 16 : index
    %get3A_52 = tpu.vector_load %arg7[%get3A_50, %get3A_51] {strides = array<i32>} : memref<2x64xf32, #tpu.memory_space<vmem>>, vector<1x16xf32>,
    %get3A_53 = vector.shape_cast %get3A_52 : vector<1x16xf32> to vector<16xf32>
    %get3A_54 = arith.constant 1 : i32
    %get3A_55 = arith.index_cast %get3A_54 : i32 to index
    %get3A_56 = arith.constant 32 : index
    %get3A_57 = tpu.vector_load %arg7[%get3A_55, %get3A_56] {strides = array<i32>} : memref<2x64xf32, #tpu.memory_space<vmem>>, vector<1x16xf32>,
    %get3A_58 = vector.shape_cast %get3A_57 : vector<1x16xf32> to vector<16xf32>
    %get3A_59 = arith.constant 1 : i32
    %get3A_60 = arith.index_cast %get3A_59 : i32 to index
    %get3A_61 = arith.constant 48 : index
    %get3A_62 = tpu.vector_load %arg7[%get3A_60, %get3A_61] {strides = array<i32>} : memref<2x64xf32, #tpu.memory_space<vmem>>, vector<1x16xf32>,
    %get3A_63 = vector.shape_cast %get3A_62 : vector<1x16xf32> to vector<16xf32>
    %sub3A = arith.subf %get3A_28, %get3A_48 : vector<16xf32>
    %sub3A_64 = arith.subf %get3A_33, %get3A_53 : vector<16xf32>
    %sub3A_65 = arith.subf %get3A_38, %get3A_58 : vector<16xf32>
    %sub3A_66 = arith.subf %get3A_43, %get3A_63 : vector<16xf32>
    %add3A_67 = arith.addf %get3A_28, %get3A_48 : vector<16xf32>
    %add3A_68 = arith.addf %get3A_33, %get3A_53 : vector<16xf32>
    %add3A_69 = arith.addf %get3A_38, %get3A_58 : vector<16xf32>
    %add3A_70 = arith.addf %get3A_43, %get3A_63 : vector<16xf32>
    %mul3A_71 = arith.mulf %add3A_67, %sub3A : vector<16xf32>
    %mul3A_72 = arith.mulf %add3A_68, %sub3A_64 : vector<16xf32>
    %add3A_73 = arith.addf %mul3A_71, %mul3A_72 : vector<16xf32>
    %mul3A_74 = arith.mulf %add3A_69, %sub3A_65 : vector<16xf32>
    %add3A_75 = arith.addf %add3A_73, %mul3A_74 : vector<16xf32>
    %mul3A_76 = arith.mulf %add3A_70, %sub3A_66 : vector<16xf32>
    %add3A_77 = arith.addf %add3A_75, %mul3A_76 : vector<16xf32>
    %lt3A = arith.constant 0 : i32
    %lt3A_78 = vector.broadcast %lt3A : i32 to vector<16xi32>
    %lt3A_79 = arith.cmpi slt, %xor3A_15, %lt3A_78 : vector<16xi32>
    %add3A_80 = arith.constant 16 : i32
    %add3A_81 = vector.broadcast %add3A_80 : i32 to vector<16xi32>
    %add3A_82 = arith.addi %xor3A_15, %add3A_81 : vector<16xi32>
    %select_n3A = arith.select %lt3A_79, %add3A_82, %xor3A_15 : vector<16xi1>, vector<16xi32>
    %broadcast_in_dim3A = vector.shape_cast %select_n3A : vector<16xi32> to vector<16x1xi32>
    %gather3A = vector.shape_cast %broadcast_in_dim3A : vector<16x1xi32> to vector<16xi32>
    %gather3A_83 = tpu.dynamic_gather %add3A_77[%gather3A] in [0] : vector<16xf32>, vector<16xi32> -> vector<16xf32>
    %add3A_84 = arith.addf %add3A_77, %gather3A_83 : vector<16xf32>
    %lt3A_85 = arith.constant 0 : i32
    %lt3A_86 = vector.broadcast %lt3A_85 : i32 to vector<16xi32>
    %lt3A_87 = arith.cmpi slt, %xor3A_18, %lt3A_86 : vector<16xi32>
    %add3A_88 = arith.constant 16 : i32
    %add3A_89 = vector.broadcast %add3A_88 : i32 to vector<16xi32>
    %add3A_90 = arith.addi %xor3A_18, %add3A_89 : vector<16xi32>
    %select_n3A_91 = arith.select %lt3A_87, %add3A_90, %xor3A_18 : vector<16xi1>, vector<16xi32>
    %broadcast_in_dim3A_92 = vector.shape_cast %select_n3A_91 : vector<16xi32> to vector<16x1xi32>
    %gather3A_93 = vector.shape_cast %broadcast_in_dim3A_92 : vector<16x1xi32> to vector<16xi32>
    %gather3A_94 = tpu.dynamic_gather %add3A_84[%gather3A_93] in [0] : vector<16xf32>, vector<16xi32> -> vector<16xf32>
    %add3A_95 = arith.addf %add3A_84, %gather3A_94 : vector<16xf32>
    %lt3A_96 = arith.constant 0 : i32
    %lt3A_97 = vector.broadcast %lt3A_96 : i32 to vector<16xi32>
    %lt3A_98 = arith.cmpi slt, %xor3A_21, %lt3A_97 : vector<16xi32>
    %add3A_99 = arith.constant 16 : i32
    %add3A_100 = vector.broadcast %add3A_99 : i32 to vector<16xi32>
    %add3A_101 = arith.addi %xor3A_21, %add3A_100 : vector<16xi32>
    %select_n3A_102 = arith.select %lt3A_98, %add3A_101, %xor3A_21 : vector<16xi1>, vector<16xi32>
    %broadcast_in_dim3A_103 = vector.shape_cast %select_n3A_102 : vector<16xi32> to vector<16x1xi32>
    %gather3A_104 = vector.shape_cast %broadcast_in_dim3A_103 : vector<16x1xi32> to vector<16xi32>
    %gather3A_105 = tpu.dynamic_gather %add3A_95[%gather3A_104] in [0] : vector<16xf32>, vector<16xi32> -> vector<16xf32>
    %add3A_106 = arith.addf %add3A_95, %gather3A_105 : vector<16xf32>
    %lt3A_107 = arith.constant 0 : i32
    %lt3A_108 = vector.broadcast %lt3A_107 : i32 to vector<16xi32>
    %lt3A_109 = arith.cmpi slt, %xor3A_24, %lt3A_108 : vector<16xi32>
    %add3A_110 = arith.constant 16 : i32
    %add3A_111 = vector.broadcast %add3A_110 : i32 to vector<16xi32>
    %add3A_112 = arith.addi %xor3A_24, %add3A_111 : vector<16xi32>
    %select_n3A_113 = arith.select %lt3A_109, %add3A_112, %xor3A_24 : vector<16xi1>, vector<16xi32>
    %broadcast_in_dim3A_114 = vector.shape_cast %select_n3A_113 : vector<16xi32> to vector<16x1xi32>
    %gather3A_115 = vector.shape_cast %broadcast_in_dim3A_114 : vector<16x1xi32> to vector<16xi32>
    %gather3A_116 = tpu.dynamic_gather %add3A_106[%gather3A_115] in [0] : vector<16xf32>, vector<16xi32> -> vector<16xf32>
    %add3A_117 = arith.addf %add3A_106, %gather3A_116 : vector<16xf32>
    %mul3A_118 = arith.constant 5.000000e-01 : f32
    %mul3A_119 = vector.broadcast %mul3A_118 : f32 to vector<16xf32>
    %mul3A_120 = arith.mulf %add3A_117, %mul3A_119 : vector<16xf32>
    %mul3A_121 = arith.mulf %get3A_28, %sub3A : vector<16xf32>
    %mul3A_122 = arith.mulf %get3A_33, %sub3A_64 : vector<16xf32>
    %add3A_123 = arith.addf %mul3A_121, %mul3A_122 : vector<16xf32>
    %mul3A_124 = arith.mulf %get3A_38, %sub3A_65 : vector<16xf32>
    %add3A_125 = arith.addf %add3A_123, %mul3A_124 : vector<16xf32>
    %mul3A_126 = arith.mulf %get3A_43, %sub3A_66 : vector<16xf32>
    %add3A_127 = arith.addf %add3A_125, %mul3A_126 : vector<16xf32>
    %lt3A_128 = arith.constant 0 : i32
    %lt3A_129 = vector.broadcast %lt3A_128 : i32 to vector<16xi32>
    %lt3A_130 = arith.cmpi slt, %xor3A_15, %lt3A_129 : vector<16xi32>
    %add3A_131 = arith.constant 16 : i32
    %add3A_132 = vector.broadcast %add3A_131 : i32 to vector<16xi32>
    %add3A_133 = arith.addi %xor3A_15, %add3A_132 : vector<16xi32>
    %select_n3A_134 = arith.select %lt3A_130, %add3A_133, %xor3A_15 : vector<16xi1>, vector<16xi32>
    %broadcast_in_dim3A_135 = vector.shape_cast %select_n3A_134 : vector<16xi32> to vector<16x1xi32>
    %gather3A_136 = vector.shape_cast %broadcast_in_dim3A_135 : vector<16x1xi32> to vector<16xi32>
    %gather3A_137 = tpu.dynamic_gather %add3A_127[%gather3A_136] in [0] : vector<16xf32>, vector<16xi32> -> vector<16xf32>
    %add3A_138 = arith.addf %add3A_127, %gather3A_137 : vector<16xf32>
    %lt3A_139 = arith.constant 0 : i32
    %lt3A_140 = vector.broadcast %lt3A_139 : i32 to vector<16xi32>
    %lt3A_141 = arith.cmpi slt, %xor3A_18, %lt3A_140 : vector<16xi32>
    %add3A_142 = arith.constant 16 : i32
    %add3A_143 = vector.broadcast %add3A_142 : i32 to vector<16xi32>
    %add3A_144 = arith.addi %xor3A_18, %add3A_143 : vector<16xi32>
    %select_n3A_145 = arith.select %lt3A_141, %add3A_144, %xor3A_18 : vector<16xi1>, vector<16xi32>
    %broadcast_in_dim3A_146 = vector.shape_cast %select_n3A_145 : vector<16xi32> to vector<16x1xi32>
    %gather3A_147 = vector.shape_cast %broadcast_in_dim3A_146 : vector<16x1xi32> to vector<16xi32>
    %gather3A_148 = tpu.dynamic_gather %add3A_138[%gather3A_147] in [0] : vector<16xf32>, vector<16xi32> -> vector<16xf32>
    %add3A_149 = arith.addf %add3A_138, %gather3A_148 : vector<16xf32>
    %lt3A_150 = arith.constant 0 : i32
    %lt3A_151 = vector.broadcast %lt3A_150 : i32 to vector<16xi32>
    %lt3A_152 = arith.cmpi slt, %xor3A_21, %lt3A_151 : vector<16xi32>
    %add3A_153 = arith.constant 16 : i32
    %add3A_154 = vector.broadcast %add3A_153 : i32 to vector<16xi32>
    %add3A_155 = arith.addi %xor3A_21, %add3A_154 : vector<16xi32>
    %select_n3A_156 = arith.select %lt3A_152, %add3A_155, %xor3A_21 : vector<16xi1>, vector<16xi32>
    %broadcast_in_dim3A_157 = vector.shape_cast %select_n3A_156 : vector<16xi32> to vector<16x1xi32>
    %gather3A_158 = vector.shape_cast %broadcast_in_dim3A_157 : vector<16x1xi32> to vector<16xi32>
    %gather3A_159 = tpu.dynamic_gather %add3A_149[%gather3A_158] in [0] : vector<16xf32>, vector<16xi32> -> vector<16xf32>
    %add3A_160 = arith.addf %add3A_149, %gather3A_159 : vector<16xf32>
    %lt3A_161 = arith.constant 0 : i32
    %lt3A_162 = vector.broadcast %lt3A_161 : i32 to vector<16xi32>
    %lt3A_163 = arith.cmpi slt, %xor3A_24, %lt3A_162 : vector<16xi32>
    %add3A_164 = arith.constant 16 : i32
    %add3A_165 = vector.broadcast %add3A_164 : i32 to vector<16xi32>
    %add3A_166 = arith.addi %xor3A_24, %add3A_165 : vector<16xi32>
    %select_n3A_167 = arith.select %lt3A_163, %add3A_166, %xor3A_24 : vector<16xi1>, vector<16xi32>
    %broadcast_in_dim3A_168 = vector.shape_cast %select_n3A_167 : vector<16xi32> to vector<16x1xi32>
    %gather3A_169 = vector.shape_cast %broadcast_in_dim3A_168 : vector<16x1xi32> to vector<16xi32>
    %gather3A_170 = tpu.dynamic_gather %add3A_160[%gather3A_169] in [0] : vector<16xf32>, vector<16xi32> -> vector<16xf32>
    %add3A_171 = arith.addf %add3A_160, %gather3A_170 : vector<16xf32>
    %mul3A_172 = arith.mulf %get3A_48, %sub3A : vector<16xf32>
    %mul3A_173 = arith.mulf %get3A_53, %sub3A_64 : vector<16xf32>
    %add3A_174 = arith.addf %mul3A_172, %mul3A_173 : vector<16xf32>
    %mul3A_175 = arith.mulf %get3A_58, %sub3A_65 : vector<16xf32>
    %add3A_176 = arith.addf %add3A_174, %mul3A_175 : vector<16xf32>
    %mul3A_177 = arith.mulf %get3A_63, %sub3A_66 : vector<16xf32>
    %add3A_178 = arith.addf %add3A_176, %mul3A_177 : vector<16xf32>
    %lt3A_179 = arith.constant 0 : i32
    %lt3A_180 = vector.broadcast %lt3A_179 : i32 to vector<16xi32>
    %lt3A_181 = arith.cmpi slt, %xor3A_15, %lt3A_180 : vector<16xi32>
    %add3A_182 = arith.constant 16 : i32
    %add3A_183 = vector.broadcast %add3A_182 : i32 to vector<16xi32>
    %add3A_184 = arith.addi %xor3A_15, %add3A_183 : vector<16xi32>
    %select_n3A_185 = arith.select %lt3A_181, %add3A_184, %xor3A_15 : vector<16xi1>, vector<16xi32>
    %broadcast_in_dim3A_186 = vector.shape_cast %select_n3A_185 : vector<16xi32> to vector<16x1xi32>
    %gather3A_187 = vector.shape_cast %broadcast_in_dim3A_186 : vector<16x1xi32> to vector<16xi32>
    %gather3A_188 = tpu.dynamic_gather %add3A_178[%gather3A_187] in [0] : vector<16xf32>, vector<16xi32> -> vector<16xf32>
    %add3A_189 = arith.addf %add3A_178, %gather3A_188 : vector<16xf32>
    %lt3A_190 = arith.constant 0 : i32
    %lt3A_191 = vector.broadcast %lt3A_190 : i32 to vector<16xi32>
    %lt3A_192 = arith.cmpi slt, %xor3A_18, %lt3A_191 : vector<16xi32>
    %add3A_193 = arith.constant 16 : i32
    %add3A_194 = vector.broadcast %add3A_193 : i32 to vector<16xi32>
    %add3A_195 = arith.addi %xor3A_18, %add3A_194 : vector<16xi32>
    %select_n3A_196 = arith.select %lt3A_192, %add3A_195, %xor3A_18 : vector<16xi1>, vector<16xi32>
    %broadcast_in_dim3A_197 = vector.shape_cast %select_n3A_196 : vector<16xi32> to vector<16x1xi32>
    %gather3A_198 = vector.shape_cast %broadcast_in_dim3A_197 : vector<16x1xi32> to vector<16xi32>
    %gather3A_199 = tpu.dynamic_gather %add3A_189[%gather3A_198] in [0] : vector<16xf32>, vector<16xi32> -> vector<16xf32>
    %add3A_200 = arith.addf %add3A_189, %gather3A_199 : vector<16xf32>
    %lt3A_201 = arith.constant 0 : i32
    %lt3A_202 = vector.broadcast %lt3A_201 : i32 to vector<16xi32>
    %lt3A_203 = arith.cmpi slt, %xor3A_21, %lt3A_202 : vector<16xi32>
    %add3A_204 = arith.constant 16 : i32
    %add3A_205 = vector.broadcast %add3A_204 : i32 to vector<16xi32>
    %add3A_206 = arith.addi %xor3A_21, %add3A_205 : vector<16xi32>
    %select_n3A_207 = arith.select %lt3A_203, %add3A_206, %xor3A_21 : vector<16xi1>, vector<16xi32>
    %broadcast_in_dim3A_208 = vector.shape_cast %select_n3A_207 : vector<16xi32> to vector<16x1xi32>
    %gather3A_209 = vector.shape_cast %broadcast_in_dim3A_208 : vector<16x1xi32> to vector<16xi32>
    %gather3A_210 = tpu.dynamic_gather %add3A_200[%gather3A_209] in [0] : vector<16xf32>, vector<16xi32> -> vector<16xf32>
    %add3A_211 = arith.addf %add3A_200, %gather3A_210 : vector<16xf32>
    %lt3A_212 = arith.constant 0 : i32
    %lt3A_213 = vector.broadcast %lt3A_212 : i32 to vector<16xi32>
    %lt3A_214 = arith.cmpi slt, %xor3A_24, %lt3A_213 : vector<16xi32>
    %add3A_215 = arith.constant 16 : i32
    %add3A_216 = vector.broadcast %add3A_215 : i32 to vector<16xi32>
    %add3A_217 = arith.addi %xor3A_24, %add3A_216 : vector<16xi32>
    %select_n3A_218 = arith.select %lt3A_214, %add3A_217, %xor3A_24 : vector<16xi1>, vector<16xi32>
    %broadcast_in_dim3A_219 = vector.shape_cast %select_n3A_218 : vector<16xi32> to vector<16x1xi32>
    %gather3A_220 = vector.shape_cast %broadcast_in_dim3A_219 : vector<16x1xi32> to vector<16xi32>
    %gather3A_221 = tpu.dynamic_gather %add3A_211[%gather3A_220] in [0] : vector<16xf32>, vector<16xi32> -> vector<16xf32>
    %add3A_222 = arith.addf %add3A_211, %gather3A_221 : vector<16xf32>
    %broadcast_in_dim3A_223 = arith.constant 0.000000e+00 : f32
    %broadcast_in_dim3A_224 = vector.broadcast %broadcast_in_dim3A_223 : f32 to vector<16xf32>
    %lt3A_225 = arith.constant 4 : i32
    %lt3A_226 = vector.broadcast %lt3A_225 : i32 to vector<16xi32>
    %lt3A_227 = arith.cmpi slt, %iota3A, %lt3A_226 : vector<16xi32>
    %lt3A_228 = arith.constant 8 : i32
    %lt3A_229 = vector.broadcast %lt3A_228 : i32 to vector<16xi32>
    %lt3A_230 = arith.cmpi slt, %iota3A, %lt3A_229 : vector<16xi32>
    %lt3A_231 = arith.constant 12 : i32
    %lt3A_232 = vector.broadcast %lt3A_231 : i32 to vector<16xi32>
    %lt3A_233 = arith.cmpi slt, %iota3A, %lt3A_232 : vector<16xi32>
    %broadcast_in_dim3A_234 = arith.constant 0 : i32
    %broadcast_in_dim3A_235 = vector.broadcast %broadcast_in_dim3A_234 : i32 to vector<16xi32>
    %broadcast_in_dim3A_236 = arith.constant 4 : i32
    %broadcast_in_dim3A_237 = vector.broadcast %broadcast_in_dim3A_236 : i32 to vector<16xi32>
    %broadcast_in_dim3A_238 = arith.constant 8 : i32
    %broadcast_in_dim3A_239 = vector.broadcast %broadcast_in_dim3A_238 : i32 to vector<16xi32>
    %broadcast_in_dim3A_240 = arith.constant 12 : i32
    %broadcast_in_dim3A_241 = vector.broadcast %broadcast_in_dim3A_240 : i32 to vector<16xi32>
    %dma_wait3A = arith.constant 0 : i32
    %dma_wait3A_242 = tpu.memref_slice %arg2[%add3A_4, %dma_wait3A] : memref<16384x64xf32, #tpu.memory_space<hbm>> -> memref<128x64xf32, #tpu.memory_space<hbm>>
    %dma_wait3A_243 = arith.constant 0 : i32
    %dma_wait3A_244 = tpu.memref_slice %arg2[%add3A_4, %dma_wait3A_243] : memref<16384x64xf32, #tpu.memory_space<hbm>> -> memref<128x64xf32, #tpu.memory_space<hbm>>
    tpu.wait_dma2 semaphore(%arg9 : memref<!tpu.dma_semaphore, #tpu.memory_space<semaphore_mem>>) src(%dma_wait3A_244 : memref<128x64xf32, #tpu.memory_space<hbm>>) dst(%arg5 : memref<128x64xf32, #tpu.memory_space<vmem>>)
    %scan3A = arith.constant 1.000000e+00 : f32
    %scan3A_245 = arith.constant 0 : i32
    %scan3A_246 = arith.constant 32 : i32
    %scan3A_247 = arith.addi %scan3A_245, %scan3A_246 : i32
    %scan3A_248 = arith.constant 1 : i32
    %scan3A_249:11 = scf.for %scan3A_339 = %scan3A_245 to %scan3A_247 step %scan3A_248 iter_args(%scan3A_340 = %broadcast_in_dim3A_224, %scan3A_341 = %broadcast_in_dim3A_224, %scan3A_342 = %broadcast_in_dim3A_224, %scan3A_343 = %broadcast_in_dim3A_224, %scan3A_344 = %broadcast_in_dim3A_224, %scan3A_345 = %broadcast_in_dim3A_224, %scan3A_346 = %broadcast_in_dim3A_224, %scan3A_347 = %broadcast_in_dim3A_224, %scan3A_348 = %broadcast_in_dim3A_224, %scan3A_349 = %broadcast_in_dim3A_224, %scan3A_350 = %broadcast_in_dim3A_224) -> (vector<16xf32>, vector<16xf32>, vector<16xf32>, vector<16xf32>, vector<16xf32>, vector<16xf32>, vector<16xf32>, vector<16xf32>, vector<16xf32>, vector<16xf32>, vector<16xf32>)  : i32 {
      %mul3A_351 = arith.constant 4 : i32
      %mul3A_352 = arith.muli %scan3A_339, %mul3A_351 : i32
      %add3A_353 = arith.constant 0 : i32
      %add3A_354 = arith.addi %mul3A_352, %add3A_353 : i32
      %get3A_355 = arith.index_cast %add3A_354 : i32 to index
      %get3A_356 = arith.constant 0 : index
      %get3A_357 = tpu.vector_load %arg5[%get3A_355, %get3A_356] {strides = array<i32>} : memref<128x64xf32, #tpu.memory_space<vmem>>, vector<1x16xf32>,
      %get3A_358 = vector.shape_cast %get3A_357 : vector<1x16xf32> to vector<16xf32>
      %add3A_359 = arith.constant 0 : i32
      %add3A_360 = arith.addi %mul3A_352, %add3A_359 : i32
      %get3A_361 = arith.index_cast %add3A_360 : i32 to index
      %get3A_362 = arith.constant 16 : index
      %get3A_363 = tpu.vector_load %arg5[%get3A_361, %get3A_362] {strides = array<i32>} : memref<128x64xf32, #tpu.memory_space<vmem>>, vector<1x16xf32>,
      %get3A_364 = vector.shape_cast %get3A_363 : vector<1x16xf32> to vector<16xf32>
      %add3A_365 = arith.constant 0 : i32
      %add3A_366 = arith.addi %mul3A_352, %add3A_365 : i32
      %get3A_367 = arith.index_cast %add3A_366 : i32 to index
      %get3A_368 = arith.constant 32 : index
      %get3A_369 = tpu.vector_load %arg5[%get3A_367, %get3A_368] {strides = array<i32>} : memref<128x64xf32, #tpu.memory_space<vmem>>, vector<1x16xf32>,
      %get3A_370 = vector.shape_cast %get3A_369 : vector<1x16xf32> to vector<16xf32>
      %add3A_371 = arith.constant 0 : i32
      %add3A_372 = arith.addi %mul3A_352, %add3A_371 : i32
      %get3A_373 = arith.index_cast %add3A_372 : i32 to index
      %get3A_374 = arith.constant 48 : index
      %get3A_375 = tpu.vector_load %arg5[%get3A_373, %get3A_374] {strides = array<i32>} : memref<128x64xf32, #tpu.memory_space<vmem>>, vector<1x16xf32>,
      %get3A_376 = vector.shape_cast %get3A_375 : vector<1x16xf32> to vector<16xf32>
      %add3A_377 = arith.constant 1 : i32
      %add3A_378 = arith.addi %mul3A_352, %add3A_377 : i32
      %get3A_379 = arith.index_cast %add3A_378 : i32 to index
      %get3A_380 = arith.constant 0 : index
      %get3A_381 = tpu.vector_load %arg5[%get3A_379, %get3A_380] {strides = array<i32>} : memref<128x64xf32, #tpu.memory_space<vmem>>, vector<1x16xf32>,
      %get3A_382 = vector.shape_cast %get3A_381 : vector<1x16xf32> to vector<16xf32>
      %add3A_383 = arith.constant 1 : i32
      %add3A_384 = arith.addi %mul3A_352, %add3A_383 : i32
      %get3A_385 = arith.index_cast %add3A_384 : i32 to index
      %get3A_386 = arith.constant 16 : index
      %get3A_387 = tpu.vector_load %arg5[%get3A_385, %get3A_386] {strides = array<i32>} : memref<128x64xf32, #tpu.memory_space<vmem>>, vector<1x16xf32>,
      %get3A_388 = vector.shape_cast %get3A_387 : vector<1x16xf32> to vector<16xf32>
      %add3A_389 = arith.constant 1 : i32
      %add3A_390 = arith.addi %mul3A_352, %add3A_389 : i32
      %get3A_391 = arith.index_cast %add3A_390 : i32 to index
      %get3A_392 = arith.constant 32 : index
      %get3A_393 = tpu.vector_load %arg5[%get3A_391, %get3A_392] {strides = array<i32>} : memref<128x64xf32, #tpu.memory_space<vmem>>, vector<1x16xf32>,
      %get3A_394 = vector.shape_cast %get3A_393 : vector<1x16xf32> to vector<16xf32>
      %add3A_395 = arith.constant 1 : i32
      %add3A_396 = arith.addi %mul3A_352, %add3A_395 : i32
      %get3A_397 = arith.index_cast %add3A_396 : i32 to index
      %get3A_398 = arith.constant 48 : index
      %get3A_399 = tpu.vector_load %arg5[%get3A_397, %get3A_398] {strides = array<i32>} : memref<128x64xf32, #tpu.memory_space<vmem>>, vector<1x16xf32>,
      %get3A_400 = vector.shape_cast %get3A_399 : vector<1x16xf32> to vector<16xf32>
      %add3A_401 = arith.constant 2 : i32
      %add3A_402 = arith.addi %mul3A_352, %add3A_401 : i32
      %get3A_403 = arith.index_cast %add3A_402 : i32 to index
      %get3A_404 = arith.constant 0 : index
      %get3A_405 = tpu.vector_load %arg5[%get3A_403, %get3A_404] {strides = array<i32>} : memref<128x64xf32, #tpu.memory_space<vmem>>, vector<1x16xf32>,
      %get3A_406 = vector.shape_cast %get3A_405 : vector<1x16xf32> to vector<16xf32>
      %add3A_407 = arith.constant 2 : i32
      %add3A_408 = arith.addi %mul3A_352, %add3A_407 : i32
      %get3A_409 = arith.index_cast %add3A_408 : i32 to index
      %get3A_410 = arith.constant 16 : index
      %get3A_411 = tpu.vector_load %arg5[%get3A_409, %get3A_410] {strides = array<i32>} : memref<128x64xf32, #tpu.memory_space<vmem>>, vector<1x16xf32>,
      %get3A_412 = vector.shape_cast %get3A_411 : vector<1x16xf32> to vector<16xf32>
      %add3A_413 = arith.constant 2 : i32
      %add3A_414 = arith.addi %mul3A_352, %add3A_413 : i32
      %get3A_415 = arith.index_cast %add3A_414 : i32 to index
      %get3A_416 = arith.constant 32 : index
      %get3A_417 = tpu.vector_load %arg5[%get3A_415, %get3A_416] {strides = array<i32>} : memref<128x64xf32, #tpu.memory_space<vmem>>, vector<1x16xf32>,
      %get3A_418 = vector.shape_cast %get3A_417 : vector<1x16xf32> to vector<16xf32>
      %add3A_419 = arith.constant 2 : i32
      %add3A_420 = arith.addi %mul3A_352, %add3A_419 : i32
      %get3A_421 = arith.index_cast %add3A_420 : i32 to index
      %get3A_422 = arith.constant 48 : index
      %get3A_423 = tpu.vector_load %arg5[%get3A_421, %get3A_422] {strides = array<i32>} : memref<128x64xf32, #tpu.memory_space<vmem>>, vector<1x16xf32>,
      %get3A_424 = vector.shape_cast %get3A_423 : vector<1x16xf32> to vector<16xf32>
      %add3A_425 = arith.constant 3 : i32
      %add3A_426 = arith.addi %mul3A_352, %add3A_425 : i32
      %get3A_427 = arith.index_cast %add3A_426 : i32 to index
      %get3A_428 = arith.constant 0 : index
      %get3A_429 = tpu.vector_load %arg5[%get3A_427, %get3A_428] {strides = array<i32>} : memref<128x64xf32, #tpu.memory_space<vmem>>, vector<1x16xf32>,
      %get3A_430 = vector.shape_cast %get3A_429 : vector<1x16xf32> to vector<16xf32>
      %add3A_431 = arith.constant 3 : i32
      %add3A_432 = arith.addi %mul3A_352, %add3A_431 : i32
      %get3A_433 = arith.index_cast %add3A_432 : i32 to index
      %get3A_434 = arith.constant 16 : index
      %get3A_435 = tpu.vector_load %arg5[%get3A_433, %get3A_434] {strides = array<i32>} : memref<128x64xf32, #tpu.memory_space<vmem>>, vector<1x16xf32>,
      %get3A_436 = vector.shape_cast %get3A_435 : vector<1x16xf32> to vector<16xf32>
      %add3A_437 = arith.constant 3 : i32
      %add3A_438 = arith.addi %mul3A_352, %add3A_437 : i32
      %get3A_439 = arith.index_cast %add3A_438 : i32 to index
      %get3A_440 = arith.constant 32 : index
      %get3A_441 = tpu.vector_load %arg5[%get3A_439, %get3A_440] {strides = array<i32>} : memref<128x64xf32, #tpu.memory_space<vmem>>, vector<1x16xf32>,
      %get3A_442 = vector.shape_cast %get3A_441 : vector<1x16xf32> to vector<16xf32>
      %add3A_443 = arith.constant 3 : i32
      %add3A_444 = arith.addi %mul3A_352, %add3A_443 : i32
      %get3A_445 = arith.index_cast %add3A_444 : i32 to index
      %get3A_446 = arith.constant 48 : index
      %get3A_447 = tpu.vector_load %arg5[%get3A_445, %get3A_446] {strides = array<i32>} : memref<128x64xf32, #tpu.memory_space<vmem>>, vector<1x16xf32>,
      %get3A_448 = vector.shape_cast %get3A_447 : vector<1x16xf32> to vector<16xf32>
      %mul3A_449 = arith.mulf %get3A_358, %sub3A : vector<16xf32>
      %mul3A_450 = arith.mulf %get3A_364, %sub3A_64 : vector<16xf32>
      %add3A_451 = arith.addf %mul3A_449, %mul3A_450 : vector<16xf32>
      %mul3A_452 = arith.mulf %get3A_370, %sub3A_65 : vector<16xf32>
      %add3A_453 = arith.addf %add3A_451, %mul3A_452 : vector<16xf32>
      %mul3A_454 = arith.mulf %get3A_376, %sub3A_66 : vector<16xf32>
      %add3A_455 = arith.addf %add3A_453, %mul3A_454 : vector<16xf32>
      %lt3A_456 = arith.constant 0 : i32
      %lt3A_457 = vector.broadcast %lt3A_456 : i32 to vector<16xi32>
      %lt3A_458 = arith.cmpi slt, %xor3A_24, %lt3A_457 : vector<16xi32>
      %add3A_459 = arith.constant 16 : i32
      %add3A_460 = vector.broadcast %add3A_459 : i32 to vector<16xi32>
      %add3A_461 = arith.addi %xor3A_24, %add3A_460 : vector<16xi32>
      %select_n3A_462 = arith.select %lt3A_458, %add3A_461, %xor3A_24 : vector<16xi1>, vector<16xi32>
      %broadcast_in_dim3A_463 = vector.shape_cast %select_n3A_462 : vector<16xi32> to vector<16x1xi32>
      %gather3A_464 = vector.shape_cast %broadcast_in_dim3A_463 : vector<16x1xi32> to vector<16xi32>
      %gather3A_465 = tpu.dynamic_gather %add3A_455[%gather3A_464] in [0] : vector<16xf32>, vector<16xi32> -> vector<16xf32>
      %add3A_466 = arith.addf %add3A_455, %gather3A_465 : vector<16xf32>
      %lt3A_467 = arith.constant 0 : i32
      %lt3A_468 = vector.broadcast %lt3A_467 : i32 to vector<16xi32>
      %lt3A_469 = arith.cmpi slt, %xor3A_21, %lt3A_468 : vector<16xi32>
      %add3A_470 = arith.constant 16 : i32
      %add3A_471 = vector.broadcast %add3A_470 : i32 to vector<16xi32>
      %add3A_472 = arith.addi %xor3A_21, %add3A_471 : vector<16xi32>
      %select_n3A_473 = arith.select %lt3A_469, %add3A_472, %xor3A_21 : vector<16xi1>, vector<16xi32>
      %broadcast_in_dim3A_474 = vector.shape_cast %select_n3A_473 : vector<16xi32> to vector<16x1xi32>
      %gather3A_475 = vector.shape_cast %broadcast_in_dim3A_474 : vector<16x1xi32> to vector<16xi32>
      %gather3A_476 = tpu.dynamic_gather %add3A_466[%gather3A_475] in [0] : vector<16xf32>, vector<16xi32> -> vector<16xf32>
      %add3A_477 = arith.addf %add3A_466, %gather3A_476 : vector<16xf32>
      %mul3A_478 = arith.mulf %get3A_382, %sub3A : vector<16xf32>
      %mul3A_479 = arith.mulf %get3A_388, %sub3A_64 : vector<16xf32>
      %add3A_480 = arith.addf %mul3A_478, %mul3A_479 : vector<16xf32>
      %mul3A_481 = arith.mulf %get3A_394, %sub3A_65 : vector<16xf32>
      %add3A_482 = arith.addf %add3A_480, %mul3A_481 : vector<16xf32>
      %mul3A_483 = arith.mulf %get3A_400, %sub3A_66 : vector<16xf32>
      %add3A_484 = arith.addf %add3A_482, %mul3A_483 : vector<16xf32>
      %lt3A_485 = arith.constant 0 : i32
      %lt3A_486 = vector.broadcast %lt3A_485 : i32 to vector<16xi32>
      %lt3A_487 = arith.cmpi slt, %xor3A_24, %lt3A_486 : vector<16xi32>
      %add3A_488 = arith.constant 16 : i32
      %add3A_489 = vector.broadcast %add3A_488 : i32 to vector<16xi32>
      %add3A_490 = arith.addi %xor3A_24, %add3A_489 : vector<16xi32>
      %select_n3A_491 = arith.select %lt3A_487, %add3A_490, %xor3A_24 : vector<16xi1>, vector<16xi32>
      %broadcast_in_dim3A_492 = vector.shape_cast %select_n3A_491 : vector<16xi32> to vector<16x1xi32>
      %gather3A_493 = vector.shape_cast %broadcast_in_dim3A_492 : vector<16x1xi32> to vector<16xi32>
      %gather3A_494 = tpu.dynamic_gather %add3A_484[%gather3A_493] in [0] : vector<16xf32>, vector<16xi32> -> vector<16xf32>
      %add3A_495 = arith.addf %add3A_484, %gather3A_494 : vector<16xf32>
      %lt3A_496 = arith.constant 0 : i32
      %lt3A_497 = vector.broadcast %lt3A_496 : i32 to vector<16xi32>
      %lt3A_498 = arith.cmpi slt, %xor3A_21, %lt3A_497 : vector<16xi32>
      %add3A_499 = arith.constant 16 : i32
      %add3A_500 = vector.broadcast %add3A_499 : i32 to vector<16xi32>
      %add3A_501 = arith.addi %xor3A_21, %add3A_500 : vector<16xi32>
      %select_n3A_502 = arith.select %lt3A_498, %add3A_501, %xor3A_21 : vector<16xi1>, vector<16xi32>
      %broadcast_in_dim3A_503 = vector.shape_cast %select_n3A_502 : vector<16xi32> to vector<16x1xi32>
      %gather3A_504 = vector.shape_cast %broadcast_in_dim3A_503 : vector<16x1xi32> to vector<16xi32>
      %gather3A_505 = tpu.dynamic_gather %add3A_495[%gather3A_504] in [0] : vector<16xf32>, vector<16xi32> -> vector<16xf32>
      %add3A_506 = arith.addf %add3A_495, %gather3A_505 : vector<16xf32>
      %mul3A_507 = arith.mulf %get3A_406, %sub3A : vector<16xf32>
      %mul3A_508 = arith.mulf %get3A_412, %sub3A_64 : vector<16xf32>
      %add3A_509 = arith.addf %mul3A_507, %mul3A_508 : vector<16xf32>
      %mul3A_510 = arith.mulf %get3A_418, %sub3A_65 : vector<16xf32>
      %add3A_511 = arith.addf %add3A_509, %mul3A_510 : vector<16xf32>
      %mul3A_512 = arith.mulf %get3A_424, %sub3A_66 : vector<16xf32>
      %add3A_513 = arith.addf %add3A_511, %mul3A_512 : vector<16xf32>
      %lt3A_514 = arith.constant 0 : i32
      %lt3A_515 = vector.broadcast %lt3A_514 : i32 to vector<16xi32>
      %lt3A_516 = arith.cmpi slt, %xor3A_24, %lt3A_515 : vector<16xi32>
      %add3A_517 = arith.constant 16 : i32
      %add3A_518 = vector.broadcast %add3A_517 : i32 to vector<16xi32>
      %add3A_519 = arith.addi %xor3A_24, %add3A_518 : vector<16xi32>
      %select_n3A_520 = arith.select %lt3A_516, %add3A_519, %xor3A_24 : vector<16xi1>, vector<16xi32>
      %broadcast_in_dim3A_521 = vector.shape_cast %select_n3A_520 : vector<16xi32> to vector<16x1xi32>
      %gather3A_522 = vector.shape_cast %broadcast_in_dim3A_521 : vector<16x1xi32> to vector<16xi32>
      %gather3A_523 = tpu.dynamic_gather %add3A_513[%gather3A_522] in [0] : vector<16xf32>, vector<16xi32> -> vector<16xf32>
      %add3A_524 = arith.addf %add3A_513, %gather3A_523 : vector<16xf32>
      %lt3A_525 = arith.constant 0 : i32
      %lt3A_526 = vector.broadcast %lt3A_525 : i32 to vector<16xi32>
      %lt3A_527 = arith.cmpi slt, %xor3A_21, %lt3A_526 : vector<16xi32>
      %add3A_528 = arith.constant 16 : i32
      %add3A_529 = vector.broadcast %add3A_528 : i32 to vector<16xi32>
      %add3A_530 = arith.addi %xor3A_21, %add3A_529 : vector<16xi32>
      %select_n3A_531 = arith.select %lt3A_527, %add3A_530, %xor3A_21 : vector<16xi1>, vector<16xi32>
      %broadcast_in_dim3A_532 = vector.shape_cast %select_n3A_531 : vector<16xi32> to vector<16x1xi32>
      %gather3A_533 = vector.shape_cast %broadcast_in_dim3A_532 : vector<16x1xi32> to vector<16xi32>
      %gather3A_534 = tpu.dynamic_gather %add3A_524[%gather3A_533] in [0] : vector<16xf32>, vector<16xi32> -> vector<16xf32>
      %add3A_535 = arith.addf %add3A_524, %gather3A_534 : vector<16xf32>
      %mul3A_536 = arith.mulf %get3A_430, %sub3A : vector<16xf32>
      %mul3A_537 = arith.mulf %get3A_436, %sub3A_64 : vector<16xf32>
      %add3A_538 = arith.addf %mul3A_536, %mul3A_537 : vector<16xf32>
      %mul3A_539 = arith.mulf %get3A_442, %sub3A_65 : vector<16xf32>
      %add3A_540 = arith.addf %add3A_538, %mul3A_539 : vector<16xf32>
      %mul3A_541 = arith.mulf %get3A_448, %sub3A_66 : vector<16xf32>
      %add3A_542 = arith.addf %add3A_540, %mul3A_541 : vector<16xf32>
      %lt3A_543 = arith.constant 0 : i32
      %lt3A_544 = vector.broadcast %lt3A_543 : i32 to vector<16xi32>
      %lt3A_545 = arith.cmpi slt, %xor3A_24, %lt3A_544 : vector<16xi32>
      %add3A_546 = arith.constant 16 : i32
      %add3A_547 = vector.broadcast %add3A_546 : i32 to vector<16xi32>
      %add3A_548 = arith.addi %xor3A_24, %add3A_547 : vector<16xi32>
      %select_n3A_549 = arith.select %lt3A_545, %add3A_548, %xor3A_24 : vector<16xi1>, vector<16xi32>
      %broadcast_in_dim3A_550 = vector.shape_cast %select_n3A_549 : vector<16xi32> to vector<16x1xi32>
      %gather3A_551 = vector.shape_cast %broadcast_in_dim3A_550 : vector<16x1xi32> to vector<16xi32>
      %gather3A_552 = tpu.dynamic_gather %add3A_542[%gather3A_551] in [0] : vector<16xf32>, vector<16xi32> -> vector<16xf32>
      %add3A_553 = arith.addf %add3A_542, %gather3A_552 : vector<16xf32>
      %lt3A_554 = arith.constant 0 : i32
      %lt3A_555 = vector.broadcast %lt3A_554 : i32 to vector<16xi32>
      %lt3A_556 = arith.cmpi slt, %xor3A_21, %lt3A_555 : vector<16xi32>
      %add3A_557 = arith.constant 16 : i32
      %add3A_558 = vector.broadcast %add3A_557 : i32 to vector<16xi32>
      %add3A_559 = arith.addi %xor3A_21, %add3A_558 : vector<16xi32>
      %select_n3A_560 = arith.select %lt3A_556, %add3A_559, %xor3A_21 : vector<16xi1>, vector<16xi32>
      %broadcast_in_dim3A_561 = vector.shape_cast %select_n3A_560 : vector<16xi32> to vector<16x1xi32>
      %gather3A_562 = vector.shape_cast %broadcast_in_dim3A_561 : vector<16x1xi32> to vector<16xi32>
      %gather3A_563 = tpu.dynamic_gather %add3A_553[%gather3A_562] in [0] : vector<16xf32>, vector<16xi32> -> vector<16xf32>
      %add3A_564 = arith.addf %add3A_553, %gather3A_563 : vector<16xf32>
      %select_n3A_565 = arith.select %lt3A_233, %add3A_535, %add3A_564 : vector<16xi1>, vector<16xf32>
      %select_n3A_566 = arith.select %lt3A_230, %add3A_506, %select_n3A_565 : vector<16xi1>, vector<16xf32>
      %select_n3A_567 = arith.select %lt3A_227, %add3A_477, %select_n3A_566 : vector<16xi1>, vector<16xf32>
      %lt3A_568 = arith.constant 0 : i32
      %lt3A_569 = vector.broadcast %lt3A_568 : i32 to vector<16xi32>
      %lt3A_570 = arith.cmpi slt, %xor3A_15, %lt3A_569 : vector<16xi32>
      %add3A_571 = arith.constant 16 : i32
      %add3A_572 = vector.broadcast %add3A_571 : i32 to vector<16xi32>
      %add3A_573 = arith.addi %xor3A_15, %add3A_572 : vector<16xi32>
      %select_n3A_574 = arith.select %lt3A_570, %add3A_573, %xor3A_15 : vector<16xi1>, vector<16xi32>
      %broadcast_in_dim3A_575 = vector.shape_cast %select_n3A_574 : vector<16xi32> to vector<16x1xi32>
      %gather3A_576 = vector.shape_cast %broadcast_in_dim3A_575 : vector<16x1xi32> to vector<16xi32>
      %gather3A_577 = tpu.dynamic_gather %select_n3A_567[%gather3A_576] in [0] : vector<16xf32>, vector<16xi32> -> vector<16xf32>
      %add3A_578 = arith.addf %select_n3A_567, %gather3A_577 : vector<16xf32>
      %lt3A_579 = arith.constant 0 : i32
      %lt3A_580 = vector.broadcast %lt3A_579 : i32 to vector<16xi32>
      %lt3A_581 = arith.cmpi slt, %xor3A_18, %lt3A_580 : vector<16xi32>
      %add3A_582 = arith.constant 16 : i32
      %add3A_583 = vector.broadcast %add3A_582 : i32 to vector<16xi32>
      %add3A_584 = arith.addi %xor3A_18, %add3A_583 : vector<16xi32>
      %select_n3A_585 = arith.select %lt3A_581, %add3A_584, %xor3A_18 : vector<16xi1>, vector<16xi32>
      %broadcast_in_dim3A_586 = vector.shape_cast %select_n3A_585 : vector<16xi32> to vector<16x1xi32>
      %gather3A_587 = vector.shape_cast %broadcast_in_dim3A_586 : vector<16x1xi32> to vector<16xi32>
      %gather3A_588 = tpu.dynamic_gather %add3A_578[%gather3A_587] in [0] : vector<16xf32>, vector<16xi32> -> vector<16xf32>
      %add3A_589 = arith.addf %add3A_578, %gather3A_588 : vector<16xf32>
      %lt3A_590 = arith.cmpf olt, %add3A_589, %mul3A_120 : vector<16xf32>
      %jit3A = arith.constant 0.000000e+00 : f32
      %broadcast_in_dim3A_591 = vector.broadcast %scan3A : f32 to vector<16xf32>
      %broadcast_in_dim3A_592 = vector.broadcast %jit3A : f32 to vector<16xf32>
      %select_n3A_593 = arith.select %lt3A_590, %broadcast_in_dim3A_591, %broadcast_in_dim3A_592 : vector<16xi1>, vector<16xf32>
      %add3A_594 = arith.addf %scan3A_340, %select_n3A_593 : vector<16xf32>
      %sub3A_595 = arith.subf %add3A_589, %add3A_171 : vector<16xf32>
      %abs3A = math.absf %sub3A_595 : vector<16xf32>
      %sub3A_596 = arith.subf %add3A_589, %add3A_222 : vector<16xf32>
      %abs3A_597 = math.absf %sub3A_596 : vector<16xf32>
      %min3A = arith.minimumf %abs3A, %abs3A_597 : vector<16xf32>
      %add3A_598 = arith.addf %scan3A_341, %min3A : vector<16xf32>
      %mul3A_599 = arith.mulf %select_n3A_593, %min3A : vector<16xf32>
      %add3A_600 = arith.addf %scan3A_342, %mul3A_599 : vector<16xf32>
      %lt3A_601 = arith.constant 0 : i32
      %lt3A_602 = vector.broadcast %lt3A_601 : i32 to vector<16xi32>
      %lt3A_603 = arith.cmpi slt, %broadcast_in_dim3A_235, %lt3A_602 : vector<16xi32>
      %add3A_604 = arith.constant 16 : i32
      %add3A_605 = vector.broadcast %add3A_604 : i32 to vector<16xi32>
      %add3A_606 = arith.addi %broadcast_in_dim3A_235, %add3A_605 : vector<16xi32>
      %select_n3A_607 = arith.select %lt3A_603, %add3A_606, %broadcast_in_dim3A_235 : vector<16xi1>, vector<16xi32>
      %broadcast_in_dim3A_608 = vector.shape_cast %select_n3A_607 : vector<16xi32> to vector<16x1xi32>
      %gather3A_609 = vector.shape_cast %broadcast_in_dim3A_608 : vector<16x1xi32> to vector<16xi32>
      %gather3A_610 = tpu.dynamic_gather %select_n3A_593[%gather3A_609] in [0] : vector<16xf32>, vector<16xi32> -> vector<16xf32>
      %mul3A_611 = arith.mulf %gather3A_610, %get3A_358 : vector<16xf32>
      %add3A_612 = arith.addf %scan3A_343, %mul3A_611 : vector<16xf32>
      %mul3A_613 = arith.mulf %gather3A_610, %get3A_364 : vector<16xf32>
      %add3A_614 = arith.addf %scan3A_344, %mul3A_613 : vector<16xf32>
      %mul3A_615 = arith.mulf %gather3A_610, %get3A_370 : vector<16xf32>
      %add3A_616 = arith.addf %scan3A_345, %mul3A_615 : vector<16xf32>
      %mul3A_617 = arith.mulf %gather3A_610, %get3A_376 : vector<16xf32>
      %add3A_618 = arith.addf %scan3A_346, %mul3A_617 : vector<16xf32>
      %add3A_619 = arith.addf %scan3A_347, %get3A_358 : vector<16xf32>
      %add3A_620 = arith.addf %scan3A_348, %get3A_364 : vector<16xf32>
      %add3A_621 = arith.addf %scan3A_349, %get3A_370 : vector<16xf32>
      %add3A_622 = arith.addf %scan3A_350, %get3A_376 : vector<16xf32>
      %lt3A_623 = arith.constant 0 : i32
      %lt3A_624 = vector.broadcast %lt3A_623 : i32 to vector<16xi32>
      %lt3A_625 = arith.cmpi slt, %broadcast_in_dim3A_237, %lt3A_624 : vector<16xi32>
      %add3A_626 = arith.constant 16 : i32
      %add3A_627 = vector.broadcast %add3A_626 : i32 to vector<16xi32>
      %add3A_628 = arith.addi %broadcast_in_dim3A_237, %add3A_627 : vector<16xi32>
      %select_n3A_629 = arith.select %lt3A_625, %add3A_628, %broadcast_in_dim3A_237 : vector<16xi1>, vector<16xi32>
      %broadcast_in_dim3A_630 = vector.shape_cast %select_n3A_629 : vector<16xi32> to vector<16x1xi32>
      %gather3A_631 = vector.shape_cast %broadcast_in_dim3A_630 : vector<16x1xi32> to vector<16xi32>
      %gather3A_632 = tpu.dynamic_gather %select_n3A_593[%gather3A_631] in [0] : vector<16xf32>, vector<16xi32> -> vector<16xf32>
      %mul3A_633 = arith.mulf %gather3A_632, %get3A_382 : vector<16xf32>
      %add3A_634 = arith.addf %add3A_612, %mul3A_633 : vector<16xf32>
      %mul3A_635 = arith.mulf %gather3A_632, %get3A_388 : vector<16xf32>
      %add3A_636 = arith.addf %add3A_614, %mul3A_635 : vector<16xf32>
      %mul3A_637 = arith.mulf %gather3A_632, %get3A_394 : vector<16xf32>
      %add3A_638 = arith.addf %add3A_616, %mul3A_637 : vector<16xf32>
      %mul3A_639 = arith.mulf %gather3A_632, %get3A_400 : vector<16xf32>
      %add3A_640 = arith.addf %add3A_618, %mul3A_639 : vector<16xf32>
      %add3A_641 = arith.addf %add3A_619, %get3A_382 : vector<16xf32>
      %add3A_642 = arith.addf %add3A_620, %get3A_388 : vector<16xf32>
      %add3A_643 = arith.addf %add3A_621, %get3A_394 : vector<16xf32>
      %add3A_644 = arith.addf %add3A_622, %get3A_400 : vector<16xf32>
      %lt3A_645 = arith.constant 0 : i32
      %lt3A_646 = vector.broadcast %lt3A_645 : i32 to vector<16xi32>
      %lt3A_647 = arith.cmpi slt, %broadcast_in_dim3A_239, %lt3A_646 : vector<16xi32>
      %add3A_648 = arith.constant 16 : i32
      %add3A_649 = vector.broadcast %add3A_648 : i32 to vector<16xi32>
      %add3A_650 = arith.addi %broadcast_in_dim3A_239, %add3A_649 : vector<16xi32>
      %select_n3A_651 = arith.select %lt3A_647, %add3A_650, %broadcast_in_dim3A_239 : vector<16xi1>, vector<16xi32>
      %broadcast_in_dim3A_652 = vector.shape_cast %select_n3A_651 : vector<16xi32> to vector<16x1xi32>
      %gather3A_653 = vector.shape_cast %broadcast_in_dim3A_652 : vector<16x1xi32> to vector<16xi32>
      %gather3A_654 = tpu.dynamic_gather %select_n3A_593[%gather3A_653] in [0] : vector<16xf32>, vector<16xi32> -> vector<16xf32>
      %mul3A_655 = arith.mulf %gather3A_654, %get3A_406 : vector<16xf32>
      %add3A_656 = arith.addf %add3A_634, %mul3A_655 : vector<16xf32>
      %mul3A_657 = arith.mulf %gather3A_654, %get3A_412 : vector<16xf32>
      %add3A_658 = arith.addf %add3A_636, %mul3A_657 : vector<16xf32>
      %mul3A_659 = arith.mulf %gather3A_654, %get3A_418 : vector<16xf32>
      %add3A_660 = arith.addf %add3A_638, %mul3A_659 : vector<16xf32>
      %mul3A_661 = arith.mulf %gather3A_654, %get3A_424 : vector<16xf32>
      %add3A_662 = arith.addf %add3A_640, %mul3A_661 : vector<16xf32>
      %add3A_663 = arith.addf %add3A_641, %get3A_406 : vector<16xf32>
      %add3A_664 = arith.addf %add3A_642, %get3A_412 : vector<16xf32>
      %add3A_665 = arith.addf %add3A_643, %get3A_418 : vector<16xf32>
      %add3A_666 = arith.addf %add3A_644, %get3A_424 : vector<16xf32>
      %lt3A_667 = arith.constant 0 : i32
      %lt3A_668 = vector.broadcast %lt3A_667 : i32 to vector<16xi32>
      %lt3A_669 = arith.cmpi slt, %broadcast_in_dim3A_241, %lt3A_668 : vector<16xi32>
      %add3A_670 = arith.constant 16 : i32
      %add3A_671 = vector.broadcast %add3A_670 : i32 to vector<16xi32>
      %add3A_672 = arith.addi %broadcast_in_dim3A_241, %add3A_671 : vector<16xi32>
      %select_n3A_673 = arith.select %lt3A_669, %add3A_672, %broadcast_in_dim3A_241 : vector<16xi1>, vector<16xi32>
      %broadcast_in_dim3A_674 = vector.shape_cast %select_n3A_673 : vector<16xi32> to vector<16x1xi32>
      %gather3A_675 = vector.shape_cast %broadcast_in_dim3A_674 : vector<16x1xi32> to vector<16xi32>
      %gather3A_676 = tpu.dynamic_gather %select_n3A_593[%gather3A_675] in [0] : vector<16xf32>, vector<16xi32> -> vector<16xf32>
      %mul3A_677 = arith.mulf %gather3A_676, %get3A_430 : vector<16xf32>
      %add3A_678 = arith.addf %add3A_656, %mul3A_677 : vector<16xf32>
      %mul3A_679 = arith.mulf %gather3A_676, %get3A_436 : vector<16xf32>
      %add3A_680 = arith.addf %add3A_658, %mul3A_679 : vector<16xf32>
      %mul3A_681 = arith.mulf %gather3A_676, %get3A_442 : vector<16xf32>
      %add3A_682 = arith.addf %add3A_660, %mul3A_681 : vector<16xf32>
      %mul3A_683 = arith.mulf %gather3A_676, %get3A_448 : vector<16xf32>
      %add3A_684 = arith.addf %add3A_662, %mul3A_683 : vector<16xf32>
      %add3A_685 = arith.addf %add3A_663, %get3A_430 : vector<16xf32>
      %add3A_686 = arith.addf %add3A_664, %get3A_436 : vector<16xf32>
      %add3A_687 = arith.addf %add3A_665, %get3A_442 : vector<16xf32>
      %add3A_688 = arith.addf %add3A_666, %get3A_448 : vector<16xf32>
      scf.yield %add3A_594, %add3A_598, %add3A_600, %add3A_678, %add3A_680, %add3A_682, %add3A_684, %add3A_685, %add3A_686, %add3A_687, %add3A_688 : vector<16xf32>, vector<16xf32>, vector<16xf32>, vector<16xf32>, vector<16xf32>, vector<16xf32>, vector<16xf32>, vector<16xf32>, vector<16xf32>, vector<16xf32>, vector<16xf32>
    }
    %scan3A_250 = arith.constant 32 : i32
    %add3A_251 = arith.constant 256 : i32
    %add3A_252 = arith.addi %mul3A_2, %add3A_251 : i32
    %dma_start3A_253 = arith.constant 0 : i32
    %dma_start3A_254 = tpu.memref_slice %arg2[%add3A_252, %dma_start3A_253] : memref<16384x64xf32, #tpu.memory_space<hbm>> -> memref<128x64xf32, #tpu.memory_space<hbm>>
    %dma_start3A_255 = arith.constant 0 : i32
    %dma_start3A_256 = tpu.memref_slice %arg2[%add3A_252, %dma_start3A_255] : memref<16384x64xf32, #tpu.memory_space<hbm>> -> memref<128x64xf32, #tpu.memory_space<hbm>>
    tpu.enqueue_dma source(%dma_start3A_256 : memref<128x64xf32, #tpu.memory_space<hbm>>) target(%arg5 : memref<128x64xf32, #tpu.memory_space<vmem>>) target_semaphore(%arg9 : memref<!tpu.dma_semaphore, #tpu.memory_space<semaphore_mem>>)
    %dma_wait3A_257 = arith.constant 0 : i32
    %dma_wait3A_258 = tpu.memref_slice %arg2[%add3A_9, %dma_wait3A_257] : memref<16384x64xf32, #tpu.memory_space<hbm>> -> memref<128x64xf32, #tpu.memory_space<hbm>>
    %dma_wait3A_259 = arith.constant 0 : i32
    %dma_wait3A_260 = tpu.memref_slice %arg2[%add3A_9, %dma_wait3A_259] : memref<16384x64xf32, #tpu.memory_space<hbm>> -> memref<128x64xf32, #tpu.memory_space<hbm>>
    tpu.wait_dma2 semaphore(%arg10 : memref<!tpu.dma_semaphore, #tpu.memory_space<semaphore_mem>>) src(%dma_wait3A_260 : memref<128x64xf32, #tpu.memory_space<hbm>>) dst(%arg6 : memref<128x64xf32, #tpu.memory_space<vmem>>)
    %scan3A_261 = arith.constant 1.000000e+00 : f32
    %scan3A_262 = arith.constant 0 : i32
    %scan3A_263 = arith.constant 32 : i32
    %scan3A_264 = arith.addi %scan3A_262, %scan3A_263 : i32
    %scan3A_265 = arith.constant 1 : i32
    %scan3A_266:11 = scf.for %scan3A_339 = %scan3A_262 to %scan3A_264 step %scan3A_265 iter_args(%scan3A_340 = %scan3A_249#0, %scan3A_341 = %scan3A_249#1, %scan3A_342 = %scan3A_249#2, %scan3A_343 = %scan3A_249#3, %scan3A_344 = %scan3A_249#4, %scan3A_345 = %scan3A_249#5, %scan3A_346 = %scan3A_249#6, %scan3A_347 = %scan3A_249#7, %scan3A_348 = %scan3A_249#8, %scan3A_349 = %scan3A_249#9, %scan3A_350 = %scan3A_249#10) -> (vector<16xf32>, vector<16xf32>, vector<16xf32>, vector<16xf32>, vector<16xf32>, vector<16xf32>, vector<16xf32>, vector<16xf32>, vector<16xf32>, vector<16xf32>, vector<16xf32>)  : i32 {
      %mul3A_351 = arith.constant 4 : i32
      %mul3A_352 = arith.muli %scan3A_339, %mul3A_351 : i32
      %add3A_353 = arith.constant 0 : i32
      %add3A_354 = arith.addi %mul3A_352, %add3A_353 : i32
      %get3A_355 = arith.index_cast %add3A_354 : i32 to index
      %get3A_356 = arith.constant 0 : index
      %get3A_357 = tpu.vector_load %arg6[%get3A_355, %get3A_356] {strides = array<i32>} : memref<128x64xf32, #tpu.memory_space<vmem>>, vector<1x16xf32>,
      %get3A_358 = vector.shape_cast %get3A_357 : vector<1x16xf32> to vector<16xf32>
      %add3A_359 = arith.constant 0 : i32
      %add3A_360 = arith.addi %mul3A_352, %add3A_359 : i32
      %get3A_361 = arith.index_cast %add3A_360 : i32 to index
      %get3A_362 = arith.constant 16 : index
      %get3A_363 = tpu.vector_load %arg6[%get3A_361, %get3A_362] {strides = array<i32>} : memref<128x64xf32, #tpu.memory_space<vmem>>, vector<1x16xf32>,
      %get3A_364 = vector.shape_cast %get3A_363 : vector<1x16xf32> to vector<16xf32>
      %add3A_365 = arith.constant 0 : i32
      %add3A_366 = arith.addi %mul3A_352, %add3A_365 : i32
      %get3A_367 = arith.index_cast %add3A_366 : i32 to index
      %get3A_368 = arith.constant 32 : index
      %get3A_369 = tpu.vector_load %arg6[%get3A_367, %get3A_368] {strides = array<i32>} : memref<128x64xf32, #tpu.memory_space<vmem>>, vector<1x16xf32>,
      %get3A_370 = vector.shape_cast %get3A_369 : vector<1x16xf32> to vector<16xf32>
      %add3A_371 = arith.constant 0 : i32
      %add3A_372 = arith.addi %mul3A_352, %add3A_371 : i32
      %get3A_373 = arith.index_cast %add3A_372 : i32 to index
      %get3A_374 = arith.constant 48 : index
      %get3A_375 = tpu.vector_load %arg6[%get3A_373, %get3A_374] {strides = array<i32>} : memref<128x64xf32, #tpu.memory_space<vmem>>, vector<1x16xf32>,
      %get3A_376 = vector.shape_cast %get3A_375 : vector<1x16xf32> to vector<16xf32>
      %add3A_377 = arith.constant 1 : i32
      %add3A_378 = arith.addi %mul3A_352, %add3A_377 : i32
      %get3A_379 = arith.index_cast %add3A_378 : i32 to index
      %get3A_380 = arith.constant 0 : index
      %get3A_381 = tpu.vector_load %arg6[%get3A_379, %get3A_380] {strides = array<i32>} : memref<128x64xf32, #tpu.memory_space<vmem>>, vector<1x16xf32>,
      %get3A_382 = vector.shape_cast %get3A_381 : vector<1x16xf32> to vector<16xf32>
      %add3A_383 = arith.constant 1 : i32
      %add3A_384 = arith.addi %mul3A_352, %add3A_383 : i32
      %get3A_385 = arith.index_cast %add3A_384 : i32 to index
      %get3A_386 = arith.constant 16 : index
      %get3A_387 = tpu.vector_load %arg6[%get3A_385, %get3A_386] {strides = array<i32>} : memref<128x64xf32, #tpu.memory_space<vmem>>, vector<1x16xf32>,
      %get3A_388 = vector.shape_cast %get3A_387 : vector<1x16xf32> to vector<16xf32>
      %add3A_389 = arith.constant 1 : i32
      %add3A_390 = arith.addi %mul3A_352, %add3A_389 : i32
      %get3A_391 = arith.index_cast %add3A_390 : i32 to index
      %get3A_392 = arith.constant 32 : index
      %get3A_393 = tpu.vector_load %arg6[%get3A_391, %get3A_392] {strides = array<i32>} : memref<128x64xf32, #tpu.memory_space<vmem>>, vector<1x16xf32>,
      %get3A_394 = vector.shape_cast %get3A_393 : vector<1x16xf32> to vector<16xf32>
      %add3A_395 = arith.constant 1 : i32
      %add3A_396 = arith.addi %mul3A_352, %add3A_395 : i32
      %get3A_397 = arith.index_cast %add3A_396 : i32 to index
      %get3A_398 = arith.constant 48 : index
      %get3A_399 = tpu.vector_load %arg6[%get3A_397, %get3A_398] {strides = array<i32>} : memref<128x64xf32, #tpu.memory_space<vmem>>, vector<1x16xf32>,
      %get3A_400 = vector.shape_cast %get3A_399 : vector<1x16xf32> to vector<16xf32>
      %add3A_401 = arith.constant 2 : i32
      %add3A_402 = arith.addi %mul3A_352, %add3A_401 : i32
      %get3A_403 = arith.index_cast %add3A_402 : i32 to index
      %get3A_404 = arith.constant 0 : index
      %get3A_405 = tpu.vector_load %arg6[%get3A_403, %get3A_404] {strides = array<i32>} : memref<128x64xf32, #tpu.memory_space<vmem>>, vector<1x16xf32>,
      %get3A_406 = vector.shape_cast %get3A_405 : vector<1x16xf32> to vector<16xf32>
      %add3A_407 = arith.constant 2 : i32
      %add3A_408 = arith.addi %mul3A_352, %add3A_407 : i32
      %get3A_409 = arith.index_cast %add3A_408 : i32 to index
      %get3A_410 = arith.constant 16 : index
      %get3A_411 = tpu.vector_load %arg6[%get3A_409, %get3A_410] {strides = array<i32>} : memref<128x64xf32, #tpu.memory_space<vmem>>, vector<1x16xf32>,
      %get3A_412 = vector.shape_cast %get3A_411 : vector<1x16xf32> to vector<16xf32>
      %add3A_413 = arith.constant 2 : i32
      %add3A_414 = arith.addi %mul3A_352, %add3A_413 : i32
      %get3A_415 = arith.index_cast %add3A_414 : i32 to index
      %get3A_416 = arith.constant 32 : index
      %get3A_417 = tpu.vector_load %arg6[%get3A_415, %get3A_416] {strides = array<i32>} : memref<128x64xf32, #tpu.memory_space<vmem>>, vector<1x16xf32>,
      %get3A_418 = vector.shape_cast %get3A_417 : vector<1x16xf32> to vector<16xf32>
      %add3A_419 = arith.constant 2 : i32
      %add3A_420 = arith.addi %mul3A_352, %add3A_419 : i32
      %get3A_421 = arith.index_cast %add3A_420 : i32 to index
      %get3A_422 = arith.constant 48 : index
      %get3A_423 = tpu.vector_load %arg6[%get3A_421, %get3A_422] {strides = array<i32>} : memref<128x64xf32, #tpu.memory_space<vmem>>, vector<1x16xf32>,
      %get3A_424 = vector.shape_cast %get3A_423 : vector<1x16xf32> to vector<16xf32>
      %add3A_425 = arith.constant 3 : i32
      %add3A_426 = arith.addi %mul3A_352, %add3A_425 : i32
      %get3A_427 = arith.index_cast %add3A_426 : i32 to index
      %get3A_428 = arith.constant 0 : index
      %get3A_429 = tpu.vector_load %arg6[%get3A_427, %get3A_428] {strides = array<i32>} : memref<128x64xf32, #tpu.memory_space<vmem>>, vector<1x16xf32>,
      %get3A_430 = vector.shape_cast %get3A_429 : vector<1x16xf32> to vector<16xf32>
      %add3A_431 = arith.constant 3 : i32
      %add3A_432 = arith.addi %mul3A_352, %add3A_431 : i32
      %get3A_433 = arith.index_cast %add3A_432 : i32 to index
      %get3A_434 = arith.constant 16 : index
      %get3A_435 = tpu.vector_load %arg6[%get3A_433, %get3A_434] {strides = array<i32>} : memref<128x64xf32, #tpu.memory_space<vmem>>, vector<1x16xf32>,
      %get3A_436 = vector.shape_cast %get3A_435 : vector<1x16xf32> to vector<16xf32>
      %add3A_437 = arith.constant 3 : i32
      %add3A_438 = arith.addi %mul3A_352, %add3A_437 : i32
      %get3A_439 = arith.index_cast %add3A_438 : i32 to index
      %get3A_440 = arith.constant 32 : index
      %get3A_441 = tpu.vector_load %arg6[%get3A_439, %get3A_440] {strides = array<i32>} : memref<128x64xf32, #tpu.memory_space<vmem>>, vector<1x16xf32>,
      %get3A_442 = vector.shape_cast %get3A_441 : vector<1x16xf32> to vector<16xf32>
      %add3A_443 = arith.constant 3 : i32
      %add3A_444 = arith.addi %mul3A_352, %add3A_443 : i32
      %get3A_445 = arith.index_cast %add3A_444 : i32 to index
      %get3A_446 = arith.constant 48 : index
      %get3A_447 = tpu.vector_load %arg6[%get3A_445, %get3A_446] {strides = array<i32>} : memref<128x64xf32, #tpu.memory_space<vmem>>, vector<1x16xf32>,
      %get3A_448 = vector.shape_cast %get3A_447 : vector<1x16xf32> to vector<16xf32>
      %mul3A_449 = arith.mulf %get3A_358, %sub3A : vector<16xf32>
      %mul3A_450 = arith.mulf %get3A_364, %sub3A_64 : vector<16xf32>
      %add3A_451 = arith.addf %mul3A_449, %mul3A_450 : vector<16xf32>
      %mul3A_452 = arith.mulf %get3A_370, %sub3A_65 : vector<16xf32>
      %add3A_453 = arith.addf %add3A_451, %mul3A_452 : vector<16xf32>
      %mul3A_454 = arith.mulf %get3A_376, %sub3A_66 : vector<16xf32>
      %add3A_455 = arith.addf %add3A_453, %mul3A_454 : vector<16xf32>
      %lt3A_456 = arith.constant 0 : i32
      %lt3A_457 = vector.broadcast %lt3A_456 : i32 to vector<16xi32>
      %lt3A_458 = arith.cmpi slt, %xor3A_24, %lt3A_457 : vector<16xi32>
      %add3A_459 = arith.constant 16 : i32
      %add3A_460 = vector.broadcast %add3A_459 : i32 to vector<16xi32>
      %add3A_461 = arith.addi %xor3A_24, %add3A_460 : vector<16xi32>
      %select_n3A_462 = arith.select %lt3A_458, %add3A_461, %xor3A_24 : vector<16xi1>, vector<16xi32>
      %broadcast_in_dim3A_463 = vector.shape_cast %select_n3A_462 : vector<16xi32> to vector<16x1xi32>
      %gather3A_464 = vector.shape_cast %broadcast_in_dim3A_463 : vector<16x1xi32> to vector<16xi32>
      %gather3A_465 = tpu.dynamic_gather %add3A_455[%gather3A_464] in [0] : vector<16xf32>, vector<16xi32> -> vector<16xf32>
      %add3A_466 = arith.addf %add3A_455, %gather3A_465 : vector<16xf32>
      %lt3A_467 = arith.constant 0 : i32
      %lt3A_468 = vector.broadcast %lt3A_467 : i32 to vector<16xi32>
      %lt3A_469 = arith.cmpi slt, %xor3A_21, %lt3A_468 : vector<16xi32>
      %add3A_470 = arith.constant 16 : i32
      %add3A_471 = vector.broadcast %add3A_470 : i32 to vector<16xi32>
      %add3A_472 = arith.addi %xor3A_21, %add3A_471 : vector<16xi32>
      %select_n3A_473 = arith.select %lt3A_469, %add3A_472, %xor3A_21 : vector<16xi1>, vector<16xi32>
      %broadcast_in_dim3A_474 = vector.shape_cast %select_n3A_473 : vector<16xi32> to vector<16x1xi32>
      %gather3A_475 = vector.shape_cast %broadcast_in_dim3A_474 : vector<16x1xi32> to vector<16xi32>
      %gather3A_476 = tpu.dynamic_gather %add3A_466[%gather3A_475] in [0] : vector<16xf32>, vector<16xi32> -> vector<16xf32>
      %add3A_477 = arith.addf %add3A_466, %gather3A_476 : vector<16xf32>
      %mul3A_478 = arith.mulf %get3A_382, %sub3A : vector<16xf32>
      %mul3A_479 = arith.mulf %get3A_388, %sub3A_64 : vector<16xf32>
      %add3A_480 = arith.addf %mul3A_478, %mul3A_479 : vector<16xf32>
      %mul3A_481 = arith.mulf %get3A_394, %sub3A_65 : vector<16xf32>
      %add3A_482 = arith.addf %add3A_480, %mul3A_481 : vector<16xf32>
      %mul3A_483 = arith.mulf %get3A_400, %sub3A_66 : vector<16xf32>
      %add3A_484 = arith.addf %add3A_482, %mul3A_483 : vector<16xf32>
      %lt3A_485 = arith.constant 0 : i32
      %lt3A_486 = vector.broadcast %lt3A_485 : i32 to vector<16xi32>
      %lt3A_487 = arith.cmpi slt, %xor3A_24, %lt3A_486 : vector<16xi32>
      %add3A_488 = arith.constant 16 : i32
      %add3A_489 = vector.broadcast %add3A_488 : i32 to vector<16xi32>
      %add3A_490 = arith.addi %xor3A_24, %add3A_489 : vector<16xi32>
      %select_n3A_491 = arith.select %lt3A_487, %add3A_490, %xor3A_24 : vector<16xi1>, vector<16xi32>
      %broadcast_in_dim3A_492 = vector.shape_cast %select_n3A_491 : vector<16xi32> to vector<16x1xi32>
      %gather3A_493 = vector.shape_cast %broadcast_in_dim3A_492 : vector<16x1xi32> to vector<16xi32>
      %gather3A_494 = tpu.dynamic_gather %add3A_484[%gather3A_493] in [0] : vector<16xf32>, vector<16xi32> -> vector<16xf32>
      %add3A_495 = arith.addf %add3A_484, %gather3A_494 : vector<16xf32>
      %lt3A_496 = arith.constant 0 : i32
      %lt3A_497 = vector.broadcast %lt3A_496 : i32 to vector<16xi32>
      %lt3A_498 = arith.cmpi slt, %xor3A_21, %lt3A_497 : vector<16xi32>
      %add3A_499 = arith.constant 16 : i32
      %add3A_500 = vector.broadcast %add3A_499 : i32 to vector<16xi32>
      %add3A_501 = arith.addi %xor3A_21, %add3A_500 : vector<16xi32>
      %select_n3A_502 = arith.select %lt3A_498, %add3A_501, %xor3A_21 : vector<16xi1>, vector<16xi32>
      %broadcast_in_dim3A_503 = vector.shape_cast %select_n3A_502 : vector<16xi32> to vector<16x1xi32>
      %gather3A_504 = vector.shape_cast %broadcast_in_dim3A_503 : vector<16x1xi32> to vector<16xi32>
      %gather3A_505 = tpu.dynamic_gather %add3A_495[%gather3A_504] in [0] : vector<16xf32>, vector<16xi32> -> vector<16xf32>
      %add3A_506 = arith.addf %add3A_495, %gather3A_505 : vector<16xf32>
      %mul3A_507 = arith.mulf %get3A_406, %sub3A : vector<16xf32>
      %mul3A_508 = arith.mulf %get3A_412, %sub3A_64 : vector<16xf32>
      %add3A_509 = arith.addf %mul3A_507, %mul3A_508 : vector<16xf32>
      %mul3A_510 = arith.mulf %get3A_418, %sub3A_65 : vector<16xf32>
      %add3A_511 = arith.addf %add3A_509, %mul3A_510 : vector<16xf32>
      %mul3A_512 = arith.mulf %get3A_424, %sub3A_66 : vector<16xf32>
      %add3A_513 = arith.addf %add3A_511, %mul3A_512 : vector<16xf32>
      %lt3A_514 = arith.constant 0 : i32
      %lt3A_515 = vector.broadcast %lt3A_514 : i32 to vector<16xi32>
      %lt3A_516 = arith.cmpi slt, %xor3A_24, %lt3A_515 : vector<16xi32>
      %add3A_517 = arith.constant 16 : i32
      %add3A_518 = vector.broadcast %add3A_517 : i32 to vector<16xi32>
      %add3A_519 = arith.addi %xor3A_24, %add3A_518 : vector<16xi32>
      %select_n3A_520 = arith.select %lt3A_516, %add3A_519, %xor3A_24 : vector<16xi1>, vector<16xi32>
      %broadcast_in_dim3A_521 = vector.shape_cast %select_n3A_520 : vector<16xi32> to vector<16x1xi32>
      %gather3A_522 = vector.shape_cast %broadcast_in_dim3A_521 : vector<16x1xi32> to vector<16xi32>
      %gather3A_523 = tpu.dynamic_gather %add3A_513[%gather3A_522] in [0] : vector<16xf32>, vector<16xi32> -> vector<16xf32>
      %add3A_524 = arith.addf %add3A_513, %gather3A_523 : vector<16xf32>
      %lt3A_525 = arith.constant 0 : i32
      %lt3A_526 = vector.broadcast %lt3A_525 : i32 to vector<16xi32>
      %lt3A_527 = arith.cmpi slt, %xor3A_21, %lt3A_526 : vector<16xi32>
      %add3A_528 = arith.constant 16 : i32
      %add3A_529 = vector.broadcast %add3A_528 : i32 to vector<16xi32>
      %add3A_530 = arith.addi %xor3A_21, %add3A_529 : vector<16xi32>
      %select_n3A_531 = arith.select %lt3A_527, %add3A_530, %xor3A_21 : vector<16xi1>, vector<16xi32>
      %broadcast_in_dim3A_532 = vector.shape_cast %select_n3A_531 : vector<16xi32> to vector<16x1xi32>
      %gather3A_533 = vector.shape_cast %broadcast_in_dim3A_532 : vector<16x1xi32> to vector<16xi32>
      %gather3A_534 = tpu.dynamic_gather %add3A_524[%gather3A_533] in [0] : vector<16xf32>, vector<16xi32> -> vector<16xf32>
      %add3A_535 = arith.addf %add3A_524, %gather3A_534 : vector<16xf32>
      %mul3A_536 = arith.mulf %get3A_430, %sub3A : vector<16xf32>
      %mul3A_537 = arith.mulf %get3A_436, %sub3A_64 : vector<16xf32>
      %add3A_538 = arith.addf %mul3A_536, %mul3A_537 : vector<16xf32>
      %mul3A_539 = arith.mulf %get3A_442, %sub3A_65 : vector<16xf32>
      %add3A_540 = arith.addf %add3A_538, %mul3A_539 : vector<16xf32>
      %mul3A_541 = arith.mulf %get3A_448, %sub3A_66 : vector<16xf32>
      %add3A_542 = arith.addf %add3A_540, %mul3A_541 : vector<16xf32>
      %lt3A_543 = arith.constant 0 : i32
      %lt3A_544 = vector.broadcast %lt3A_543 : i32 to vector<16xi32>
      %lt3A_545 = arith.cmpi slt, %xor3A_24, %lt3A_544 : vector<16xi32>
      %add3A_546 = arith.constant 16 : i32
      %add3A_547 = vector.broadcast %add3A_546 : i32 to vector<16xi32>
      %add3A_548 = arith.addi %xor3A_24, %add3A_547 : vector<16xi32>
      %select_n3A_549 = arith.select %lt3A_545, %add3A_548, %xor3A_24 : vector<16xi1>, vector<16xi32>
      %broadcast_in_dim3A_550 = vector.shape_cast %select_n3A_549 : vector<16xi32> to vector<16x1xi32>
      %gather3A_551 = vector.shape_cast %broadcast_in_dim3A_550 : vector<16x1xi32> to vector<16xi32>
      %gather3A_552 = tpu.dynamic_gather %add3A_542[%gather3A_551] in [0] : vector<16xf32>, vector<16xi32> -> vector<16xf32>
      %add3A_553 = arith.addf %add3A_542, %gather3A_552 : vector<16xf32>
      %lt3A_554 = arith.constant 0 : i32
      %lt3A_555 = vector.broadcast %lt3A_554 : i32 to vector<16xi32>
      %lt3A_556 = arith.cmpi slt, %xor3A_21, %lt3A_555 : vector<16xi32>
      %add3A_557 = arith.constant 16 : i32
      %add3A_558 = vector.broadcast %add3A_557 : i32 to vector<16xi32>
      %add3A_559 = arith.addi %xor3A_21, %add3A_558 : vector<16xi32>
      %select_n3A_560 = arith.select %lt3A_556, %add3A_559, %xor3A_21 : vector<16xi1>, vector<16xi32>
      %broadcast_in_dim3A_561 = vector.shape_cast %select_n3A_560 : vector<16xi32> to vector<16x1xi32>
      %gather3A_562 = vector.shape_cast %broadcast_in_dim3A_561 : vector<16x1xi32> to vector<16xi32>
      %gather3A_563 = tpu.dynamic_gather %add3A_553[%gather3A_562] in [0] : vector<16xf32>, vector<16xi32> -> vector<16xf32>
      %add3A_564 = arith.addf %add3A_553, %gather3A_563 : vector<16xf32>
      %select_n3A_565 = arith.select %lt3A_233, %add3A_535, %add3A_564 : vector<16xi1>, vector<16xf32>
      %select_n3A_566 = arith.select %lt3A_230, %add3A_506, %select_n3A_565 : vector<16xi1>, vector<16xf32>
      %select_n3A_567 = arith.select %lt3A_227, %add3A_477, %select_n3A_566 : vector<16xi1>, vector<16xf32>
      %lt3A_568 = arith.constant 0 : i32
      %lt3A_569 = vector.broadcast %lt3A_568 : i32 to vector<16xi32>
      %lt3A_570 = arith.cmpi slt, %xor3A_15, %lt3A_569 : vector<16xi32>
      %add3A_571 = arith.constant 16 : i32
      %add3A_572 = vector.broadcast %add3A_571 : i32 to vector<16xi32>
      %add3A_573 = arith.addi %xor3A_15, %add3A_572 : vector<16xi32>
      %select_n3A_574 = arith.select %lt3A_570, %add3A_573, %xor3A_15 : vector<16xi1>, vector<16xi32>
      %broadcast_in_dim3A_575 = vector.shape_cast %select_n3A_574 : vector<16xi32> to vector<16x1xi32>
      %gather3A_576 = vector.shape_cast %broadcast_in_dim3A_575 : vector<16x1xi32> to vector<16xi32>
      %gather3A_577 = tpu.dynamic_gather %select_n3A_567[%gather3A_576] in [0] : vector<16xf32>, vector<16xi32> -> vector<16xf32>
      %add3A_578 = arith.addf %select_n3A_567, %gather3A_577 : vector<16xf32>
      %lt3A_579 = arith.constant 0 : i32
      %lt3A_580 = vector.broadcast %lt3A_579 : i32 to vector<16xi32>
      %lt3A_581 = arith.cmpi slt, %xor3A_18, %lt3A_580 : vector<16xi32>
      %add3A_582 = arith.constant 16 : i32
      %add3A_583 = vector.broadcast %add3A_582 : i32 to vector<16xi32>
      %add3A_584 = arith.addi %xor3A_18, %add3A_583 : vector<16xi32>
      %select_n3A_585 = arith.select %lt3A_581, %add3A_584, %xor3A_18 : vector<16xi1>, vector<16xi32>
      %broadcast_in_dim3A_586 = vector.shape_cast %select_n3A_585 : vector<16xi32> to vector<16x1xi32>
      %gather3A_587 = vector.shape_cast %broadcast_in_dim3A_586 : vector<16x1xi32> to vector<16xi32>
      %gather3A_588 = tpu.dynamic_gather %add3A_578[%gather3A_587] in [0] : vector<16xf32>, vector<16xi32> -> vector<16xf32>
      %add3A_589 = arith.addf %add3A_578, %gather3A_588 : vector<16xf32>
      %lt3A_590 = arith.cmpf olt, %add3A_589, %mul3A_120 : vector<16xf32>
      %jit3A = arith.constant 0.000000e+00 : f32
      %broadcast_in_dim3A_591 = vector.broadcast %scan3A_261 : f32 to vector<16xf32>
      %broadcast_in_dim3A_592 = vector.broadcast %jit3A : f32 to vector<16xf32>
      %select_n3A_593 = arith.select %lt3A_590, %broadcast_in_dim3A_591, %broadcast_in_dim3A_592 : vector<16xi1>, vector<16xf32>
      %add3A_594 = arith.addf %scan3A_340, %select_n3A_593 : vector<16xf32>
      %sub3A_595 = arith.subf %add3A_589, %add3A_171 : vector<16xf32>
      %abs3A = math.absf %sub3A_595 : vector<16xf32>
      %sub3A_596 = arith.subf %add3A_589, %add3A_222 : vector<16xf32>
      %abs3A_597 = math.absf %sub3A_596 : vector<16xf32>
      %min3A = arith.minimumf %abs3A, %abs3A_597 : vector<16xf32>
      %add3A_598 = arith.addf %scan3A_341, %min3A : vector<16xf32>
      %mul3A_599 = arith.mulf %select_n3A_593, %min3A : vector<16xf32>
      %add3A_600 = arith.addf %scan3A_342, %mul3A_599 : vector<16xf32>
      %lt3A_601 = arith.constant 0 : i32
      %lt3A_602 = vector.broadcast %lt3A_601 : i32 to vector<16xi32>
      %lt3A_603 = arith.cmpi slt, %broadcast_in_dim3A_235, %lt3A_602 : vector<16xi32>
      %add3A_604 = arith.constant 16 : i32
      %add3A_605 = vector.broadcast %add3A_604 : i32 to vector<16xi32>
      %add3A_606 = arith.addi %broadcast_in_dim3A_235, %add3A_605 : vector<16xi32>
      %select_n3A_607 = arith.select %lt3A_603, %add3A_606, %broadcast_in_dim3A_235 : vector<16xi1>, vector<16xi32>
      %broadcast_in_dim3A_608 = vector.shape_cast %select_n3A_607 : vector<16xi32> to vector<16x1xi32>
      %gather3A_609 = vector.shape_cast %broadcast_in_dim3A_608 : vector<16x1xi32> to vector<16xi32>
      %gather3A_610 = tpu.dynamic_gather %select_n3A_593[%gather3A_609] in [0] : vector<16xf32>, vector<16xi32> -> vector<16xf32>
      %mul3A_611 = arith.mulf %gather3A_610, %get3A_358 : vector<16xf32>
      %add3A_612 = arith.addf %scan3A_343, %mul3A_611 : vector<16xf32>
      %mul3A_613 = arith.mulf %gather3A_610, %get3A_364 : vector<16xf32>
      %add3A_614 = arith.addf %scan3A_344, %mul3A_613 : vector<16xf32>
      %mul3A_615 = arith.mulf %gather3A_610, %get3A_370 : vector<16xf32>
      %add3A_616 = arith.addf %scan3A_345, %mul3A_615 : vector<16xf32>
      %mul3A_617 = arith.mulf %gather3A_610, %get3A_376 : vector<16xf32>
      %add3A_618 = arith.addf %scan3A_346, %mul3A_617 : vector<16xf32>
      %add3A_619 = arith.addf %scan3A_347, %get3A_358 : vector<16xf32>
      %add3A_620 = arith.addf %scan3A_348, %get3A_364 : vector<16xf32>
      %add3A_621 = arith.addf %scan3A_349, %get3A_370 : vector<16xf32>
      %add3A_622 = arith.addf %scan3A_350, %get3A_376 : vector<16xf32>
      %lt3A_623 = arith.constant 0 : i32
      %lt3A_624 = vector.broadcast %lt3A_623 : i32 to vector<16xi32>
      %lt3A_625 = arith.cmpi slt, %broadcast_in_dim3A_237, %lt3A_624 : vector<16xi32>
      %add3A_626 = arith.constant 16 : i32
      %add3A_627 = vector.broadcast %add3A_626 : i32 to vector<16xi32>
      %add3A_628 = arith.addi %broadcast_in_dim3A_237, %add3A_627 : vector<16xi32>
      %select_n3A_629 = arith.select %lt3A_625, %add3A_628, %broadcast_in_dim3A_237 : vector<16xi1>, vector<16xi32>
      %broadcast_in_dim3A_630 = vector.shape_cast %select_n3A_629 : vector<16xi32> to vector<16x1xi32>
      %gather3A_631 = vector.shape_cast %broadcast_in_dim3A_630 : vector<16x1xi32> to vector<16xi32>
      %gather3A_632 = tpu.dynamic_gather %select_n3A_593[%gather3A_631] in [0] : vector<16xf32>, vector<16xi32> -> vector<16xf32>
      %mul3A_633 = arith.mulf %gather3A_632, %get3A_382 : vector<16xf32>
      %add3A_634 = arith.addf %add3A_612, %mul3A_633 : vector<16xf32>
      %mul3A_635 = arith.mulf %gather3A_632, %get3A_388 : vector<16xf32>
      %add3A_636 = arith.addf %add3A_614, %mul3A_635 : vector<16xf32>
      %mul3A_637 = arith.mulf %gather3A_632, %get3A_394 : vector<16xf32>
      %add3A_638 = arith.addf %add3A_616, %mul3A_637 : vector<16xf32>
      %mul3A_639 = arith.mulf %gather3A_632, %get3A_400 : vector<16xf32>
      %add3A_640 = arith.addf %add3A_618, %mul3A_639 : vector<16xf32>
      %add3A_641 = arith.addf %add3A_619, %get3A_382 : vector<16xf32>
      %add3A_642 = arith.addf %add3A_620, %get3A_388 : vector<16xf32>
      %add3A_643 = arith.addf %add3A_621, %get3A_394 : vector<16xf32>
      %add3A_644 = arith.addf %add3A_622, %get3A_400 : vector<16xf32>
      %lt3A_645 = arith.constant 0 : i32
      %lt3A_646 = vector.broadcast %lt3A_645 : i32 to vector<16xi32>
      %lt3A_647 = arith.cmpi slt, %broadcast_in_dim3A_239, %lt3A_646 : vector<16xi32>
      %add3A_648 = arith.constant 16 : i32
      %add3A_649 = vector.broadcast %add3A_648 : i32 to vector<16xi32>
      %add3A_650 = arith.addi %broadcast_in_dim3A_239, %add3A_649 : vector<16xi32>
      %select_n3A_651 = arith.select %lt3A_647, %add3A_650, %broadcast_in_dim3A_239 : vector<16xi1>, vector<16xi32>
      %broadcast_in_dim3A_652 = vector.shape_cast %select_n3A_651 : vector<16xi32> to vector<16x1xi32>
      %gather3A_653 = vector.shape_cast %broadcast_in_dim3A_652 : vector<16x1xi32> to vector<16xi32>
      %gather3A_654 = tpu.dynamic_gather %select_n3A_593[%gather3A_653] in [0] : vector<16xf32>, vector<16xi32> -> vector<16xf32>
      %mul3A_655 = arith.mulf %gather3A_654, %get3A_406 : vector<16xf32>
      %add3A_656 = arith.addf %add3A_634, %mul3A_655 : vector<16xf32>
      %mul3A_657 = arith.mulf %gather3A_654, %get3A_412 : vector<16xf32>
      %add3A_658 = arith.addf %add3A_636, %mul3A_657 : vector<16xf32>
      %mul3A_659 = arith.mulf %gather3A_654, %get3A_418 : vector<16xf32>
      %add3A_660 = arith.addf %add3A_638, %mul3A_659 : vector<16xf32>
      %mul3A_661 = arith.mulf %gather3A_654, %get3A_424 : vector<16xf32>
      %add3A_662 = arith.addf %add3A_640, %mul3A_661 : vector<16xf32>
      %add3A_663 = arith.addf %add3A_641, %get3A_406 : vector<16xf32>
      %add3A_664 = arith.addf %add3A_642, %get3A_412 : vector<16xf32>
      %add3A_665 = arith.addf %add3A_643, %get3A_418 : vector<16xf32>
      %add3A_666 = arith.addf %add3A_644, %get3A_424 : vector<16xf32>
      %lt3A_667 = arith.constant 0 : i32
      %lt3A_668 = vector.broadcast %lt3A_667 : i32 to vector<16xi32>
      %lt3A_669 = arith.cmpi slt, %broadcast_in_dim3A_241, %lt3A_668 : vector<16xi32>
      %add3A_670 = arith.constant 16 : i32
      %add3A_671 = vector.broadcast %add3A_670 : i32 to vector<16xi32>
      %add3A_672 = arith.addi %broadcast_in_dim3A_241, %add3A_671 : vector<16xi32>
      %select_n3A_673 = arith.select %lt3A_669, %add3A_672, %broadcast_in_dim3A_241 : vector<16xi1>, vector<16xi32>
      %broadcast_in_dim3A_674 = vector.shape_cast %select_n3A_673 : vector<16xi32> to vector<16x1xi32>
      %gather3A_675 = vector.shape_cast %broadcast_in_dim3A_674 : vector<16x1xi32> to vector<16xi32>
      %gather3A_676 = tpu.dynamic_gather %select_n3A_593[%gather3A_675] in [0] : vector<16xf32>, vector<16xi32> -> vector<16xf32>
      %mul3A_677 = arith.mulf %gather3A_676, %get3A_430 : vector<16xf32>
      %add3A_678 = arith.addf %add3A_656, %mul3A_677 : vector<16xf32>
      %mul3A_679 = arith.mulf %gather3A_676, %get3A_436 : vector<16xf32>
      %add3A_680 = arith.addf %add3A_658, %mul3A_679 : vector<16xf32>
      %mul3A_681 = arith.mulf %gather3A_676, %get3A_442 : vector<16xf32>
      %add3A_682 = arith.addf %add3A_660, %mul3A_681 : vector<16xf32>
      %mul3A_683 = arith.mulf %gather3A_676, %get3A_448 : vector<16xf32>
      %add3A_684 = arith.addf %add3A_662, %mul3A_683 : vector<16xf32>
      %add3A_685 = arith.addf %add3A_663, %get3A_430 : vector<16xf32>
      %add3A_686 = arith.addf %add3A_664, %get3A_436 : vector<16xf32>
      %add3A_687 = arith.addf %add3A_665, %get3A_442 : vector<16xf32>
      %add3A_688 = arith.addf %add3A_666, %get3A_448 : vector<16xf32>
      scf.yield %add3A_594, %add3A_598, %add3A_600, %add3A_678, %add3A_680, %add3A_682, %add3A_684, %add3A_685, %add3A_686, %add3A_687, %add3A_688 : vector<16xf32>, vector<16xf32>, vector<16xf32>, vector<16xf32>, vector<16xf32>, vector<16xf32>, vector<16xf32>, vector<16xf32>, vector<16xf32>, vector<16xf32>, vector<16xf32>
    }
    %scan3A_267 = arith.constant 32 : i32
    %add3A_268 = arith.constant 384 : i32
    %add3A_269 = arith.addi %mul3A_2, %add3A_268 : i32
    %dma_start3A_270 = arith.constant 0 : i32
    %dma_start3A_271 = tpu.memref_slice %arg2[%add3A_269, %dma_start3A_270] : memref<16384x64xf32, #tpu.memory_space<hbm>> -> memref<128x64xf32, #tpu.memory_space<hbm>>
    %dma_start3A_272 = arith.constant 0 : i32
    %dma_start3A_273 = tpu.memref_slice %arg2[%add3A_269, %dma_start3A_272] : memref<16384x64xf32, #tpu.memory_space<hbm>> -> memref<128x64xf32, #tpu.memory_space<hbm>>
    tpu.enqueue_dma source(%dma_start3A_273 : memref<128x64xf32, #tpu.memory_space<hbm>>) target(%arg6 : memref<128x64xf32, #tpu.memory_space<vmem>>) target_semaphore(%arg10 : memref<!tpu.dma_semaphore, #tpu.memory_space<semaphore_mem>>)
    %dma_wait3A_274 = arith.constant 0 : i32
    %dma_wait3A_275 = tpu.memref_slice %arg2[%add3A_252, %dma_wait3A_274] : memref<16384x64xf32, #tpu.memory_space<hbm>> -> memref<128x64xf32, #tpu.memory_space<hbm>>
    %dma_wait3A_276 = arith.constant 0 : i32
    %dma_wait3A_277 = tpu.memref_slice %arg2[%add3A_252, %dma_wait3A_276] : memref<16384x64xf32, #tpu.memory_space<hbm>> -> memref<128x64xf32, #tpu.memory_space<hbm>>
    tpu.wait_dma2 semaphore(%arg9 : memref<!tpu.dma_semaphore, #tpu.memory_space<semaphore_mem>>) src(%dma_wait3A_277 : memref<128x64xf32, #tpu.memory_space<hbm>>) dst(%arg5 : memref<128x64xf32, #tpu.memory_space<vmem>>)
    %scan3A_278 = arith.constant 1.000000e+00 : f32
    %scan3A_279 = arith.constant 0 : i32
    %scan3A_280 = arith.constant 32 : i32
    %scan3A_281 = arith.addi %scan3A_279, %scan3A_280 : i32
    %scan3A_282 = arith.constant 1 : i32
    %scan3A_283:11 = scf.for %scan3A_339 = %scan3A_279 to %scan3A_281 step %scan3A_282 iter_args(%scan3A_340 = %scan3A_266#0, %scan3A_341 = %scan3A_266#1, %scan3A_342 = %scan3A_266#2, %scan3A_343 = %scan3A_266#3, %scan3A_344 = %scan3A_266#4, %scan3A_345 = %scan3A_266#5, %scan3A_346 = %scan3A_266#6, %scan3A_347 = %scan3A_266#7, %scan3A_348 = %scan3A_266#8, %scan3A_349 = %scan3A_266#9, %scan3A_350 = %scan3A_266#10) -> (vector<16xf32>, vector<16xf32>, vector<16xf32>, vector<16xf32>, vector<16xf32>, vector<16xf32>, vector<16xf32>, vector<16xf32>, vector<16xf32>, vector<16xf32>, vector<16xf32>)  : i32 {
      %mul3A_351 = arith.constant 4 : i32
      %mul3A_352 = arith.muli %scan3A_339, %mul3A_351 : i32
      %add3A_353 = arith.constant 0 : i32
      %add3A_354 = arith.addi %mul3A_352, %add3A_353 : i32
      %get3A_355 = arith.index_cast %add3A_354 : i32 to index
      %get3A_356 = arith.constant 0 : index
      %get3A_357 = tpu.vector_load %arg5[%get3A_355, %get3A_356] {strides = array<i32>} : memref<128x64xf32, #tpu.memory_space<vmem>>, vector<1x16xf32>,
      %get3A_358 = vector.shape_cast %get3A_357 : vector<1x16xf32> to vector<16xf32>
      %add3A_359 = arith.constant 0 : i32
      %add3A_360 = arith.addi %mul3A_352, %add3A_359 : i32
      %get3A_361 = arith.index_cast %add3A_360 : i32 to index
      %get3A_362 = arith.constant 16 : index
      %get3A_363 = tpu.vector_load %arg5[%get3A_361, %get3A_362] {strides = array<i32>} : memref<128x64xf32, #tpu.memory_space<vmem>>, vector<1x16xf32>,
      %get3A_364 = vector.shape_cast %get3A_363 : vector<1x16xf32> to vector<16xf32>
      %add3A_365 = arith.constant 0 : i32
      %add3A_366 = arith.addi %mul3A_352, %add3A_365 : i32
      %get3A_367 = arith.index_cast %add3A_366 : i32 to index
      %get3A_368 = arith.constant 32 : index
      %get3A_369 = tpu.vector_load %arg5[%get3A_367, %get3A_368] {strides = array<i32>} : memref<128x64xf32, #tpu.memory_space<vmem>>, vector<1x16xf32>,
      %get3A_370 = vector.shape_cast %get3A_369 : vector<1x16xf32> to vector<16xf32>
      %add3A_371 = arith.constant 0 : i32
      %add3A_372 = arith.addi %mul3A_352, %add3A_371 : i32
      %get3A_373 = arith.index_cast %add3A_372 : i32 to index
      %get3A_374 = arith.constant 48 : index
      %get3A_375 = tpu.vector_load %arg5[%get3A_373, %get3A_374] {strides = array<i32>} : memref<128x64xf32, #tpu.memory_space<vmem>>, vector<1x16xf32>,
      %get3A_376 = vector.shape_cast %get3A_375 : vector<1x16xf32> to vector<16xf32>
      %add3A_377 = arith.constant 1 : i32
      %add3A_378 = arith.addi %mul3A_352, %add3A_377 : i32
      %get3A_379 = arith.index_cast %add3A_378 : i32 to index
      %get3A_380 = arith.constant 0 : index
      %get3A_381 = tpu.vector_load %arg5[%get3A_379, %get3A_380] {strides = array<i32>} : memref<128x64xf32, #tpu.memory_space<vmem>>, vector<1x16xf32>,
      %get3A_382 = vector.shape_cast %get3A_381 : vector<1x16xf32> to vector<16xf32>
      %add3A_383 = arith.constant 1 : i32
      %add3A_384 = arith.addi %mul3A_352, %add3A_383 : i32
      %get3A_385 = arith.index_cast %add3A_384 : i32 to index
      %get3A_386 = arith.constant 16 : index
      %get3A_387 = tpu.vector_load %arg5[%get3A_385, %get3A_386] {strides = array<i32>} : memref<128x64xf32, #tpu.memory_space<vmem>>, vector<1x16xf32>,
      %get3A_388 = vector.shape_cast %get3A_387 : vector<1x16xf32> to vector<16xf32>
      %add3A_389 = arith.constant 1 : i32
      %add3A_390 = arith.addi %mul3A_352, %add3A_389 : i32
      %get3A_391 = arith.index_cast %add3A_390 : i32 to index
      %get3A_392 = arith.constant 32 : index
      %get3A_393 = tpu.vector_load %arg5[%get3A_391, %get3A_392] {strides = array<i32>} : memref<128x64xf32, #tpu.memory_space<vmem>>, vector<1x16xf32>,
      %get3A_394 = vector.shape_cast %get3A_393 : vector<1x16xf32> to vector<16xf32>
      %add3A_395 = arith.constant 1 : i32
      %add3A_396 = arith.addi %mul3A_352, %add3A_395 : i32
      %get3A_397 = arith.index_cast %add3A_396 : i32 to index
      %get3A_398 = arith.constant 48 : index
      %get3A_399 = tpu.vector_load %arg5[%get3A_397, %get3A_398] {strides = array<i32>} : memref<128x64xf32, #tpu.memory_space<vmem>>, vector<1x16xf32>,
      %get3A_400 = vector.shape_cast %get3A_399 : vector<1x16xf32> to vector<16xf32>
      %add3A_401 = arith.constant 2 : i32
      %add3A_402 = arith.addi %mul3A_352, %add3A_401 : i32
      %get3A_403 = arith.index_cast %add3A_402 : i32 to index
      %get3A_404 = arith.constant 0 : index
      %get3A_405 = tpu.vector_load %arg5[%get3A_403, %get3A_404] {strides = array<i32>} : memref<128x64xf32, #tpu.memory_space<vmem>>, vector<1x16xf32>,
      %get3A_406 = vector.shape_cast %get3A_405 : vector<1x16xf32> to vector<16xf32>
      %add3A_407 = arith.constant 2 : i32
      %add3A_408 = arith.addi %mul3A_352, %add3A_407 : i32
      %get3A_409 = arith.index_cast %add3A_408 : i32 to index
      %get3A_410 = arith.constant 16 : index
      %get3A_411 = tpu.vector_load %arg5[%get3A_409, %get3A_410] {strides = array<i32>} : memref<128x64xf32, #tpu.memory_space<vmem>>, vector<1x16xf32>,
      %get3A_412 = vector.shape_cast %get3A_411 : vector<1x16xf32> to vector<16xf32>
      %add3A_413 = arith.constant 2 : i32
      %add3A_414 = arith.addi %mul3A_352, %add3A_413 : i32
      %get3A_415 = arith.index_cast %add3A_414 : i32 to index
      %get3A_416 = arith.constant 32 : index
      %get3A_417 = tpu.vector_load %arg5[%get3A_415, %get3A_416] {strides = array<i32>} : memref<128x64xf32, #tpu.memory_space<vmem>>, vector<1x16xf32>,
      %get3A_418 = vector.shape_cast %get3A_417 : vector<1x16xf32> to vector<16xf32>
      %add3A_419 = arith.constant 2 : i32
      %add3A_420 = arith.addi %mul3A_352, %add3A_419 : i32
      %get3A_421 = arith.index_cast %add3A_420 : i32 to index
      %get3A_422 = arith.constant 48 : index
      %get3A_423 = tpu.vector_load %arg5[%get3A_421, %get3A_422] {strides = array<i32>} : memref<128x64xf32, #tpu.memory_space<vmem>>, vector<1x16xf32>,
      %get3A_424 = vector.shape_cast %get3A_423 : vector<1x16xf32> to vector<16xf32>
      %add3A_425 = arith.constant 3 : i32
      %add3A_426 = arith.addi %mul3A_352, %add3A_425 : i32
      %get3A_427 = arith.index_cast %add3A_426 : i32 to index
      %get3A_428 = arith.constant 0 : index
      %get3A_429 = tpu.vector_load %arg5[%get3A_427, %get3A_428] {strides = array<i32>} : memref<128x64xf32, #tpu.memory_space<vmem>>, vector<1x16xf32>,
      %get3A_430 = vector.shape_cast %get3A_429 : vector<1x16xf32> to vector<16xf32>
      %add3A_431 = arith.constant 3 : i32
      %add3A_432 = arith.addi %mul3A_352, %add3A_431 : i32
      %get3A_433 = arith.index_cast %add3A_432 : i32 to index
      %get3A_434 = arith.constant 16 : index
      %get3A_435 = tpu.vector_load %arg5[%get3A_433, %get3A_434] {strides = array<i32>} : memref<128x64xf32, #tpu.memory_space<vmem>>, vector<1x16xf32>,
      %get3A_436 = vector.shape_cast %get3A_435 : vector<1x16xf32> to vector<16xf32>
      %add3A_437 = arith.constant 3 : i32
      %add3A_438 = arith.addi %mul3A_352, %add3A_437 : i32
      %get3A_439 = arith.index_cast %add3A_438 : i32 to index
      %get3A_440 = arith.constant 32 : index
      %get3A_441 = tpu.vector_load %arg5[%get3A_439, %get3A_440] {strides = array<i32>} : memref<128x64xf32, #tpu.memory_space<vmem>>, vector<1x16xf32>,
      %get3A_442 = vector.shape_cast %get3A_441 : vector<1x16xf32> to vector<16xf32>
      %add3A_443 = arith.constant 3 : i32
      %add3A_444 = arith.addi %mul3A_352, %add3A_443 : i32
      %get3A_445 = arith.index_cast %add3A_444 : i32 to index
      %get3A_446 = arith.constant 48 : index
      %get3A_447 = tpu.vector_load %arg5[%get3A_445, %get3A_446] {strides = array<i32>} : memref<128x64xf32, #tpu.memory_space<vmem>>, vector<1x16xf32>,
      %get3A_448 = vector.shape_cast %get3A_447 : vector<1x16xf32> to vector<16xf32>
      %mul3A_449 = arith.mulf %get3A_358, %sub3A : vector<16xf32>
      %mul3A_450 = arith.mulf %get3A_364, %sub3A_64 : vector<16xf32>
      %add3A_451 = arith.addf %mul3A_449, %mul3A_450 : vector<16xf32>
      %mul3A_452 = arith.mulf %get3A_370, %sub3A_65 : vector<16xf32>
      %add3A_453 = arith.addf %add3A_451, %mul3A_452 : vector<16xf32>
      %mul3A_454 = arith.mulf %get3A_376, %sub3A_66 : vector<16xf32>
      %add3A_455 = arith.addf %add3A_453, %mul3A_454 : vector<16xf32>
      %lt3A_456 = arith.constant 0 : i32
      %lt3A_457 = vector.broadcast %lt3A_456 : i32 to vector<16xi32>
      %lt3A_458 = arith.cmpi slt, %xor3A_24, %lt3A_457 : vector<16xi32>
      %add3A_459 = arith.constant 16 : i32
      %add3A_460 = vector.broadcast %add3A_459 : i32 to vector<16xi32>
      %add3A_461 = arith.addi %xor3A_24, %add3A_460 : vector<16xi32>
      %select_n3A_462 = arith.select %lt3A_458, %add3A_461, %xor3A_24 : vector<16xi1>, vector<16xi32>
      %broadcast_in_dim3A_463 = vector.shape_cast %select_n3A_462 : vector<16xi32> to vector<16x1xi32>
      %gather3A_464 = vector.shape_cast %broadcast_in_dim3A_463 : vector<16x1xi32> to vector<16xi32>
      %gather3A_465 = tpu.dynamic_gather %add3A_455[%gather3A_464] in [0] : vector<16xf32>, vector<16xi32> -> vector<16xf32>
      %add3A_466 = arith.addf %add3A_455, %gather3A_465 : vector<16xf32>
      %lt3A_467 = arith.constant 0 : i32
      %lt3A_468 = vector.broadcast %lt3A_467 : i32 to vector<16xi32>
      %lt3A_469 = arith.cmpi slt, %xor3A_21, %lt3A_468 : vector<16xi32>
      %add3A_470 = arith.constant 16 : i32
      %add3A_471 = vector.broadcast %add3A_470 : i32 to vector<16xi32>
      %add3A_472 = arith.addi %xor3A_21, %add3A_471 : vector<16xi32>
      %select_n3A_473 = arith.select %lt3A_469, %add3A_472, %xor3A_21 : vector<16xi1>, vector<16xi32>
      %broadcast_in_dim3A_474 = vector.shape_cast %select_n3A_473 : vector<16xi32> to vector<16x1xi32>
      %gather3A_475 = vector.shape_cast %broadcast_in_dim3A_474 : vector<16x1xi32> to vector<16xi32>
      %gather3A_476 = tpu.dynamic_gather %add3A_466[%gather3A_475] in [0] : vector<16xf32>, vector<16xi32> -> vector<16xf32>
      %add3A_477 = arith.addf %add3A_466, %gather3A_476 : vector<16xf32>
      %mul3A_478 = arith.mulf %get3A_382, %sub3A : vector<16xf32>
      %mul3A_479 = arith.mulf %get3A_388, %sub3A_64 : vector<16xf32>
      %add3A_480 = arith.addf %mul3A_478, %mul3A_479 : vector<16xf32>
      %mul3A_481 = arith.mulf %get3A_394, %sub3A_65 : vector<16xf32>
      %add3A_482 = arith.addf %add3A_480, %mul3A_481 : vector<16xf32>
      %mul3A_483 = arith.mulf %get3A_400, %sub3A_66 : vector<16xf32>
      %add3A_484 = arith.addf %add3A_482, %mul3A_483 : vector<16xf32>
      %lt3A_485 = arith.constant 0 : i32
      %lt3A_486 = vector.broadcast %lt3A_485 : i32 to vector<16xi32>
      %lt3A_487 = arith.cmpi slt, %xor3A_24, %lt3A_486 : vector<16xi32>
      %add3A_488 = arith.constant 16 : i32
      %add3A_489 = vector.broadcast %add3A_488 : i32 to vector<16xi32>
      %add3A_490 = arith.addi %xor3A_24, %add3A_489 : vector<16xi32>
      %select_n3A_491 = arith.select %lt3A_487, %add3A_490, %xor3A_24 : vector<16xi1>, vector<16xi32>
      %broadcast_in_dim3A_492 = vector.shape_cast %select_n3A_491 : vector<16xi32> to vector<16x1xi32>
      %gather3A_493 = vector.shape_cast %broadcast_in_dim3A_492 : vector<16x1xi32> to vector<16xi32>
      %gather3A_494 = tpu.dynamic_gather %add3A_484[%gather3A_493] in [0] : vector<16xf32>, vector<16xi32> -> vector<16xf32>
      %add3A_495 = arith.addf %add3A_484, %gather3A_494 : vector<16xf32>
      %lt3A_496 = arith.constant 0 : i32
      %lt3A_497 = vector.broadcast %lt3A_496 : i32 to vector<16xi32>
      %lt3A_498 = arith.cmpi slt, %xor3A_21, %lt3A_497 : vector<16xi32>
      %add3A_499 = arith.constant 16 : i32
      %add3A_500 = vector.broadcast %add3A_499 : i32 to vector<16xi32>
      %add3A_501 = arith.addi %xor3A_21, %add3A_500 : vector<16xi32>
      %select_n3A_502 = arith.select %lt3A_498, %add3A_501, %xor3A_21 : vector<16xi1>, vector<16xi32>
      %broadcast_in_dim3A_503 = vector.shape_cast %select_n3A_502 : vector<16xi32> to vector<16x1xi32>
      %gather3A_504 = vector.shape_cast %broadcast_in_dim3A_503 : vector<16x1xi32> to vector<16xi32>
      %gather3A_505 = tpu.dynamic_gather %add3A_495[%gather3A_504] in [0] : vector<16xf32>, vector<16xi32> -> vector<16xf32>
      %add3A_506 = arith.addf %add3A_495, %gather3A_505 : vector<16xf32>
      %mul3A_507 = arith.mulf %get3A_406, %sub3A : vector<16xf32>
      %mul3A_508 = arith.mulf %get3A_412, %sub3A_64 : vector<16xf32>
      %add3A_509 = arith.addf %mul3A_507, %mul3A_508 : vector<16xf32>
      %mul3A_510 = arith.mulf %get3A_418, %sub3A_65 : vector<16xf32>
      %add3A_511 = arith.addf %add3A_509, %mul3A_510 : vector<16xf32>
      %mul3A_512 = arith.mulf %get3A_424, %sub3A_66 : vector<16xf32>
      %add3A_513 = arith.addf %add3A_511, %mul3A_512 : vector<16xf32>
      %lt3A_514 = arith.constant 0 : i32
      %lt3A_515 = vector.broadcast %lt3A_514 : i32 to vector<16xi32>
      %lt3A_516 = arith.cmpi slt, %xor3A_24, %lt3A_515 : vector<16xi32>
      %add3A_517 = arith.constant 16 : i32
      %add3A_518 = vector.broadcast %add3A_517 : i32 to vector<16xi32>
      %add3A_519 = arith.addi %xor3A_24, %add3A_518 : vector<16xi32>
      %select_n3A_520 = arith.select %lt3A_516, %add3A_519, %xor3A_24 : vector<16xi1>, vector<16xi32>
      %broadcast_in_dim3A_521 = vector.shape_cast %select_n3A_520 : vector<16xi32> to vector<16x1xi32>
      %gather3A_522 = vector.shape_cast %broadcast_in_dim3A_521 : vector<16x1xi32> to vector<16xi32>
      %gather3A_523 = tpu.dynamic_gather %add3A_513[%gather3A_522] in [0] : vector<16xf32>, vector<16xi32> -> vector<16xf32>
      %add3A_524 = arith.addf %add3A_513, %gather3A_523 : vector<16xf32>
      %lt3A_525 = arith.constant 0 : i32
      %lt3A_526 = vector.broadcast %lt3A_525 : i32 to vector<16xi32>
      %lt3A_527 = arith.cmpi slt, %xor3A_21, %lt3A_526 : vector<16xi32>
      %add3A_528 = arith.constant 16 : i32
      %add3A_529 = vector.broadcast %add3A_528 : i32 to vector<16xi32>
      %add3A_530 = arith.addi %xor3A_21, %add3A_529 : vector<16xi32>
      %select_n3A_531 = arith.select %lt3A_527, %add3A_530, %xor3A_21 : vector<16xi1>, vector<16xi32>
      %broadcast_in_dim3A_532 = vector.shape_cast %select_n3A_531 : vector<16xi32> to vector<16x1xi32>
      %gather3A_533 = vector.shape_cast %broadcast_in_dim3A_532 : vector<16x1xi32> to vector<16xi32>
      %gather3A_534 = tpu.dynamic_gather %add3A_524[%gather3A_533] in [0] : vector<16xf32>, vector<16xi32> -> vector<16xf32>
      %add3A_535 = arith.addf %add3A_524, %gather3A_534 : vector<16xf32>
      %mul3A_536 = arith.mulf %get3A_430, %sub3A : vector<16xf32>
      %mul3A_537 = arith.mulf %get3A_436, %sub3A_64 : vector<16xf32>
      %add3A_538 = arith.addf %mul3A_536, %mul3A_537 : vector<16xf32>
      %mul3A_539 = arith.mulf %get3A_442, %sub3A_65 : vector<16xf32>
      %add3A_540 = arith.addf %add3A_538, %mul3A_539 : vector<16xf32>
      %mul3A_541 = arith.mulf %get3A_448, %sub3A_66 : vector<16xf32>
      %add3A_542 = arith.addf %add3A_540, %mul3A_541 : vector<16xf32>
      %lt3A_543 = arith.constant 0 : i32
      %lt3A_544 = vector.broadcast %lt3A_543 : i32 to vector<16xi32>
      %lt3A_545 = arith.cmpi slt, %xor3A_24, %lt3A_544 : vector<16xi32>
      %add3A_546 = arith.constant 16 : i32
      %add3A_547 = vector.broadcast %add3A_546 : i32 to vector<16xi32>
      %add3A_548 = arith.addi %xor3A_24, %add3A_547 : vector<16xi32>
      %select_n3A_549 = arith.select %lt3A_545, %add3A_548, %xor3A_24 : vector<16xi1>, vector<16xi32>
      %broadcast_in_dim3A_550 = vector.shape_cast %select_n3A_549 : vector<16xi32> to vector<16x1xi32>
      %gather3A_551 = vector.shape_cast %broadcast_in_dim3A_550 : vector<16x1xi32> to vector<16xi32>
      %gather3A_552 = tpu.dynamic_gather %add3A_542[%gather3A_551] in [0] : vector<16xf32>, vector<16xi32> -> vector<16xf32>
      %add3A_553 = arith.addf %add3A_542, %gather3A_552 : vector<16xf32>
      %lt3A_554 = arith.constant 0 : i32
      %lt3A_555 = vector.broadcast %lt3A_554 : i32 to vector<16xi32>
      %lt3A_556 = arith.cmpi slt, %xor3A_21, %lt3A_555 : vector<16xi32>
      %add3A_557 = arith.constant 16 : i32
      %add3A_558 = vector.broadcast %add3A_557 : i32 to vector<16xi32>
      %add3A_559 = arith.addi %xor3A_21, %add3A_558 : vector<16xi32>
      %select_n3A_560 = arith.select %lt3A_556, %add3A_559, %xor3A_21 : vector<16xi1>, vector<16xi32>
      %broadcast_in_dim3A_561 = vector.shape_cast %select_n3A_560 : vector<16xi32> to vector<16x1xi32>
      %gather3A_562 = vector.shape_cast %broadcast_in_dim3A_561 : vector<16x1xi32> to vector<16xi32>
      %gather3A_563 = tpu.dynamic_gather %add3A_553[%gather3A_562] in [0] : vector<16xf32>, vector<16xi32> -> vector<16xf32>
      %add3A_564 = arith.addf %add3A_553, %gather3A_563 : vector<16xf32>
      %select_n3A_565 = arith.select %lt3A_233, %add3A_535, %add3A_564 : vector<16xi1>, vector<16xf32>
      %select_n3A_566 = arith.select %lt3A_230, %add3A_506, %select_n3A_565 : vector<16xi1>, vector<16xf32>
      %select_n3A_567 = arith.select %lt3A_227, %add3A_477, %select_n3A_566 : vector<16xi1>, vector<16xf32>
      %lt3A_568 = arith.constant 0 : i32
      %lt3A_569 = vector.broadcast %lt3A_568 : i32 to vector<16xi32>
      %lt3A_570 = arith.cmpi slt, %xor3A_15, %lt3A_569 : vector<16xi32>
      %add3A_571 = arith.constant 16 : i32
      %add3A_572 = vector.broadcast %add3A_571 : i32 to vector<16xi32>
      %add3A_573 = arith.addi %xor3A_15, %add3A_572 : vector<16xi32>
      %select_n3A_574 = arith.select %lt3A_570, %add3A_573, %xor3A_15 : vector<16xi1>, vector<16xi32>
      %broadcast_in_dim3A_575 = vector.shape_cast %select_n3A_574 : vector<16xi32> to vector<16x1xi32>
      %gather3A_576 = vector.shape_cast %broadcast_in_dim3A_575 : vector<16x1xi32> to vector<16xi32>
      %gather3A_577 = tpu.dynamic_gather %select_n3A_567[%gather3A_576] in [0] : vector<16xf32>, vector<16xi32> -> vector<16xf32>
      %add3A_578 = arith.addf %select_n3A_567, %gather3A_577 : vector<16xf32>
      %lt3A_579 = arith.constant 0 : i32
      %lt3A_580 = vector.broadcast %lt3A_579 : i32 to vector<16xi32>
      %lt3A_581 = arith.cmpi slt, %xor3A_18, %lt3A_580 : vector<16xi32>
      %add3A_582 = arith.constant 16 : i32
      %add3A_583 = vector.broadcast %add3A_582 : i32 to vector<16xi32>
      %add3A_584 = arith.addi %xor3A_18, %add3A_583 : vector<16xi32>
      %select_n3A_585 = arith.select %lt3A_581, %add3A_584, %xor3A_18 : vector<16xi1>, vector<16xi32>
      %broadcast_in_dim3A_586 = vector.shape_cast %select_n3A_585 : vector<16xi32> to vector<16x1xi32>
      %gather3A_587 = vector.shape_cast %broadcast_in_dim3A_586 : vector<16x1xi32> to vector<16xi32>
      %gather3A_588 = tpu.dynamic_gather %add3A_578[%gather3A_587] in [0] : vector<16xf32>, vector<16xi32> -> vector<16xf32>
      %add3A_589 = arith.addf %add3A_578, %gather3A_588 : vector<16xf32>
      %lt3A_590 = arith.cmpf olt, %add3A_589, %mul3A_120 : vector<16xf32>
      %jit3A = arith.constant 0.000000e+00 : f32
      %broadcast_in_dim3A_591 = vector.broadcast %scan3A_278 : f32 to vector<16xf32>
      %broadcast_in_dim3A_592 = vector.broadcast %jit3A : f32 to vector<16xf32>
      %select_n3A_593 = arith.select %lt3A_590, %broadcast_in_dim3A_591, %broadcast_in_dim3A_592 : vector<16xi1>, vector<16xf32>
      %add3A_594 = arith.addf %scan3A_340, %select_n3A_593 : vector<16xf32>
      %sub3A_595 = arith.subf %add3A_589, %add3A_171 : vector<16xf32>
      %abs3A = math.absf %sub3A_595 : vector<16xf32>
      %sub3A_596 = arith.subf %add3A_589, %add3A_222 : vector<16xf32>
      %abs3A_597 = math.absf %sub3A_596 : vector<16xf32>
      %min3A = arith.minimumf %abs3A, %abs3A_597 : vector<16xf32>
      %add3A_598 = arith.addf %scan3A_341, %min3A : vector<16xf32>
      %mul3A_599 = arith.mulf %select_n3A_593, %min3A : vector<16xf32>
      %add3A_600 = arith.addf %scan3A_342, %mul3A_599 : vector<16xf32>
      %lt3A_601 = arith.constant 0 : i32
      %lt3A_602 = vector.broadcast %lt3A_601 : i32 to vector<16xi32>
      %lt3A_603 = arith.cmpi slt, %broadcast_in_dim3A_235, %lt3A_602 : vector<16xi32>
      %add3A_604 = arith.constant 16 : i32
      %add3A_605 = vector.broadcast %add3A_604 : i32 to vector<16xi32>
      %add3A_606 = arith.addi %broadcast_in_dim3A_235, %add3A_605 : vector<16xi32>
      %select_n3A_607 = arith.select %lt3A_603, %add3A_606, %broadcast_in_dim3A_235 : vector<16xi1>, vector<16xi32>
      %broadcast_in_dim3A_608 = vector.shape_cast %select_n3A_607 : vector<16xi32> to vector<16x1xi32>
      %gather3A_609 = vector.shape_cast %broadcast_in_dim3A_608 : vector<16x1xi32> to vector<16xi32>
      %gather3A_610 = tpu.dynamic_gather %select_n3A_593[%gather3A_609] in [0] : vector<16xf32>, vector<16xi32> -> vector<16xf32>
      %mul3A_611 = arith.mulf %gather3A_610, %get3A_358 : vector<16xf32>
      %add3A_612 = arith.addf %scan3A_343, %mul3A_611 : vector<16xf32>
      %mul3A_613 = arith.mulf %gather3A_610, %get3A_364 : vector<16xf32>
      %add3A_614 = arith.addf %scan3A_344, %mul3A_613 : vector<16xf32>
      %mul3A_615 = arith.mulf %gather3A_610, %get3A_370 : vector<16xf32>
      %add3A_616 = arith.addf %scan3A_345, %mul3A_615 : vector<16xf32>
      %mul3A_617 = arith.mulf %gather3A_610, %get3A_376 : vector<16xf32>
      %add3A_618 = arith.addf %scan3A_346, %mul3A_617 : vector<16xf32>
      %add3A_619 = arith.addf %scan3A_347, %get3A_358 : vector<16xf32>
      %add3A_620 = arith.addf %scan3A_348, %get3A_364 : vector<16xf32>
      %add3A_621 = arith.addf %scan3A_349, %get3A_370 : vector<16xf32>
      %add3A_622 = arith.addf %scan3A_350, %get3A_376 : vector<16xf32>
      %lt3A_623 = arith.constant 0 : i32
      %lt3A_624 = vector.broadcast %lt3A_623 : i32 to vector<16xi32>
      %lt3A_625 = arith.cmpi slt, %broadcast_in_dim3A_237, %lt3A_624 : vector<16xi32>
      %add3A_626 = arith.constant 16 : i32
      %add3A_627 = vector.broadcast %add3A_626 : i32 to vector<16xi32>
      %add3A_628 = arith.addi %broadcast_in_dim3A_237, %add3A_627 : vector<16xi32>
      %select_n3A_629 = arith.select %lt3A_625, %add3A_628, %broadcast_in_dim3A_237 : vector<16xi1>, vector<16xi32>
      %broadcast_in_dim3A_630 = vector.shape_cast %select_n3A_629 : vector<16xi32> to vector<16x1xi32>
      %gather3A_631 = vector.shape_cast %broadcast_in_dim3A_630 : vector<16x1xi32> to vector<16xi32>
      %gather3A_632 = tpu.dynamic_gather %select_n3A_593[%gather3A_631] in [0] : vector<16xf32>, vector<16xi32> -> vector<16xf32>
      %mul3A_633 = arith.mulf %gather3A_632, %get3A_382 : vector<16xf32>
      %add3A_634 = arith.addf %add3A_612, %mul3A_633 : vector<16xf32>
      %mul3A_635 = arith.mulf %gather3A_632, %get3A_388 : vector<16xf32>
      %add3A_636 = arith.addf %add3A_614, %mul3A_635 : vector<16xf32>
      %mul3A_637 = arith.mulf %gather3A_632, %get3A_394 : vector<16xf32>
      %add3A_638 = arith.addf %add3A_616, %mul3A_637 : vector<16xf32>
      %mul3A_639 = arith.mulf %gather3A_632, %get3A_400 : vector<16xf32>
      %add3A_640 = arith.addf %add3A_618, %mul3A_639 : vector<16xf32>
      %add3A_641 = arith.addf %add3A_619, %get3A_382 : vector<16xf32>
      %add3A_642 = arith.addf %add3A_620, %get3A_388 : vector<16xf32>
      %add3A_643 = arith.addf %add3A_621, %get3A_394 : vector<16xf32>
      %add3A_644 = arith.addf %add3A_622, %get3A_400 : vector<16xf32>
      %lt3A_645 = arith.constant 0 : i32
      %lt3A_646 = vector.broadcast %lt3A_645 : i32 to vector<16xi32>
      %lt3A_647 = arith.cmpi slt, %broadcast_in_dim3A_239, %lt3A_646 : vector<16xi32>
      %add3A_648 = arith.constant 16 : i32
      %add3A_649 = vector.broadcast %add3A_648 : i32 to vector<16xi32>
      %add3A_650 = arith.addi %broadcast_in_dim3A_239, %add3A_649 : vector<16xi32>
      %select_n3A_651 = arith.select %lt3A_647, %add3A_650, %broadcast_in_dim3A_239 : vector<16xi1>, vector<16xi32>
      %broadcast_in_dim3A_652 = vector.shape_cast %select_n3A_651 : vector<16xi32> to vector<16x1xi32>
      %gather3A_653 = vector.shape_cast %broadcast_in_dim3A_652 : vector<16x1xi32> to vector<16xi32>
      %gather3A_654 = tpu.dynamic_gather %select_n3A_593[%gather3A_653] in [0] : vector<16xf32>, vector<16xi32> -> vector<16xf32>
      %mul3A_655 = arith.mulf %gather3A_654, %get3A_406 : vector<16xf32>
      %add3A_656 = arith.addf %add3A_634, %mul3A_655 : vector<16xf32>
      %mul3A_657 = arith.mulf %gather3A_654, %get3A_412 : vector<16xf32>
      %add3A_658 = arith.addf %add3A_636, %mul3A_657 : vector<16xf32>
      %mul3A_659 = arith.mulf %gather3A_654, %get3A_418 : vector<16xf32>
      %add3A_660 = arith.addf %add3A_638, %mul3A_659 : vector<16xf32>
      %mul3A_661 = arith.mulf %gather3A_654, %get3A_424 : vector<16xf32>
      %add3A_662 = arith.addf %add3A_640, %mul3A_661 : vector<16xf32>
      %add3A_663 = arith.addf %add3A_641, %get3A_406 : vector<16xf32>
      %add3A_664 = arith.addf %add3A_642, %get3A_412 : vector<16xf32>
      %add3A_665 = arith.addf %add3A_643, %get3A_418 : vector<16xf32>
      %add3A_666 = arith.addf %add3A_644, %get3A_424 : vector<16xf32>
      %lt3A_667 = arith.constant 0 : i32
      %lt3A_668 = vector.broadcast %lt3A_667 : i32 to vector<16xi32>
      %lt3A_669 = arith.cmpi slt, %broadcast_in_dim3A_241, %lt3A_668 : vector<16xi32>
      %add3A_670 = arith.constant 16 : i32
      %add3A_671 = vector.broadcast %add3A_670 : i32 to vector<16xi32>
      %add3A_672 = arith.addi %broadcast_in_dim3A_241, %add3A_671 : vector<16xi32>
      %select_n3A_673 = arith.select %lt3A_669, %add3A_672, %broadcast_in_dim3A_241 : vector<16xi1>, vector<16xi32>
      %broadcast_in_dim3A_674 = vector.shape_cast %select_n3A_673 : vector<16xi32> to vector<16x1xi32>
      %gather3A_675 = vector.shape_cast %broadcast_in_dim3A_674 : vector<16x1xi32> to vector<16xi32>
      %gather3A_676 = tpu.dynamic_gather %select_n3A_593[%gather3A_675] in [0] : vector<16xf32>, vector<16xi32> -> vector<16xf32>
      %mul3A_677 = arith.mulf %gather3A_676, %get3A_430 : vector<16xf32>
      %add3A_678 = arith.addf %add3A_656, %mul3A_677 : vector<16xf32>
      %mul3A_679 = arith.mulf %gather3A_676, %get3A_436 : vector<16xf32>
      %add3A_680 = arith.addf %add3A_658, %mul3A_679 : vector<16xf32>
      %mul3A_681 = arith.mulf %gather3A_676, %get3A_442 : vector<16xf32>
      %add3A_682 = arith.addf %add3A_660, %mul3A_681 : vector<16xf32>
      %mul3A_683 = arith.mulf %gather3A_676, %get3A_448 : vector<16xf32>
      %add3A_684 = arith.addf %add3A_662, %mul3A_683 : vector<16xf32>
      %add3A_685 = arith.addf %add3A_663, %get3A_430 : vector<16xf32>
      %add3A_686 = arith.addf %add3A_664, %get3A_436 : vector<16xf32>
      %add3A_687 = arith.addf %add3A_665, %get3A_442 : vector<16xf32>
      %add3A_688 = arith.addf %add3A_666, %get3A_448 : vector<16xf32>
      scf.yield %add3A_594, %add3A_598, %add3A_600, %add3A_678, %add3A_680, %add3A_682, %add3A_684, %add3A_685, %add3A_686, %add3A_687, %add3A_688 : vector<16xf32>, vector<16xf32>, vector<16xf32>, vector<16xf32>, vector<16xf32>, vector<16xf32>, vector<16xf32>, vector<16xf32>, vector<16xf32>, vector<16xf32>, vector<16xf32>
    }
    %scan3A_284 = arith.constant 32 : i32
    %dma_wait3A_285 = arith.constant 0 : i32
    %dma_wait3A_286 = tpu.memref_slice %arg2[%add3A_269, %dma_wait3A_285] : memref<16384x64xf32, #tpu.memory_space<hbm>> -> memref<128x64xf32, #tpu.memory_space<hbm>>
    %dma_wait3A_287 = arith.constant 0 : i32
    %dma_wait3A_288 = tpu.memref_slice %arg2[%add3A_269, %dma_wait3A_287] : memref<16384x64xf32, #tpu.memory_space<hbm>> -> memref<128x64xf32, #tpu.memory_space<hbm>>
    tpu.wait_dma2 semaphore(%arg10 : memref<!tpu.dma_semaphore, #tpu.memory_space<semaphore_mem>>) src(%dma_wait3A_288 : memref<128x64xf32, #tpu.memory_space<hbm>>) dst(%arg6 : memref<128x64xf32, #tpu.memory_space<vmem>>)
    %scan3A_289 = arith.constant 1.000000e+00 : f32
    %scan3A_290 = arith.constant 0 : i32
    %scan3A_291 = arith.constant 32 : i32
    %scan3A_292 = arith.addi %scan3A_290, %scan3A_291 : i32
    %scan3A_293 = arith.constant 1 : i32
    %scan3A_294:11 = scf.for %scan3A_339 = %scan3A_290 to %scan3A_292 step %scan3A_293 iter_args(%scan3A_340 = %scan3A_283#0, %scan3A_341 = %scan3A_283#1, %scan3A_342 = %scan3A_283#2, %scan3A_343 = %scan3A_283#3, %scan3A_344 = %scan3A_283#4, %scan3A_345 = %scan3A_283#5, %scan3A_346 = %scan3A_283#6, %scan3A_347 = %scan3A_283#7, %scan3A_348 = %scan3A_283#8, %scan3A_349 = %scan3A_283#9, %scan3A_350 = %scan3A_283#10) -> (vector<16xf32>, vector<16xf32>, vector<16xf32>, vector<16xf32>, vector<16xf32>, vector<16xf32>, vector<16xf32>, vector<16xf32>, vector<16xf32>, vector<16xf32>, vector<16xf32>)  : i32 {
      %mul3A_351 = arith.constant 4 : i32
      %mul3A_352 = arith.muli %scan3A_339, %mul3A_351 : i32
      %add3A_353 = arith.constant 0 : i32
      %add3A_354 = arith.addi %mul3A_352, %add3A_353 : i32
      %get3A_355 = arith.index_cast %add3A_354 : i32 to index
      %get3A_356 = arith.constant 0 : index
      %get3A_357 = tpu.vector_load %arg6[%get3A_355, %get3A_356] {strides = array<i32>} : memref<128x64xf32, #tpu.memory_space<vmem>>, vector<1x16xf32>,
      %get3A_358 = vector.shape_cast %get3A_357 : vector<1x16xf32> to vector<16xf32>
      %add3A_359 = arith.constant 0 : i32
      %add3A_360 = arith.addi %mul3A_352, %add3A_359 : i32
      %get3A_361 = arith.index_cast %add3A_360 : i32 to index
      %get3A_362 = arith.constant 16 : index
      %get3A_363 = tpu.vector_load %arg6[%get3A_361, %get3A_362] {strides = array<i32>} : memref<128x64xf32, #tpu.memory_space<vmem>>, vector<1x16xf32>,
      %get3A_364 = vector.shape_cast %get3A_363 : vector<1x16xf32> to vector<16xf32>
      %add3A_365 = arith.constant 0 : i32
      %add3A_366 = arith.addi %mul3A_352, %add3A_365 : i32
      %get3A_367 = arith.index_cast %add3A_366 : i32 to index
      %get3A_368 = arith.constant 32 : index
      %get3A_369 = tpu.vector_load %arg6[%get3A_367, %get3A_368] {strides = array<i32>} : memref<128x64xf32, #tpu.memory_space<vmem>>, vector<1x16xf32>,
      %get3A_370 = vector.shape_cast %get3A_369 : vector<1x16xf32> to vector<16xf32>
      %add3A_371 = arith.constant 0 : i32
      %add3A_372 = arith.addi %mul3A_352, %add3A_371 : i32
      %get3A_373 = arith.index_cast %add3A_372 : i32 to index
      %get3A_374 = arith.constant 48 : index
      %get3A_375 = tpu.vector_load %arg6[%get3A_373, %get3A_374] {strides = array<i32>} : memref<128x64xf32, #tpu.memory_space<vmem>>, vector<1x16xf32>,
      %get3A_376 = vector.shape_cast %get3A_375 : vector<1x16xf32> to vector<16xf32>
      %add3A_377 = arith.constant 1 : i32
      %add3A_378 = arith.addi %mul3A_352, %add3A_377 : i32
      %get3A_379 = arith.index_cast %add3A_378 : i32 to index
      %get3A_380 = arith.constant 0 : index
      %get3A_381 = tpu.vector_load %arg6[%get3A_379, %get3A_380] {strides = array<i32>} : memref<128x64xf32, #tpu.memory_space<vmem>>, vector<1x16xf32>,
      %get3A_382 = vector.shape_cast %get3A_381 : vector<1x16xf32> to vector<16xf32>
      %add3A_383 = arith.constant 1 : i32
      %add3A_384 = arith.addi %mul3A_352, %add3A_383 : i32
      %get3A_385 = arith.index_cast %add3A_384 : i32 to index
      %get3A_386 = arith.constant 16 : index
      %get3A_387 = tpu.vector_load %arg6[%get3A_385, %get3A_386] {strides = array<i32>} : memref<128x64xf32, #tpu.memory_space<vmem>>, vector<1x16xf32>,
      %get3A_388 = vector.shape_cast %get3A_387 : vector<1x16xf32> to vector<16xf32>
      %add3A_389 = arith.constant 1 : i32
      %add3A_390 = arith.addi %mul3A_352, %add3A_389 : i32
      %get3A_391 = arith.index_cast %add3A_390 : i32 to index
      %get3A_392 = arith.constant 32 : index
      %get3A_393 = tpu.vector_load %arg6[%get3A_391, %get3A_392] {strides = array<i32>} : memref<128x64xf32, #tpu.memory_space<vmem>>, vector<1x16xf32>,
      %get3A_394 = vector.shape_cast %get3A_393 : vector<1x16xf32> to vector<16xf32>
      %add3A_395 = arith.constant 1 : i32
      %add3A_396 = arith.addi %mul3A_352, %add3A_395 : i32
      %get3A_397 = arith.index_cast %add3A_396 : i32 to index
      %get3A_398 = arith.constant 48 : index
      %get3A_399 = tpu.vector_load %arg6[%get3A_397, %get3A_398] {strides = array<i32>} : memref<128x64xf32, #tpu.memory_space<vmem>>, vector<1x16xf32>,
      %get3A_400 = vector.shape_cast %get3A_399 : vector<1x16xf32> to vector<16xf32>
      %add3A_401 = arith.constant 2 : i32
      %add3A_402 = arith.addi %mul3A_352, %add3A_401 : i32
      %get3A_403 = arith.index_cast %add3A_402 : i32 to index
      %get3A_404 = arith.constant 0 : index
      %get3A_405 = tpu.vector_load %arg6[%get3A_403, %get3A_404] {strides = array<i32>} : memref<128x64xf32, #tpu.memory_space<vmem>>, vector<1x16xf32>,
      %get3A_406 = vector.shape_cast %get3A_405 : vector<1x16xf32> to vector<16xf32>
      %add3A_407 = arith.constant 2 : i32
      %add3A_408 = arith.addi %mul3A_352, %add3A_407 : i32
      %get3A_409 = arith.index_cast %add3A_408 : i32 to index
      %get3A_410 = arith.constant 16 : index
      %get3A_411 = tpu.vector_load %arg6[%get3A_409, %get3A_410] {strides = array<i32>} : memref<128x64xf32, #tpu.memory_space<vmem>>, vector<1x16xf32>,
      %get3A_412 = vector.shape_cast %get3A_411 : vector<1x16xf32> to vector<16xf32>
      %add3A_413 = arith.constant 2 : i32
      %add3A_414 = arith.addi %mul3A_352, %add3A_413 : i32
      %get3A_415 = arith.index_cast %add3A_414 : i32 to index
      %get3A_416 = arith.constant 32 : index
      %get3A_417 = tpu.vector_load %arg6[%get3A_415, %get3A_416] {strides = array<i32>} : memref<128x64xf32, #tpu.memory_space<vmem>>, vector<1x16xf32>,
      %get3A_418 = vector.shape_cast %get3A_417 : vector<1x16xf32> to vector<16xf32>
      %add3A_419 = arith.constant 2 : i32
      %add3A_420 = arith.addi %mul3A_352, %add3A_419 : i32
      %get3A_421 = arith.index_cast %add3A_420 : i32 to index
      %get3A_422 = arith.constant 48 : index
      %get3A_423 = tpu.vector_load %arg6[%get3A_421, %get3A_422] {strides = array<i32>} : memref<128x64xf32, #tpu.memory_space<vmem>>, vector<1x16xf32>,
      %get3A_424 = vector.shape_cast %get3A_423 : vector<1x16xf32> to vector<16xf32>
      %add3A_425 = arith.constant 3 : i32
      %add3A_426 = arith.addi %mul3A_352, %add3A_425 : i32
      %get3A_427 = arith.index_cast %add3A_426 : i32 to index
      %get3A_428 = arith.constant 0 : index
      %get3A_429 = tpu.vector_load %arg6[%get3A_427, %get3A_428] {strides = array<i32>} : memref<128x64xf32, #tpu.memory_space<vmem>>, vector<1x16xf32>,
      %get3A_430 = vector.shape_cast %get3A_429 : vector<1x16xf32> to vector<16xf32>
      %add3A_431 = arith.constant 3 : i32
      %add3A_432 = arith.addi %mul3A_352, %add3A_431 : i32
      %get3A_433 = arith.index_cast %add3A_432 : i32 to index
      %get3A_434 = arith.constant 16 : index
      %get3A_435 = tpu.vector_load %arg6[%get3A_433, %get3A_434] {strides = array<i32>} : memref<128x64xf32, #tpu.memory_space<vmem>>, vector<1x16xf32>,
      %get3A_436 = vector.shape_cast %get3A_435 : vector<1x16xf32> to vector<16xf32>
      %add3A_437 = arith.constant 3 : i32
      %add3A_438 = arith.addi %mul3A_352, %add3A_437 : i32
      %get3A_439 = arith.index_cast %add3A_438 : i32 to index
      %get3A_440 = arith.constant 32 : index
      %get3A_441 = tpu.vector_load %arg6[%get3A_439, %get3A_440] {strides = array<i32>} : memref<128x64xf32, #tpu.memory_space<vmem>>, vector<1x16xf32>,
      %get3A_442 = vector.shape_cast %get3A_441 : vector<1x16xf32> to vector<16xf32>
      %add3A_443 = arith.constant 3 : i32
      %add3A_444 = arith.addi %mul3A_352, %add3A_443 : i32
      %get3A_445 = arith.index_cast %add3A_444 : i32 to index
      %get3A_446 = arith.constant 48 : index
      %get3A_447 = tpu.vector_load %arg6[%get3A_445, %get3A_446] {strides = array<i32>} : memref<128x64xf32, #tpu.memory_space<vmem>>, vector<1x16xf32>,
      %get3A_448 = vector.shape_cast %get3A_447 : vector<1x16xf32> to vector<16xf32>
      %mul3A_449 = arith.mulf %get3A_358, %sub3A : vector<16xf32>
      %mul3A_450 = arith.mulf %get3A_364, %sub3A_64 : vector<16xf32>
      %add3A_451 = arith.addf %mul3A_449, %mul3A_450 : vector<16xf32>
      %mul3A_452 = arith.mulf %get3A_370, %sub3A_65 : vector<16xf32>
      %add3A_453 = arith.addf %add3A_451, %mul3A_452 : vector<16xf32>
      %mul3A_454 = arith.mulf %get3A_376, %sub3A_66 : vector<16xf32>
      %add3A_455 = arith.addf %add3A_453, %mul3A_454 : vector<16xf32>
      %lt3A_456 = arith.constant 0 : i32
      %lt3A_457 = vector.broadcast %lt3A_456 : i32 to vector<16xi32>
      %lt3A_458 = arith.cmpi slt, %xor3A_24, %lt3A_457 : vector<16xi32>
      %add3A_459 = arith.constant 16 : i32
      %add3A_460 = vector.broadcast %add3A_459 : i32 to vector<16xi32>
      %add3A_461 = arith.addi %xor3A_24, %add3A_460 : vector<16xi32>
      %select_n3A_462 = arith.select %lt3A_458, %add3A_461, %xor3A_24 : vector<16xi1>, vector<16xi32>
      %broadcast_in_dim3A_463 = vector.shape_cast %select_n3A_462 : vector<16xi32> to vector<16x1xi32>
      %gather3A_464 = vector.shape_cast %broadcast_in_dim3A_463 : vector<16x1xi32> to vector<16xi32>
      %gather3A_465 = tpu.dynamic_gather %add3A_455[%gather3A_464] in [0] : vector<16xf32>, vector<16xi32> -> vector<16xf32>
      %add3A_466 = arith.addf %add3A_455, %gather3A_465 : vector<16xf32>
      %lt3A_467 = arith.constant 0 : i32
      %lt3A_468 = vector.broadcast %lt3A_467 : i32 to vector<16xi32>
      %lt3A_469 = arith.cmpi slt, %xor3A_21, %lt3A_468 : vector<16xi32>
      %add3A_470 = arith.constant 16 : i32
      %add3A_471 = vector.broadcast %add3A_470 : i32 to vector<16xi32>
      %add3A_472 = arith.addi %xor3A_21, %add3A_471 : vector<16xi32>
      %select_n3A_473 = arith.select %lt3A_469, %add3A_472, %xor3A_21 : vector<16xi1>, vector<16xi32>
      %broadcast_in_dim3A_474 = vector.shape_cast %select_n3A_473 : vector<16xi32> to vector<16x1xi32>
      %gather3A_475 = vector.shape_cast %broadcast_in_dim3A_474 : vector<16x1xi32> to vector<16xi32>
      %gather3A_476 = tpu.dynamic_gather %add3A_466[%gather3A_475] in [0] : vector<16xf32>, vector<16xi32> -> vector<16xf32>
      %add3A_477 = arith.addf %add3A_466, %gather3A_476 : vector<16xf32>
      %mul3A_478 = arith.mulf %get3A_382, %sub3A : vector<16xf32>
      %mul3A_479 = arith.mulf %get3A_388, %sub3A_64 : vector<16xf32>
      %add3A_480 = arith.addf %mul3A_478, %mul3A_479 : vector<16xf32>
      %mul3A_481 = arith.mulf %get3A_394, %sub3A_65 : vector<16xf32>
      %add3A_482 = arith.addf %add3A_480, %mul3A_481 : vector<16xf32>
      %mul3A_483 = arith.mulf %get3A_400, %sub3A_66 : vector<16xf32>
      %add3A_484 = arith.addf %add3A_482, %mul3A_483 : vector<16xf32>
      %lt3A_485 = arith.constant 0 : i32
      %lt3A_486 = vector.broadcast %lt3A_485 : i32 to vector<16xi32>
      %lt3A_487 = arith.cmpi slt, %xor3A_24, %lt3A_486 : vector<16xi32>
      %add3A_488 = arith.constant 16 : i32
      %add3A_489 = vector.broadcast %add3A_488 : i32 to vector<16xi32>
      %add3A_490 = arith.addi %xor3A_24, %add3A_489 : vector<16xi32>
      %select_n3A_491 = arith.select %lt3A_487, %add3A_490, %xor3A_24 : vector<16xi1>, vector<16xi32>
      %broadcast_in_dim3A_492 = vector.shape_cast %select_n3A_491 : vector<16xi32> to vector<16x1xi32>
      %gather3A_493 = vector.shape_cast %broadcast_in_dim3A_492 : vector<16x1xi32> to vector<16xi32>
      %gather3A_494 = tpu.dynamic_gather %add3A_484[%gather3A_493] in [0] : vector<16xf32>, vector<16xi32> -> vector<16xf32>
      %add3A_495 = arith.addf %add3A_484, %gather3A_494 : vector<16xf32>
      %lt3A_496 = arith.constant 0 : i32
      %lt3A_497 = vector.broadcast %lt3A_496 : i32 to vector<16xi32>
      %lt3A_498 = arith.cmpi slt, %xor3A_21, %lt3A_497 : vector<16xi32>
      %add3A_499 = arith.constant 16 : i32
      %add3A_500 = vector.broadcast %add3A_499 : i32 to vector<16xi32>
      %add3A_501 = arith.addi %xor3A_21, %add3A_500 : vector<16xi32>
      %select_n3A_502 = arith.select %lt3A_498, %add3A_501, %xor3A_21 : vector<16xi1>, vector<16xi32>
      %broadcast_in_dim3A_503 = vector.shape_cast %select_n3A_502 : vector<16xi32> to vector<16x1xi32>
      %gather3A_504 = vector.shape_cast %broadcast_in_dim3A_503 : vector<16x1xi32> to vector<16xi32>
      %gather3A_505 = tpu.dynamic_gather %add3A_495[%gather3A_504] in [0] : vector<16xf32>, vector<16xi32> -> vector<16xf32>
      %add3A_506 = arith.addf %add3A_495, %gather3A_505 : vector<16xf32>
      %mul3A_507 = arith.mulf %get3A_406, %sub3A : vector<16xf32>
      %mul3A_508 = arith.mulf %get3A_412, %sub3A_64 : vector<16xf32>
      %add3A_509 = arith.addf %mul3A_507, %mul3A_508 : vector<16xf32>
      %mul3A_510 = arith.mulf %get3A_418, %sub3A_65 : vector<16xf32>
      %add3A_511 = arith.addf %add3A_509, %mul3A_510 : vector<16xf32>
      %mul3A_512 = arith.mulf %get3A_424, %sub3A_66 : vector<16xf32>
      %add3A_513 = arith.addf %add3A_511, %mul3A_512 : vector<16xf32>
      %lt3A_514 = arith.constant 0 : i32
      %lt3A_515 = vector.broadcast %lt3A_514 : i32 to vector<16xi32>
      %lt3A_516 = arith.cmpi slt, %xor3A_24, %lt3A_515 : vector<16xi32>
      %add3A_517 = arith.constant 16 : i32
      %add3A_518 = vector.broadcast %add3A_517 : i32 to vector<16xi32>
      %add3A_519 = arith.addi %xor3A_24, %add3A_518 : vector<16xi32>
      %select_n3A_520 = arith.select %lt3A_516, %add3A_519, %xor3A_24 : vector<16xi1>, vector<16xi32>
      %broadcast_in_dim3A_521 = vector.shape_cast %select_n3A_520 : vector<16xi32> to vector<16x1xi32>
      %gather3A_522 = vector.shape_cast %broadcast_in_dim3A_521 : vector<16x1xi32> to vector<16xi32>
      %gather3A_523 = tpu.dynamic_gather %add3A_513[%gather3A_522] in [0] : vector<16xf32>, vector<16xi32> -> vector<16xf32>
      %add3A_524 = arith.addf %add3A_513, %gather3A_523 : vector<16xf32>
      %lt3A_525 = arith.constant 0 : i32
      %lt3A_526 = vector.broadcast %lt3A_525 : i32 to vector<16xi32>
      %lt3A_527 = arith.cmpi slt, %xor3A_21, %lt3A_526 : vector<16xi32>
      %add3A_528 = arith.constant 16 : i32
      %add3A_529 = vector.broadcast %add3A_528 : i32 to vector<16xi32>
      %add3A_530 = arith.addi %xor3A_21, %add3A_529 : vector<16xi32>
      %select_n3A_531 = arith.select %lt3A_527, %add3A_530, %xor3A_21 : vector<16xi1>, vector<16xi32>
      %broadcast_in_dim3A_532 = vector.shape_cast %select_n3A_531 : vector<16xi32> to vector<16x1xi32>
      %gather3A_533 = vector.shape_cast %broadcast_in_dim3A_532 : vector<16x1xi32> to vector<16xi32>
      %gather3A_534 = tpu.dynamic_gather %add3A_524[%gather3A_533] in [0] : vector<16xf32>, vector<16xi32> -> vector<16xf32>
      %add3A_535 = arith.addf %add3A_524, %gather3A_534 : vector<16xf32>
      %mul3A_536 = arith.mulf %get3A_430, %sub3A : vector<16xf32>
      %mul3A_537 = arith.mulf %get3A_436, %sub3A_64 : vector<16xf32>
      %add3A_538 = arith.addf %mul3A_536, %mul3A_537 : vector<16xf32>
      %mul3A_539 = arith.mulf %get3A_442, %sub3A_65 : vector<16xf32>
      %add3A_540 = arith.addf %add3A_538, %mul3A_539 : vector<16xf32>
      %mul3A_541 = arith.mulf %get3A_448, %sub3A_66 : vector<16xf32>
      %add3A_542 = arith.addf %add3A_540, %mul3A_541 : vector<16xf32>
      %lt3A_543 = arith.constant 0 : i32
      %lt3A_544 = vector.broadcast %lt3A_543 : i32 to vector<16xi32>
      %lt3A_545 = arith.cmpi slt, %xor3A_24, %lt3A_544 : vector<16xi32>
      %add3A_546 = arith.constant 16 : i32
      %add3A_547 = vector.broadcast %add3A_546 : i32 to vector<16xi32>
      %add3A_548 = arith.addi %xor3A_24, %add3A_547 : vector<16xi32>
      %select_n3A_549 = arith.select %lt3A_545, %add3A_548, %xor3A_24 : vector<16xi1>, vector<16xi32>
      %broadcast_in_dim3A_550 = vector.shape_cast %select_n3A_549 : vector<16xi32> to vector<16x1xi32>
      %gather3A_551 = vector.shape_cast %broadcast_in_dim3A_550 : vector<16x1xi32> to vector<16xi32>
      %gather3A_552 = tpu.dynamic_gather %add3A_542[%gather3A_551] in [0] : vector<16xf32>, vector<16xi32> -> vector<16xf32>
      %add3A_553 = arith.addf %add3A_542, %gather3A_552 : vector<16xf32>
      %lt3A_554 = arith.constant 0 : i32
      %lt3A_555 = vector.broadcast %lt3A_554 : i32 to vector<16xi32>
      %lt3A_556 = arith.cmpi slt, %xor3A_21, %lt3A_555 : vector<16xi32>
      %add3A_557 = arith.constant 16 : i32
      %add3A_558 = vector.broadcast %add3A_557 : i32 to vector<16xi32>
      %add3A_559 = arith.addi %xor3A_21, %add3A_558 : vector<16xi32>
      %select_n3A_560 = arith.select %lt3A_556, %add3A_559, %xor3A_21 : vector<16xi1>, vector<16xi32>
      %broadcast_in_dim3A_561 = vector.shape_cast %select_n3A_560 : vector<16xi32> to vector<16x1xi32>
      %gather3A_562 = vector.shape_cast %broadcast_in_dim3A_561 : vector<16x1xi32> to vector<16xi32>
      %gather3A_563 = tpu.dynamic_gather %add3A_553[%gather3A_562] in [0] : vector<16xf32>, vector<16xi32> -> vector<16xf32>
      %add3A_564 = arith.addf %add3A_553, %gather3A_563 : vector<16xf32>
      %select_n3A_565 = arith.select %lt3A_233, %add3A_535, %add3A_564 : vector<16xi1>, vector<16xf32>
      %select_n3A_566 = arith.select %lt3A_230, %add3A_506, %select_n3A_565 : vector<16xi1>, vector<16xf32>
      %select_n3A_567 = arith.select %lt3A_227, %add3A_477, %select_n3A_566 : vector<16xi1>, vector<16xf32>
      %lt3A_568 = arith.constant 0 : i32
      %lt3A_569 = vector.broadcast %lt3A_568 : i32 to vector<16xi32>
      %lt3A_570 = arith.cmpi slt, %xor3A_15, %lt3A_569 : vector<16xi32>
      %add3A_571 = arith.constant 16 : i32
      %add3A_572 = vector.broadcast %add3A_571 : i32 to vector<16xi32>
      %add3A_573 = arith.addi %xor3A_15, %add3A_572 : vector<16xi32>
      %select_n3A_574 = arith.select %lt3A_570, %add3A_573, %xor3A_15 : vector<16xi1>, vector<16xi32>
      %broadcast_in_dim3A_575 = vector.shape_cast %select_n3A_574 : vector<16xi32> to vector<16x1xi32>
      %gather3A_576 = vector.shape_cast %broadcast_in_dim3A_575 : vector<16x1xi32> to vector<16xi32>
      %gather3A_577 = tpu.dynamic_gather %select_n3A_567[%gather3A_576] in [0] : vector<16xf32>, vector<16xi32> -> vector<16xf32>
      %add3A_578 = arith.addf %select_n3A_567, %gather3A_577 : vector<16xf32>
      %lt3A_579 = arith.constant 0 : i32
      %lt3A_580 = vector.broadcast %lt3A_579 : i32 to vector<16xi32>
      %lt3A_581 = arith.cmpi slt, %xor3A_18, %lt3A_580 : vector<16xi32>
      %add3A_582 = arith.constant 16 : i32
      %add3A_583 = vector.broadcast %add3A_582 : i32 to vector<16xi32>
      %add3A_584 = arith.addi %xor3A_18, %add3A_583 : vector<16xi32>
      %select_n3A_585 = arith.select %lt3A_581, %add3A_584, %xor3A_18 : vector<16xi1>, vector<16xi32>
      %broadcast_in_dim3A_586 = vector.shape_cast %select_n3A_585 : vector<16xi32> to vector<16x1xi32>
      %gather3A_587 = vector.shape_cast %broadcast_in_dim3A_586 : vector<16x1xi32> to vector<16xi32>
      %gather3A_588 = tpu.dynamic_gather %add3A_578[%gather3A_587] in [0] : vector<16xf32>, vector<16xi32> -> vector<16xf32>
      %add3A_589 = arith.addf %add3A_578, %gather3A_588 : vector<16xf32>
      %lt3A_590 = arith.cmpf olt, %add3A_589, %mul3A_120 : vector<16xf32>
      %jit3A = arith.constant 0.000000e+00 : f32
      %broadcast_in_dim3A_591 = vector.broadcast %scan3A_289 : f32 to vector<16xf32>
      %broadcast_in_dim3A_592 = vector.broadcast %jit3A : f32 to vector<16xf32>
      %select_n3A_593 = arith.select %lt3A_590, %broadcast_in_dim3A_591, %broadcast_in_dim3A_592 : vector<16xi1>, vector<16xf32>
      %add3A_594 = arith.addf %scan3A_340, %select_n3A_593 : vector<16xf32>
      %sub3A_595 = arith.subf %add3A_589, %add3A_171 : vector<16xf32>
      %abs3A = math.absf %sub3A_595 : vector<16xf32>
      %sub3A_596 = arith.subf %add3A_589, %add3A_222 : vector<16xf32>
      %abs3A_597 = math.absf %sub3A_596 : vector<16xf32>
      %min3A = arith.minimumf %abs3A, %abs3A_597 : vector<16xf32>
      %add3A_598 = arith.addf %scan3A_341, %min3A : vector<16xf32>
      %mul3A_599 = arith.mulf %select_n3A_593, %min3A : vector<16xf32>
      %add3A_600 = arith.addf %scan3A_342, %mul3A_599 : vector<16xf32>
      %lt3A_601 = arith.constant 0 : i32
      %lt3A_602 = vector.broadcast %lt3A_601 : i32 to vector<16xi32>
      %lt3A_603 = arith.cmpi slt, %broadcast_in_dim3A_235, %lt3A_602 : vector<16xi32>
      %add3A_604 = arith.constant 16 : i32
      %add3A_605 = vector.broadcast %add3A_604 : i32 to vector<16xi32>
      %add3A_606 = arith.addi %broadcast_in_dim3A_235, %add3A_605 : vector<16xi32>
      %select_n3A_607 = arith.select %lt3A_603, %add3A_606, %broadcast_in_dim3A_235 : vector<16xi1>, vector<16xi32>
      %broadcast_in_dim3A_608 = vector.shape_cast %select_n3A_607 : vector<16xi32> to vector<16x1xi32>
      %gather3A_609 = vector.shape_cast %broadcast_in_dim3A_608 : vector<16x1xi32> to vector<16xi32>
      %gather3A_610 = tpu.dynamic_gather %select_n3A_593[%gather3A_609] in [0] : vector<16xf32>, vector<16xi32> -> vector<16xf32>
      %mul3A_611 = arith.mulf %gather3A_610, %get3A_358 : vector<16xf32>
      %add3A_612 = arith.addf %scan3A_343, %mul3A_611 : vector<16xf32>
      %mul3A_613 = arith.mulf %gather3A_610, %get3A_364 : vector<16xf32>
      %add3A_614 = arith.addf %scan3A_344, %mul3A_613 : vector<16xf32>
      %mul3A_615 = arith.mulf %gather3A_610, %get3A_370 : vector<16xf32>
      %add3A_616 = arith.addf %scan3A_345, %mul3A_615 : vector<16xf32>
      %mul3A_617 = arith.mulf %gather3A_610, %get3A_376 : vector<16xf32>
      %add3A_618 = arith.addf %scan3A_346, %mul3A_617 : vector<16xf32>
      %add3A_619 = arith.addf %scan3A_347, %get3A_358 : vector<16xf32>
      %add3A_620 = arith.addf %scan3A_348, %get3A_364 : vector<16xf32>
      %add3A_621 = arith.addf %scan3A_349, %get3A_370 : vector<16xf32>
      %add3A_622 = arith.addf %scan3A_350, %get3A_376 : vector<16xf32>
      %lt3A_623 = arith.constant 0 : i32
      %lt3A_624 = vector.broadcast %lt3A_623 : i32 to vector<16xi32>
      %lt3A_625 = arith.cmpi slt, %broadcast_in_dim3A_237, %lt3A_624 : vector<16xi32>
      %add3A_626 = arith.constant 16 : i32
      %add3A_627 = vector.broadcast %add3A_626 : i32 to vector<16xi32>
      %add3A_628 = arith.addi %broadcast_in_dim3A_237, %add3A_627 : vector<16xi32>
      %select_n3A_629 = arith.select %lt3A_625, %add3A_628, %broadcast_in_dim3A_237 : vector<16xi1>, vector<16xi32>
      %broadcast_in_dim3A_630 = vector.shape_cast %select_n3A_629 : vector<16xi32> to vector<16x1xi32>
      %gather3A_631 = vector.shape_cast %broadcast_in_dim3A_630 : vector<16x1xi32> to vector<16xi32>
      %gather3A_632 = tpu.dynamic_gather %select_n3A_593[%gather3A_631] in [0] : vector<16xf32>, vector<16xi32> -> vector<16xf32>
      %mul3A_633 = arith.mulf %gather3A_632, %get3A_382 : vector<16xf32>
      %add3A_634 = arith.addf %add3A_612, %mul3A_633 : vector<16xf32>
      %mul3A_635 = arith.mulf %gather3A_632, %get3A_388 : vector<16xf32>
      %add3A_636 = arith.addf %add3A_614, %mul3A_635 : vector<16xf32>
      %mul3A_637 = arith.mulf %gather3A_632, %get3A_394 : vector<16xf32>
      %add3A_638 = arith.addf %add3A_616, %mul3A_637 : vector<16xf32>
      %mul3A_639 = arith.mulf %gather3A_632, %get3A_400 : vector<16xf32>
      %add3A_640 = arith.addf %add3A_618, %mul3A_639 : vector<16xf32>
      %add3A_641 = arith.addf %add3A_619, %get3A_382 : vector<16xf32>
      %add3A_642 = arith.addf %add3A_620, %get3A_388 : vector<16xf32>
      %add3A_643 = arith.addf %add3A_621, %get3A_394 : vector<16xf32>
      %add3A_644 = arith.addf %add3A_622, %get3A_400 : vector<16xf32>
      %lt3A_645 = arith.constant 0 : i32
      %lt3A_646 = vector.broadcast %lt3A_645 : i32 to vector<16xi32>
      %lt3A_647 = arith.cmpi slt, %broadcast_in_dim3A_239, %lt3A_646 : vector<16xi32>
      %add3A_648 = arith.constant 16 : i32
      %add3A_649 = vector.broadcast %add3A_648 : i32 to vector<16xi32>
      %add3A_650 = arith.addi %broadcast_in_dim3A_239, %add3A_649 : vector<16xi32>
      %select_n3A_651 = arith.select %lt3A_647, %add3A_650, %broadcast_in_dim3A_239 : vector<16xi1>, vector<16xi32>
      %broadcast_in_dim3A_652 = vector.shape_cast %select_n3A_651 : vector<16xi32> to vector<16x1xi32>
      %gather3A_653 = vector.shape_cast %broadcast_in_dim3A_652 : vector<16x1xi32> to vector<16xi32>
      %gather3A_654 = tpu.dynamic_gather %select_n3A_593[%gather3A_653] in [0] : vector<16xf32>, vector<16xi32> -> vector<16xf32>
      %mul3A_655 = arith.mulf %gather3A_654, %get3A_406 : vector<16xf32>
      %add3A_656 = arith.addf %add3A_634, %mul3A_655 : vector<16xf32>
      %mul3A_657 = arith.mulf %gather3A_654, %get3A_412 : vector<16xf32>
      %add3A_658 = arith.addf %add3A_636, %mul3A_657 : vector<16xf32>
      %mul3A_659 = arith.mulf %gather3A_654, %get3A_418 : vector<16xf32>
      %add3A_660 = arith.addf %add3A_638, %mul3A_659 : vector<16xf32>
      %mul3A_661 = arith.mulf %gather3A_654, %get3A_424 : vector<16xf32>
      %add3A_662 = arith.addf %add3A_640, %mul3A_661 : vector<16xf32>
      %add3A_663 = arith.addf %add3A_641, %get3A_406 : vector<16xf32>
      %add3A_664 = arith.addf %add3A_642, %get3A_412 : vector<16xf32>
      %add3A_665 = arith.addf %add3A_643, %get3A_418 : vector<16xf32>
      %add3A_666 = arith.addf %add3A_644, %get3A_424 : vector<16xf32>
      %lt3A_667 = arith.constant 0 : i32
      %lt3A_668 = vector.broadcast %lt3A_667 : i32 to vector<16xi32>
      %lt3A_669 = arith.cmpi slt, %broadcast_in_dim3A_241, %lt3A_668 : vector<16xi32>
      %add3A_670 = arith.constant 16 : i32
      %add3A_671 = vector.broadcast %add3A_670 : i32 to vector<16xi32>
      %add3A_672 = arith.addi %broadcast_in_dim3A_241, %add3A_671 : vector<16xi32>
      %select_n3A_673 = arith.select %lt3A_669, %add3A_672, %broadcast_in_dim3A_241 : vector<16xi1>, vector<16xi32>
      %broadcast_in_dim3A_674 = vector.shape_cast %select_n3A_673 : vector<16xi32> to vector<16x1xi32>
      %gather3A_675 = vector.shape_cast %broadcast_in_dim3A_674 : vector<16x1xi32> to vector<16xi32>
      %gather3A_676 = tpu.dynamic_gather %select_n3A_593[%gather3A_675] in [0] : vector<16xf32>, vector<16xi32> -> vector<16xf32>
      %mul3A_677 = arith.mulf %gather3A_676, %get3A_430 : vector<16xf32>
      %add3A_678 = arith.addf %add3A_656, %mul3A_677 : vector<16xf32>
      %mul3A_679 = arith.mulf %gather3A_676, %get3A_436 : vector<16xf32>
      %add3A_680 = arith.addf %add3A_658, %mul3A_679 : vector<16xf32>
      %mul3A_681 = arith.mulf %gather3A_676, %get3A_442 : vector<16xf32>
      %add3A_682 = arith.addf %add3A_660, %mul3A_681 : vector<16xf32>
      %mul3A_683 = arith.mulf %gather3A_676, %get3A_448 : vector<16xf32>
      %add3A_684 = arith.addf %add3A_662, %mul3A_683 : vector<16xf32>
      %add3A_685 = arith.addf %add3A_663, %get3A_430 : vector<16xf32>
      %add3A_686 = arith.addf %add3A_664, %get3A_436 : vector<16xf32>
      %add3A_687 = arith.addf %add3A_665, %get3A_442 : vector<16xf32>
      %add3A_688 = arith.addf %add3A_666, %get3A_448 : vector<16xf32>
      scf.yield %add3A_594, %add3A_598, %add3A_600, %add3A_678, %add3A_680, %add3A_682, %add3A_684, %add3A_685, %add3A_686, %add3A_687, %add3A_688 : vector<16xf32>, vector<16xf32>, vector<16xf32>, vector<16xf32>, vector<16xf32>, vector<16xf32>, vector<16xf32>, vector<16xf32>, vector<16xf32>, vector<16xf32>, vector<16xf32>
    }
    %scan3A_295 = arith.constant 32 : i32
    %swap3A = arith.constant 0 : index
    %swap3A_296 = tpu.vector_load %arg8[%swap3A] {strides = array<i32>} : memref<176xf32, #tpu.memory_space<vmem>>, vector<16xf32>,
    %swap3A_297 = vector.shape_cast %swap3A_296 : vector<16xf32> to vector<16xf32>
    %swap3A_298 = vector.shape_cast %scan3A_294#3 : vector<16xf32> to vector<16xf32>
    tpu.vector_store %arg8[%swap3A], %swap3A_298 {strides = array<i32>} : memref<176xf32, #tpu.memory_space<vmem>>, vector<16xf32>,
    %swap3A_299 = arith.constant 64 : index
    %swap3A_300 = tpu.vector_load %arg8[%swap3A_299] {strides = array<i32>} : memref<176xf32, #tpu.memory_space<vmem>>, vector<16xf32>,
    %swap3A_301 = vector.shape_cast %swap3A_300 : vector<16xf32> to vector<16xf32>
    %swap3A_302 = vector.shape_cast %scan3A_294#7 : vector<16xf32> to vector<16xf32>
    tpu.vector_store %arg8[%swap3A_299], %swap3A_302 {strides = array<i32>} : memref<176xf32, #tpu.memory_space<vmem>>, vector<16xf32>,
    %swap3A_303 = arith.constant 16 : index
    %swap3A_304 = tpu.vector_load %arg8[%swap3A_303] {strides = array<i32>} : memref<176xf32, #tpu.memory_space<vmem>>, vector<16xf32>,
    %swap3A_305 = vector.shape_cast %swap3A_304 : vector<16xf32> to vector<16xf32>
    %swap3A_306 = vector.shape_cast %scan3A_294#4 : vector<16xf32> to vector<16xf32>
    tpu.vector_store %arg8[%swap3A_303], %swap3A_306 {strides = array<i32>} : memref<176xf32, #tpu.memory_space<vmem>>, vector<16xf32>,
    %swap3A_307 = arith.constant 80 : index
    %swap3A_308 = tpu.vector_load %arg8[%swap3A_307] {strides = array<i32>} : memref<176xf32, #tpu.memory_space<vmem>>, vector<16xf32>,
    %swap3A_309 = vector.shape_cast %swap3A_308 : vector<16xf32> to vector<16xf32>
    %swap3A_310 = vector.shape_cast %scan3A_294#8 : vector<16xf32> to vector<16xf32>
    tpu.vector_store %arg8[%swap3A_307], %swap3A_310 {strides = array<i32>} : memref<176xf32, #tpu.memory_space<vmem>>, vector<16xf32>,
    %swap3A_311 = arith.constant 32 : index
    %swap3A_312 = tpu.vector_load %arg8[%swap3A_311] {strides = array<i32>} : memref<176xf32, #tpu.memory_space<vmem>>, vector<16xf32>,
    %swap3A_313 = vector.shape_cast %swap3A_312 : vector<16xf32> to vector<16xf32>
    %swap3A_314 = vector.shape_cast %scan3A_294#5 : vector<16xf32> to vector<16xf32>
    tpu.vector_store %arg8[%swap3A_311], %swap3A_314 {strides = array<i32>} : memref<176xf32, #tpu.memory_space<vmem>>, vector<16xf32>,
    %swap3A_315 = arith.constant 96 : index
    %swap3A_316 = tpu.vector_load %arg8[%swap3A_315] {strides = array<i32>} : memref<176xf32, #tpu.memory_space<vmem>>, vector<16xf32>,
    %swap3A_317 = vector.shape_cast %swap3A_316 : vector<16xf32> to vector<16xf32>
    %swap3A_318 = vector.shape_cast %scan3A_294#9 : vector<16xf32> to vector<16xf32>
    tpu.vector_store %arg8[%swap3A_315], %swap3A_318 {strides = array<i32>} : memref<176xf32, #tpu.memory_space<vmem>>, vector<16xf32>,
    %swap3A_319 = arith.constant 48 : index
    %swap3A_320 = tpu.vector_load %arg8[%swap3A_319] {strides = array<i32>} : memref<176xf32, #tpu.memory_space<vmem>>, vector<16xf32>,
    %swap3A_321 = vector.shape_cast %swap3A_320 : vector<16xf32> to vector<16xf32>
    %swap3A_322 = vector.shape_cast %scan3A_294#6 : vector<16xf32> to vector<16xf32>
    tpu.vector_store %arg8[%swap3A_319], %swap3A_322 {strides = array<i32>} : memref<176xf32, #tpu.memory_space<vmem>>, vector<16xf32>,
    %swap3A_323 = arith.constant 112 : index
    %swap3A_324 = tpu.vector_load %arg8[%swap3A_323] {strides = array<i32>} : memref<176xf32, #tpu.memory_space<vmem>>, vector<16xf32>,
    %swap3A_325 = vector.shape_cast %swap3A_324 : vector<16xf32> to vector<16xf32>
    %swap3A_326 = vector.shape_cast %scan3A_294#10 : vector<16xf32> to vector<16xf32>
    tpu.vector_store %arg8[%swap3A_323], %swap3A_326 {strides = array<i32>} : memref<176xf32, #tpu.memory_space<vmem>>, vector<16xf32>,
    %swap3A_327 = arith.constant 128 : index
    %swap3A_328 = tpu.vector_load %arg8[%swap3A_327] {strides = array<i32>} : memref<176xf32, #tpu.memory_space<vmem>>, vector<16xf32>,
    %swap3A_329 = vector.shape_cast %swap3A_328 : vector<16xf32> to vector<16xf32>
    %swap3A_330 = vector.shape_cast %scan3A_294#0 : vector<16xf32> to vector<16xf32>
    tpu.vector_store %arg8[%swap3A_327], %swap3A_330 {strides = array<i32>} : memref<176xf32, #tpu.memory_space<vmem>>, vector<16xf32>,
    %swap3A_331 = arith.constant 144 : index
    %swap3A_332 = tpu.vector_load %arg8[%swap3A_331] {strides = array<i32>} : memref<176xf32, #tpu.memory_space<vmem>>, vector<16xf32>,
    %swap3A_333 = vector.shape_cast %swap3A_332 : vector<16xf32> to vector<16xf32>
    %swap3A_334 = vector.shape_cast %scan3A_294#1 : vector<16xf32> to vector<16xf32>
    tpu.vector_store %arg8[%swap3A_331], %swap3A_334 {strides = array<i32>} : memref<176xf32, #tpu.memory_space<vmem>>, vector<16xf32>,
    %swap3A_335 = arith.constant 160 : index
    %swap3A_336 = tpu.vector_load %arg8[%swap3A_335] {strides = array<i32>} : memref<176xf32, #tpu.memory_space<vmem>>, vector<16xf32>,
    %swap3A_337 = vector.shape_cast %swap3A_336 : vector<16xf32> to vector<16xf32>
    %swap3A_338 = vector.shape_cast %scan3A_294#2 : vector<16xf32> to vector<16xf32>
    tpu.vector_store %arg8[%swap3A_335], %swap3A_338 {strides = array<i32>} : memref<176xf32, #tpu.memory_space<vmem>>, vector<16xf32>,
    "tpu.region"() ({
      %run_scoped3A = tpu.sem_alloc : memref<!tpu.dma_semaphore, #tpu.memory_space<semaphore_mem>>
      %dma_start3A_339 = arith.constant 0 : i32
      %dma_start3A_340 = tpu.memref_slice %arg4[%add3A, %dma_start3A_339] : memref<32x176xf32, #tpu.memory_space<hbm>> -> memref<1x176xf32, #tpu.memory_space<hbm>>
      %dma_start3A_341 = tpu.memref_squeeze %dma_start3A_340 : memref<1x176xf32, #tpu.memory_space<hbm>> -> memref<176xf32, #tpu.memory_space<hbm>>
      %dma_start3A_342 = arith.constant 0 : i32
      %dma_start3A_343 = tpu.memref_slice %arg4[%add3A, %dma_start3A_342] : memref<32x176xf32, #tpu.memory_space<hbm>> -> memref<1x176xf32, #tpu.memory_space<hbm>>
      %dma_start3A_344 = tpu.memref_squeeze %dma_start3A_343 : memref<1x176xf32, #tpu.memory_space<hbm>> -> memref<176xf32, #tpu.memory_space<hbm>>
      tpu.enqueue_dma source(%arg8 : memref<176xf32, #tpu.memory_space<vmem>>) target(%dma_start3A_344 : memref<176xf32, #tpu.memory_space<hbm>>) target_semaphore(%run_scoped3A : memref<!tpu.dma_semaphore, #tpu.memory_space<semaphore_mem>>)
      %dma_wait3A_345 = arith.constant 0 : i32
      %dma_wait3A_346 = tpu.memref_slice %arg4[%add3A, %dma_wait3A_345] : memref<32x176xf32, #tpu.memory_space<hbm>> -> memref<1x176xf32, #tpu.memory_space<hbm>>
      %dma_wait3A_347 = tpu.memref_squeeze %dma_wait3A_346 : memref<1x176xf32, #tpu.memory_space<hbm>> -> memref<176xf32, #tpu.memory_space<hbm>>
      %dma_wait3A_348 = arith.constant 0 : i32
      %dma_wait3A_349 = tpu.memref_slice %arg4[%add3A, %dma_wait3A_348] : memref<32x176xf32, #tpu.memory_space<hbm>> -> memref<1x176xf32, #tpu.memory_space<hbm>>
      %dma_wait3A_350 = tpu.memref_squeeze %dma_wait3A_349 : memref<1x176xf32, #tpu.memory_space<hbm>> -> memref<176xf32, #tpu.memory_space<hbm>>
      tpu.wait_dma2 semaphore(%run_scoped3A : memref<!tpu.dma_semaphore, #tpu.memory_space<semaphore_mem>>) src(%arg8 : memref<176xf32, #tpu.memory_space<vmem>>) dst(%dma_wait3A_350 : memref<176xf32, #tpu.memory_space<hbm>>)
      tpu.yield
    }) : () -> ()
    return
  }
}

module attributes {stable_mosaic.version = 14 : i64} {
  func.func @_finish_body(%arg0: memref<32x176xf32, #tpu.memory_space<vmem>>, %arg1: memref<2x64xf32, #tpu.memory_space<vmem>>, %arg2: memref<1x1xf32, #tpu.memory_space<vmem>>) attributes {dimension_semantics = [], scalar_prefetch = 0 : i64, scratch_operands = 0 : i64, tpu.core_type = #tpu.core_type<tc>} {
    %get3A = arith.constant 0 : index
    %get3A_0 = arith.constant 0 : index
    %get3A_1 = vector.load %arg0[%get3A, %get3A_0] : memref<32x176xf32, #tpu.memory_space<vmem>>, vector<32x176xf32>
    %get3A_2 = arith.constant 0 : index
    %get3A_3 = arith.constant 0 : index
    %get3A_4 = vector.load %arg1[%get3A_2, %get3A_3] : memref<2x64xf32, #tpu.memory_space<vmem>>, vector<2x64xf32>
    %slice3A = vector.extract_strided_slice %get3A_1 {offsets = [0, 0], sizes = [32, 64], strides = [1, 1]} : vector<32x176xf32> to vector<32x64xf32>
    %reduce_sum3A = arith.constant dense<0.000000e+00> : vector<64xf32>
    %reduce_sum3A_5 = vector.multi_reduction <add>, %slice3A, %reduce_sum3A [0] : vector<32x64xf32> to vector<64xf32>
    %slice3A_6 = vector.extract_strided_slice %get3A_1 {offsets = [0, 64], sizes = [32, 64], strides = [1, 1]} : vector<32x176xf32> to vector<32x64xf32>
    %reduce_sum3A_7 = arith.constant dense<0.000000e+00> : vector<64xf32>
    %reduce_sum3A_8 = vector.multi_reduction <add>, %slice3A_6, %reduce_sum3A_7 [0] : vector<32x64xf32> to vector<64xf32>
    %slice3A_9 = vector.extract_strided_slice %get3A_1 {offsets = [0, 128], sizes = [32, 16], strides = [1, 1]} : vector<32x176xf32> to vector<32x16xf32>
    %reduce_sum3A_10 = vector.shape_cast %slice3A_9 : vector<32x16xf32> to vector<1x32x16xf32>
    %reduce_sum3A_11 = arith.constant dense<0.000000e+00> : vector<1xf32>
    %reduce_sum3A_12 = vector.multi_reduction <add>, %reduce_sum3A_10, %reduce_sum3A_11 [1, 2] : vector<1x32x16xf32> to vector<1xf32>
    %reduce_sum3A_13 = vector.shape_cast %reduce_sum3A_12 : vector<1xf32> to vector<1x1x1xf32>
    %reduce_sum3A_14 = vector.extract %reduce_sum3A_13[0, 0, 0] : f32 from vector<1x1x1xf32>
    %mul3A = arith.constant 2.500000e-01 : f32
    %mul3A_15 = arith.mulf %reduce_sum3A_14, %mul3A : f32
    %slice3A_16 = vector.extract_strided_slice %get3A_1 {offsets = [0, 144], sizes = [32, 16], strides = [1, 1]} : vector<32x176xf32> to vector<32x16xf32>
    %reduce_sum3A_17 = vector.shape_cast %slice3A_16 : vector<32x16xf32> to vector<1x32x16xf32>
    %reduce_sum3A_18 = arith.constant dense<0.000000e+00> : vector<1xf32>
    %reduce_sum3A_19 = vector.multi_reduction <add>, %reduce_sum3A_17, %reduce_sum3A_18 [1, 2] : vector<1x32x16xf32> to vector<1xf32>
    %reduce_sum3A_20 = vector.shape_cast %reduce_sum3A_19 : vector<1xf32> to vector<1x1x1xf32>
    %reduce_sum3A_21 = vector.extract %reduce_sum3A_20[0, 0, 0] : f32 from vector<1x1x1xf32>
    %mul3A_22 = arith.constant 2.500000e-01 : f32
    %mul3A_23 = arith.mulf %reduce_sum3A_21, %mul3A_22 : f32
    %slice3A_24 = vector.extract_strided_slice %get3A_1 {offsets = [0, 160], sizes = [32, 16], strides = [1, 1]} : vector<32x176xf32> to vector<32x16xf32>
    %reduce_sum3A_25 = vector.shape_cast %slice3A_24 : vector<32x16xf32> to vector<1x32x16xf32>
    %reduce_sum3A_26 = arith.constant dense<0.000000e+00> : vector<1xf32>
    %reduce_sum3A_27 = vector.multi_reduction <add>, %reduce_sum3A_25, %reduce_sum3A_26 [1, 2] : vector<1x32x16xf32> to vector<1xf32>
    %reduce_sum3A_28 = vector.shape_cast %reduce_sum3A_27 : vector<1xf32> to vector<1x1x1xf32>
    %reduce_sum3A_29 = vector.extract %reduce_sum3A_28[0, 0, 0] : f32 from vector<1x1x1xf32>
    %mul3A_30 = arith.constant 2.500000e-01 : f32
    %mul3A_31 = arith.mulf %reduce_sum3A_29, %mul3A_30 : f32
    %sub3A = arith.subf %mul3A_23, %mul3A_31 : f32
    %sub3A_32 = arith.subf %reduce_sum3A_8, %reduce_sum3A_5 : vector<64xf32>
    %sub3A_33 = arith.constant 1.638400e+04 : f32
    %sub3A_34 = arith.subf %sub3A_33, %mul3A_15 : f32
    %max3A = arith.constant 1.000000e+00 : f32
    %max3A_35 = arith.maximumf %sub3A_34, %max3A : f32
    %max3A_36 = arith.constant 1.000000e+00 : f32
    %max3A_37 = arith.maximumf %mul3A_15, %max3A_36 : f32
    %div3A = vector.broadcast %max3A_35 : f32 to vector<64xf32>
    %div3A_38 = arith.divf %sub3A_32, %div3A : vector<64xf32>
    %div3A_39 = vector.broadcast %max3A_37 : f32 to vector<64xf32>
    %div3A_40 = arith.divf %reduce_sum3A_5, %div3A_39 : vector<64xf32>
    %slice3A_41 = vector.extract_strided_slice %get3A_4 {offsets = [0, 0], sizes = [1, 64], strides = [1, 1]} : vector<2x64xf32> to vector<1x64xf32>
    %squeeze3A = vector.shape_cast %slice3A_41 : vector<1x64xf32> to vector<64xf32>
    %sub3A_42 = arith.subf %squeeze3A, %div3A_38 : vector<64xf32>
    %integer_pow3A = arith.mulf %sub3A_42, %sub3A_42 : vector<64xf32>
    %reduce_sum3A_43 = vector.shape_cast %integer_pow3A : vector<64xf32> to vector<1x64xf32>
    %reduce_sum3A_44 = arith.constant dense<0.000000e+00> : vector<1xf32>
    %reduce_sum3A_45 = vector.multi_reduction <add>, %reduce_sum3A_43, %reduce_sum3A_44 [1] : vector<1x64xf32> to vector<1xf32>
    %reduce_sum3A_46 = vector.shape_cast %reduce_sum3A_45 : vector<1xf32> to vector<1x1xf32>
    %reduce_sum3A_47 = vector.extract %reduce_sum3A_46[0, 0] : f32 from vector<1x1xf32>
    %sqrt3A = math.sqrt %reduce_sum3A_47 : f32
    %slice3A_48 = vector.extract_strided_slice %get3A_4 {offsets = [1, 0], sizes = [1, 64], strides = [1, 1]} : vector<2x64xf32> to vector<1x64xf32>
    %squeeze3A_49 = vector.shape_cast %slice3A_48 : vector<1x64xf32> to vector<64xf32>
    %sub3A_50 = arith.subf %squeeze3A_49, %div3A_40 : vector<64xf32>
    %integer_pow3A_51 = arith.mulf %sub3A_50, %sub3A_50 : vector<64xf32>
    %reduce_sum3A_52 = vector.shape_cast %integer_pow3A_51 : vector<64xf32> to vector<1x64xf32>
    %reduce_sum3A_53 = arith.constant dense<0.000000e+00> : vector<1xf32>
    %reduce_sum3A_54 = vector.multi_reduction <add>, %reduce_sum3A_52, %reduce_sum3A_53 [1] : vector<1x64xf32> to vector<1xf32>
    %reduce_sum3A_55 = vector.shape_cast %reduce_sum3A_54 : vector<1xf32> to vector<1x1xf32>
    %reduce_sum3A_56 = vector.extract %reduce_sum3A_55[0, 0] : f32 from vector<1x1xf32>
    %sqrt3A_57 = math.sqrt %reduce_sum3A_56 : f32
    %add3A = arith.addf %sqrt3A, %sqrt3A_57 : f32
    %mul3A_58 = arith.constant 5.000000e-01 : f32
    %mul3A_59 = arith.mulf %mul3A_58, %add3A : f32
    %slice3A_60 = vector.extract_strided_slice %get3A_4 {offsets = [0, 0], sizes = [1, 64], strides = [1, 1]} : vector<2x64xf32> to vector<1x64xf32>
    %squeeze3A_61 = vector.shape_cast %slice3A_60 : vector<1x64xf32> to vector<64xf32>
    %slice3A_62 = vector.extract_strided_slice %get3A_4 {offsets = [1, 0], sizes = [1, 64], strides = [1, 1]} : vector<2x64xf32> to vector<1x64xf32>
    %squeeze3A_63 = vector.shape_cast %slice3A_62 : vector<1x64xf32> to vector<64xf32>
    %sub3A_64 = arith.subf %squeeze3A_61, %squeeze3A_63 : vector<64xf32>
    %mul3A_65 = arith.mulf %sub3A_64, %sub3A_64 : vector<64xf32>
    %reduce_sum3A_66 = vector.shape_cast %mul3A_65 : vector<64xf32> to vector<1x64xf32>
    %reduce_sum3A_67 = arith.constant dense<0.000000e+00> : vector<1xf32>
    %reduce_sum3A_68 = vector.multi_reduction <add>, %reduce_sum3A_66, %reduce_sum3A_67 [1] : vector<1x64xf32> to vector<1xf32>
    %reduce_sum3A_69 = vector.shape_cast %reduce_sum3A_68 : vector<1xf32> to vector<1x1xf32>
    %reduce_sum3A_70 = vector.extract %reduce_sum3A_69[0, 0] : f32 from vector<1x1xf32>
    %sqrt3A_71 = math.sqrt %reduce_sum3A_70 : f32
    %add3A_72 = arith.constant 9.99999996E-13 : f32
    %add3A_73 = arith.addf %sqrt3A_71, %add3A_72 : f32
    %div3A_74 = arith.divf %sub3A, %max3A_35 : f32
    %div3A_75 = arith.divf %mul3A_31, %max3A_37 : f32
    %add3A_76 = arith.addf %div3A_74, %div3A_75 : f32
    %mul3A_77 = arith.constant 5.000000e-01 : f32
    %mul3A_78 = arith.mulf %mul3A_77, %add3A_76 : f32
    %div3A_79 = arith.divf %mul3A_78, %add3A_73 : f32
    %add3A_80 = arith.addf %mul3A_59, %div3A_79 : f32
    %reshape3A = vector.broadcast %add3A_80 : f32 to vector<1x1xf32>
    %swap3A = arith.constant 0 : index
    %swap3A_81 = arith.constant 0 : index
    %swap3A_82 = vector.load %arg2[%swap3A, %swap3A_81] : memref<1x1xf32, #tpu.memory_space<vmem>>, vector<1x1xf32>
    tpu.vector_store %arg2[%swap3A, %swap3A_81], %reshape3A {strides = array<i32>} : memref<1x1xf32, #tpu.memory_space<vmem>>, vector<1x1xf32>,
    return
  }
}

</mosaic_0001>

<sc_bundles>
// kernel: kernel.4.cloned.1.call-start
scs
__scs_entry_jumppad:
0x0: {  	(pc) =	sbr.rel $0x88, $3  }
0x1: {  	(tag) =	ssettag $0x0;
	lr =	simm.s32 $0x1  }
0x2: {  	[smem:$0x3F9F] =	sst lr;
	_ =	strace $0xD0000000  }
0x3: {  	_ = 	snop  }
0x4: {  	_ = 	snop  }
0x5: {  	_ = 	snop  }
0x6: {  	_ = 	snop  }
0x7: {  	_ = 	snop  }
__scs_overlays_trampoline_lowered:
0x8: {  	[smem:$0x3FAE] =	sst s0  }
0x9: {  	[smem:$0x3FAF] =	sst s1  }
0xa: {  	[smem:$0x3FB0] =	sst s2  }
0xb: {  	[smem:$0x3FB1] =	sst s3  }
0xc: {  	[smem:$0x3FB2] =	sst s4  }
0xd: {  	[smem:$0x3FB3] =	sst s5  }
0xe: {  	[smem:$0x3FB4] =	sst s6  }
0xf: {  	[smem:$0x3FB5] =	sst s7  }
0x10: {  	[smem:$0x3FB6] =	sst s8  }
0x11: {  	[smem:$0x3FB7] =	sst s9;
	s0 =	simm.s32 @!p0 $0x0  }
0x12: {  	s1 =	sld [smem:$0x3F9D];
	s0 =	simm.s32 @p0 $0x1  }
0x13: {  	[smem:$0x3FB8] =	sst s0;
	s0 =	simm.s32 @!p1 $0x0  }
0x14: {  	s2 =	sld [smem:$0x3F9C];
	s0 =	simm.s32 @p1 $0x1  }
0x15: {  	[smem:$0x3FB9] =	sst s0;
	s0 =	simm.s32 @!p2 $0x0  }
0x16: {  	s3 =	sld [smem:$0x3FDB];
	s0 =	simm.s32 @p2 $0x1  }
0x17: {  	s4 =	simm.s32 $0x1BF5;
	[smem:$0x3FBB] =	sst s0  }
0x18: {  	s0 =	sld [smem:$0x3F9E];
	_ =	swait.ge [sflag:s4], $0x0  }
0x19: {  	s7 =	sld [smem:$0x3F9F]  }
0x1a: {  	s8 =	sadd.s32 $0xFFFFE003, lr  }
0x1b: {  	s9 =	sadd.s32 $0xFFFFFEF7, lr;
	s5 =	simm.s32 $0xFFFFFFFF;
	p2 =	slt.u32 s8, $0xFFFFF086  }
0x1c: {  	p1 =	slt.u32 s9, $0xF7A;
	s5 =	simm.s32 @!p2 $0x0  }
0x1d: {  	s5 =	simm.s32 @p1 $0x1;
	p0 =	seq.s32 s7, s2  }
0x1e: {  	s7 =	smul.u32 @!p0 $0xF7A, s2;
	p2 =	seq.s32 @!p0 s5, $0x0  }
0x1f: {  	s9 =	smul.u32 $0xF7A, s1;
	s8 =	simm.s32 @!p0 $0x1BF5;
	p2 =	por !p2, p0  }
0x20: {  	[sflag:s8] =	ssyncset.s32 @!p0 $0xFFFFF086;
	s6 =	sadd.s32 @!p0 s3, s7;
	s7 =	simm.s32 @!p0 $0x108  }
0x21: {  	s3 =	sadd.s32 s3, s9;
	s6 =	sadd.s32 @!p0 $0x88, s6;
	s7 =	simm.s32 @p2 $0x1082  }
0x22: {  	[simem:s7], [sflag:s8] =	dma.local @!p0 [hbm:s6], $0xF7A  }
0x23: {  	s9 =	sor.u32 $0xD0000000, s2;
	s6 =	simm.s32 $0x108;
	_ =	swait.ge @!p0 [sflag:s8], $0x0  }
0x24: {  	s3 =	sadd.s32 $0x88, s3;
	s6 =	simm.s32 @!p1 $0x1082;
	[sflag:s4] =	ssyncset.s32 $0xFFFFF086  }
0x25: {  	[simem:s6], [sflag:s4] =	dma.local [hbm:s3], $0xF7A  }
0x26: {  	[smem:$0x3F9F] =	sst s1;
	(tag) =	ssettag s2;
	_ =	strace s9  }
0x27: {  	s1 =	sld [smem:$0x3FAF]  }
0x28: {  	s2 =	sld [smem:$0x3FB0]  }
0x29: {  	s4 =	sld [smem:$0x3FB2]  }
0x2a: {  	p0 =	seq.s32 s5, $0x0;
	s5 =	sld [smem:$0x3FB3]  }
0x2b: {  	s6 =	sld [smem:$0x3FB4]  }
0x2c: {  	s7 =	sld [smem:$0x3FB5]  }
0x2d: {  	s3 =	simm.s32 $0x108;
	s8 =	sld [smem:$0x3FB6]  }
0x2e: {  	s3 =	simm.s32 @!p0 $0x1082;
	s9 =	sld [smem:$0x3FB7]  }
0x2f: {  	lr =	sadd.s32 s0, s3;
	s0 =	sld [smem:$0x3FAE]  }
0x30: {  	s3 =	sld [smem:$0x3FB1]  }
0x31: {  	[smem:$0x3FBA] =	sst s10  }
0x32: {  	s10 =	sld [smem:$0x3FB8];
	_ =	sdelay $0x3  }
0x33: {  	p0 =	seq.s32 s10, $0x1;
	s10 =	sld [smem:$0x3FBA];
	_ =	sdelay $0x3  }
0x34: {  	[smem:$0x3FBA] =	sst s10  }
0x35: {  	s10 =	sld [smem:$0x3FB9];
	_ =	sdelay $0x3  }
0x36: {  	p1 =	seq.s32 s10, $0x1;
	s10 =	sld [smem:$0x3FBA];
	_ =	sdelay $0x3  }
0x37: {  	[smem:$0x3FBA] =	sst s10  }
0x38: {  	s10 =	sld [smem:$0x3FBB]  }
0x39: {  	_ = 	snop;
	(pc) =	sbr.ind lr, $3  }
0x3a: {  	_ = 	snop  }
0x3b: {  	_ = 	snop  }
0x3c: {  	p2 =	seq.s32 s10, $0x1;
	s10 =	sld [smem:$0x3FBA]  }
0x3d: {  	_ =	shalt  }
0x3e: {  	_ =	shalt  }
0x3f: {  	_ =	shalt  }
0x40: {  	_ =	shalt  }
0x41: {  	_ =	shalt  }
0x42: {  	_ =	shalt  }
0x43: {  	_ =	shalt  }
0x44: {  	_ =	shalt  }
0x45: {  	_ =	shalt  }
0x46: {  	_ =	shalt  }
0x47: {  	_ =	shalt  }
0x48: {  	_ =	shalt  }
0x49: {  	_ =	shalt  }
0x4a: {  	_ =	shalt  }
0x4b: {  	_ =	shalt  }
0x4c: {  	_ =	shalt  }
0x4d: {  	_ =	shalt  }
0x4e: {  	_ =	shalt  }
0x4f: {  	_ =	shalt  }
0x50: {  	_ =	shalt  }
0x51: {  	_ =	shalt  }
0x52: {  	_ =	shalt  }
0x53: {  	_ =	shalt  }
0x54: {  	_ =	shalt  }
0x55: {  	_ =	shalt  }
0x56: {  	_ =	shalt  }
0x57: {  	_ =	shalt  }
0x58: {  	_ =	shalt  }
0x59: {  	_ =	shalt  }
0x5a: {  	_ =	shalt  }
0x5b: {  	_ =	shalt  }
0x5c: {  	_ =	shalt  }
0x5d: {  	_ =	shalt  }
0x5e: {  	_ =	shalt  }
0x5f: {  	_ =	shalt  }
0x60: {  	_ =	shalt  }
0x61: {  	_ =	shalt  }
0x62: {  	_ =	shalt  }
0x63: {  	_ =	shalt  }
0x64: {  	_ =	shalt  }
0x65: {  	_ =	shalt  }
0x66: {  	_ =	shalt  }
0x67: {  	_ =	shalt  }
0x68: {  	_ =	shalt  }
0x69: {  	_ =	shalt  }
0x6a: {  	_ =	shalt  }
0x6b: {  	_ =	shalt  }
0x6c: {  	_ =	shalt  }
0x6d: {  	_ =	shalt  }
0x6e: {  	_ =	shalt  }
0x6f: {  	_ =	shalt  }
0x70: {  	_ =	shalt  }
0x71: {  	_ =	shalt  }
0x72: {  	_ =	shalt  }
0x73: {  	_ =	shalt  }
0x74: {  	_ =	shalt  }
0x75: {  	_ =	shalt  }
0x76: {  	_ =	shalt  }
0x77: {  	_ =	shalt  }
0x78: {  	_ =	shalt  }
0x79: {  	_ =	shalt  }
0x7a: {  	_ =	shalt  }
0x7b: {  	_ =	shalt  }
0x7c: {  	_ =	shalt  }
0x7d: {  	_ =	shalt  }
0x7e: {  	_ =	shalt  }
0x7f: {  	_ =	shalt  }
0x80: {  	_ =	shalt  }
0x81: {  	_ =	shalt  }
0x82: {  	_ =	shalt  }
0x83: {  	_ =	shalt  }
0x84: {  	_ =	shalt  }
0x85: {  	_ =	shalt  }
0x86: {  	_ =	shalt  }
0x87: {  	_ =	shalt  }
.Lfunc_end0:
.L_simem_size_0:
called_computation_lowered:
.L_overlay_start_0:
0x88: {  	s2 =	sld [smem:$0x3FD9]  }
0x89: {  	s3 =	sld [smem:$0x3FFE];
	_ =	sdelay $0x1  }
0x8a: {  	s1 =	srdreg.scid  }
0x8b: {  	s0 =	sand.u32 $0x1, s1  }
0x8c: {  	s17 =	sshll.u32 s0, $0xA;
	s2 =	sadd.s32 s3, s2  }
0x8d: {  	s2 =	sadd.s32 s2, s17  }
0x8e: {  	[smem:$0x3FC6] =	sst s2  }
0x8f: {  	_ = 	snop  }
0x90: {  	s2 =	sld [smem:$0x3FC8];
	(tm) =	ssettm $0x1  }
0x91: {  	s18 =	sld [smem:$0x3FFB];
	_ =	sdelay $0x3  }
0x92: {  	_ =	strace s18  }
0x93: {  	s3 =	sld [smem:$0x3FFC];
	_ =	sdelay $0x3  }
0x94: {  	_ =	strace s3  }
0x95: {  	s3 =	sld [smem:$0x3FFD];
	_ =	sdelay $0x3  }
0x96: {  	_ =	strace s3  }
0x97: {  	_ =	strace $0x8FFFFFFF  }
0x98: {  	s19 =	sld [smem:$0x3FDB];
	_ =	sdelay $0x1  }
0x99: {  	s4 =	simm.s32 $_scs_section_size  }
0x9a: {  	s5 =	simm.s32 $_size__tile_overlayer_lowered;
	s6 =	simm.s32 $_tile_overlayer_lowered  }
0x9b: {  	s22 =	simm.s32 $0x1BFF;
	s21 =	sshll.u32 s6, $0x1;
	s3 =	sadd.s32 s4, s19  }
0x9c: {  	s7 =	simm.s32 $0x0;
	s20 =	sshll.u32 s5, $0x1;
	s5 =	sadd.s32 s21, s3  }
0x9d: {  	[timem:s7], [sflag:s22] =	dma.local [hbm:s5], s20  }
0x9e: {  	_ =	swait.ge [sflag:s22], s20  }
0x9f: {  	s4 =	ssub.s32 $0x0, s20;
	[sflag:s22] =	ssyncset.done $0x0  }
0xa0: {  	[sflag:s22] =	ssyncadd.s32 s4;
	_ =	sdelay $0x1  }
0xa1: {  	s23 =	simm.s32 $0x1B8B  }
0xa2: {  	_ =	swait.ge [sflag:s23], $0x1  }
0xa3: {  	[sflag:s23] =	ssyncset.done $0x0  }
0xa4: {  	s25 =	simm.s32 $0x1B8E;
	s24 =	sld [smem:$0x3FFE];
	[sflag:s23] =	ssyncadd.s32 $0xFFFFFFFF  }
0xa5: {  	s26 =	simm.s32 $execute0_lowered;
	[smem:$0x3FD2] =	sst s25  }
0xa6: {  	s5 =	sshll.u32 s26, $0x1;
	_ =	strace $0x80000046;
	[dreg:$0x1] =	wrdreg $0xFFFFFFFF  }
0xa7: {  	s28 =	simm.s32 $_size_execute0_lowered;
	s3 =	sadd.s32 s3, s5;
	[dreg:$0x0] =	wrdreg $0x0  }
0xa8: {  	s5 =	sshll.u32 s28, $0x1;
	[dreg:$0x2] =	wrdreg s3  }
0xa9: {  	[dreg:$0x3] =	wrdreg s5  }
0xaa: {  	[dreg:$0x4] =	wrdreg $0xC0  }
0xab: {  	_ =	task [dreg:s7], $0x5FFFF  }
0xac: {  	[dreg:$0x1] =	wrdreg $0xFFFFFFFF  }
0xad: {  	[dreg:$0x0] =	wrdreg $0x60  }
0xae: {  	[dreg:$0x2] =	wrdreg s24  }
0xaf: {  	[dreg:$0x3] =	wrdreg s2  }
0xb0: {  	[dreg:$0x4] =	wrdreg $0x9  }
0xb1: {  	_ =	task.clear_ibuf [dreg:s7], $0x5FFFF;
	_ =	strace $0x90000046  }
0xb2: {  	s29 =	simm.s32 $0x9;
	_ =	strace $0x80000048  }
0xb3: {  	_ =	swait.ge [sflag:s29], $0x1  }
0xb4: {  	[sflag:s29] =	ssyncadd.s32 $0xFFFFFFFF  }
0xb5: {  	_ =	strace $0x90000048  }
0xb6: {  	_ =	sfence  }
0xb7: {  	s30 =	sld [smem:$0x0];
	_ =	sdelay $0x2  }
0xb8: {  	s31 =	sshll.u32 s1, $0xD;
	s1 =	sshrl.u32 s1, $0x2  }
0xb9: {  	s3 =	sand.u32 $0x4000, s31;
	s1 =	sadd.s32 s1, s30  }
0xba: {  	s0 =	sor.u32 s3, s0;
	s1 =	sshll.u32 s1, $0x11  }
0xbb: {  	s0 =	sor.u32 s1, s0  }
0xbc: {  	s0 =	sadd.s32 $0x8F2B, s0  }
0xbd: {  	[sflag:s0] =	ssyncadd.remote.s32 $0x1  }
0xbe: {  	_ =	sfence.sel $0xFFFF  }
0xbf: {  	[dreg:$0x0] =	wrdreg $0xFFFFFFFF;
	(pc) =	sbr.abs _section_cstart, $3  }
0xc0: {  	[dreg:$0x1] =	wrdreg $0xFFFFFFFF  }
0xc1: {  	_ =	task.clear_ibuf [dreg:s7], $0x2FFFF;
	_ =	strace $0x9FFFFFFF  }
0xc2: {  	(tm) =	ssettm $0x7FFFFFFF  }
0xc3: {  	_ =	shalt  }
tec
execute0_lowered:
.L_overlay_start_1:
0x0: {  	(tag) =	ssettag $0x1  }
0x1: {  	v0 =	vimm.s32 $0xEFCDAB89;
	s4 =	rddreg [dreg:$0x0];
	v1 =	vimm.s32 $0x67452301;
	v2 =	vimm.s32 $0xDCFE98BA  }
0x2: {  	s1 =	rddreg [dreg:$0x1];
	v3 =	vimm.s32 $0x54761032;
	v4 =	vimm.s32 $0xBA98FEDC;
	v5 =	vimm.s32 $0x32107654  }
0x3: {  	s2 =	srdreg.scid;
	s0 =	rddreg [dreg:$0x2];
	v6 =	vimm.s32 $0xFEDCBA98;
	v0 =	vunpack.c.l.s4.s8 v0;
	v1 =	vunpack.c.l.s4.s8 v1  }
0x4: {  	s3 =	simm.s32 $0x0;
	v7 =	vimm.s32 $0x76543210;
	s11 =	simm.s32 $0x8000;
	s12 =	simm.s32 $0x3;
	v2 =	vunpack.c.l.s4.s8 v2;
	v3 =	vunpack.c.l.s4.s8 v3  }
0x5: {  	s13 =	simm.s32 $0x1;
	s14 =	simm.s32 $0x2;
	s15 =	simm.s32 $0x80;
	v4 =	vunpack.c.l.s4.s8 v4;
	v0 =	vunpack.c.0.s8.s32 v0;
	v1 =	vunpack.c.0.s8.s32 v1  }
0x6: {  	s16 =	simm.s32 $0x400;
	s17 =	simm.s32 $0x8100;
	s18 =	simm.s32 $0x0;
	v6 =	vunpack.c.l.s4.s8 v6;
	v2 =	vunpack.c.0.s8.s32 v2;
	v3 =	vunpack.c.0.s8.s32 v3  }
0x7: {  	s5 =	sand.u32 $0x1, s2;
	s2 =	stileid.u32;
	[smem:$0x7FF] =	sst s3;
	v5 =	vunpack.c.l.s4.s8 v5;
	v7 =	vunpack.c.l.s4.s8 v7;
	v0 =	vcombine.low v1, v0  }
0x8: {  	s6 =	sshll.u32 s5, $0x4;
	_ =	strace $0x80000047;
	s8 =	sshll.u32 s2, $0x4;
	v58 =	vunpack.c.0.s8.s32 v6;
	v56 =	vcombine.low v3, v2  }
0x9: {  	s5 =	ssub.s32 $0x2, s5;
	s6 =	sor.u32 s2, s6;
	v4 =	vunpack.c.0.s8.s32 v4;
	s8 =	sand.u32 $0x70, s8;
	v5 =	vunpack.c.0.s8.s32 v5;
	v59 =	vunpack.c.0.s8.s32 v7;
	[tilespmem:$0x1FFA0] =	vst v0  }
0xa: {  	s31 =	sshrl.u32 s5, $0x1;
	s7 =	sshll.u32 s6, $0xD;
	s8 =	sadd.s32 s8, s4;
	v63 =	vand.u32 $0xF, v58;
	v0 =	vand.u32 $0xF, v0;
	[tilespmem:$0x1FFC0] =	vst v56  }
0xb: {  	s6 =	sshll.u32 s6, $0x5;
	s9 =	ssub.s32 s5, s31;
	s7 =	sadd.s32 s7, s4;
	v57 =	vcombine.low v5, v4;
	v22 =	vcombine.low v63, v59;
	v62 =	vand.u32 $0xF, v56;
	[tilespmem:$0x1FFB0] =	vst v0  }
0xc: {  	s10 =	sand.u32 $0x300, s6;
	s9 =	smax.u32 s9, $0x1;
	s4 =	sadd.s32 $0x800, s7;
	[tilespmem:$0x1FFD0] =	vst v62  }
0xd: {  	s5 =	sadd.s32 $0x1000, s7;
	s6 =	sadd.s32 $0x1800, s7;
	s8 =	sadd.s32 s10, s8;
	v62 =	vand.u32 $0xF, v57;
	[tilespmem:$0x1FFF0] =	vst v22  }
0xe: {  	vm0 =	vcmask $0x2F20;
	vm1 =	vcmask $0x1F10;
	vm2 =	vmmov $0xf;
	s7 =	sadd.s32 $0x2000, s7;
	s10 =	simm.s32 $0x4000;
	s8 =	sadd.s32 $0x40800, s8;
	[tilespmem:$0x1FFE0] =	vst v62  }
.LBB2_1:
0xf: {  	[tilespmem:s3], [sflag:$0x1] =	stream.linear.gather [hbm4b:s4+s3], $0x4000, $0x38;
	[tilespmem:$0x8200] =	vst v63  }
0x10: {  	_ = 	snop  }
0x11: {  	[tilespmem:s10], [sflag:$0x2] =	stream.linear.gather [hbm4b:s5+s3], $0x4000, $0x38;
	[tilespmem:$0x8200] =	vst v63  }
0x12: {  	_ = 	snop  }
0x13: {  	[tilespmem:s11], [sflag:$0x3] =	stream.linear.gather [hbm4b:s1+s3], $0x100, $0x38;
	[tilespmem:$0x8200] =	vst v63  }
0x14: {  	_ =	swait.ge [sflag:s12], $0x100  }
0x15: {  	[sflag:s12] =	ssyncset.done $0x0  }
0x16: {  	[sflag:s12] =	ssyncadd.s32 $0xFFFFFF00  }
0x17: {  	v2 =	vld [tilespmem:$0x8000]  }
0x18: {  	v3 =	vld [tilespmem:$0x8010]  }
0x19: {  	v6 =	vld [tilespmem:$0x8080]  }
0x1a: {  	v7 =	vld [tilespmem:$0x8090]  }
0x1b: {  	v8 =	vld [tilespmem:$0x8020]  }
0x1c: {  	v9 =	vld [tilespmem:$0x80A0]  }
0x1d: {  	v10 =	vld [tilespmem:$0x8030]  }
0x1e: {  	v15 =	vld [tilespmem:$0x80B0]  }
0x1f: {  	v4 =	vsub.f32 v2, v6;
	v5 =	vsub.f32 v3, v7  }
0x20: {  	v14 =	vadd.f32 v6, v2;
	v16 =	vadd.f32 v7, v3  }
0x21: {  	v11 =	vsub.f32 v8, v9  }
0x22: {  	v0 =	vld [tilespmem:$0x1FFB0];
	_ =	swait.ge [sflag:s13], $0x4000;
	v17 =	vadd.f32 v9, v8;
	v18 =	vmul.f32 v4, v14;
	v16 =	vmul.f32 v5, v16  }
0x23: {  	[sflag:s13] =	ssyncset.done $0x0;
	v12 =	vsub.f32 v10, v15  }
0x24: {  	s19 =	simm.s32 $0x0;
	v1 =	vld [tilespmem:$0x1FFD0];
	[sflag:s13] =	ssyncadd.s32 $0xFFFFC000;
	v19 =	vadd.f32 v15, v10;
	v17 =	vmul.f32 v11, v17;
	v16 =	vadd.f32 v16, v18  }
0x25: {  	v13 =	vld [tilespmem:s19+$0x130]  }
0x26: {  	v44 =	vld [tilespmem:s19+$0x10];
	v16 =	vadd.f32 v17, v16;
	v17 =	vmul.f32 v12, v19  }
0x27: {  	v23 =	vld [tilespmem:s19+$0x100];
	v2 =	vmul.f32 v4, v2;
	v3 =	vmul.f32 v5, v3  }
0x28: {  	s31 =	simm.s32 $0x200;
	v25 =	vld [tilespmem:s19+$0x190];
	v6 =	vmul.f32 v4, v6;
	v7 =	vmul.f32 v5, v7;
	v16 =	vadd.f32 v17, v16  }
0x29: {  	v38 =	vld [tilespmem:s31+$0x90];
	v2 =	vadd.f32 v3, v2;
	v3 =	vmul.f32 v11, v8  }
0x2a: {  	v42 =	vld [tilespmem:s31+$0x80];
	v6 =	vadd.f32 v7, v6;
	v7 =	vmul.f32 v11, v9;
	v17 =	vperm.xlane v16, v0  }
0x2b: {  	v48 =	vld [tilespmem:s19+$0x0];
	v2 =	vadd.f32 v3, v2;
	v3 =	vmul.f32 v12, v10  }
0x2c: {  	v36 =	vld [tilespmem:s31+$0xA0];
	v6 =	vadd.f32 v7, v6;
	v7 =	vmul.f32 v12, v15;
	v16 =	vadd.f32 v16, v17  }
0x2d: {  	v20 =	vld [tilespmem:s19+$0x1A0];
	v30 =	vmul.f32 v25, v5;
	v31 =	vmul.f32 v23, v4  }
0x2e: {  	v29 =	vld [tilespmem:s19+$0x90];
	v2 =	vadd.f32 v3, v2;
	v3 =	vadd.f32 v7, v6;
	v8 =	vperm.xlane v16, v1  }
0x2f: {  	v14 =	vld [tilespmem:s19+$0xA0];
	v51 =	vmul.f32 v38, v5;
	v56 =	vmul.f32 v42, v4  }
0x30: {  	v7 =	vperm.xlane v2, v0;
	v9 =	vperm.xlane v3, v0;
	v0 =	vld [tilespmem:s19+$0x80];
	v8 =	vadd.f32 v16, v8  }
0x31: {  	v26 =	vld [tilespmem:s19+$0x110];
	v53 =	vmul.f32 v36, v11;
	v18 =	vmul.f32 v44, v5  }
0x32: {  	v50 =	vld [tilespmem:s19+$0x20];
	v51 =	vadd.f32 v51, v56;
	v3 =	vadd.f32 v9, v3;
	v6 =	vperm.xlane v8, v62  }
0x33: {  	v21 =	vld [tilespmem:s19+$0x180];
	v10 =	vmul.f32 v48, v4;
	v15 =	vmul.f32 v13, v12;
	v2 =	vadd.f32 v7, v2  }
0x34: {  	v19 =	vld [tilespmem:s19+$0x120];
	v32 =	vmul.f32 v14, v11;
	v9 =	vperm.xlane v3, v1;
	v6 =	vadd.f32 v8, v6  }
0x35: {  	v49 =	vld [tilespmem:s19+$0x1B0];
	v10 =	vadd.f32 v18, v10;
	v33 =	vmul.f32 v0, v4;
	v8 =	vperm.xlane v2, v1  }
0x36: {  	v16 =	vmul.f32 v29, v5;
	v3 =	vadd.f32 v9, v3;
	v9 =	vld [tilespmem:s19+$0x30];
	v7 =	vperm.xlane v6, v22  }
0x37: {  	v24 =	vld [tilespmem:s19+$0xB0];
	v18 =	vmul.f32 v50, v11;
	v2 =	vadd.f32 v8, v2;
	v8 =	vmul.f32 v26, v5  }
0x38: {  	v16 =	vadd.f32 v16, v33;
	v33 =	vld [tilespmem:s31+$0xB0];
	v6 =	vadd.f32 v6, v7;
	v7 =	vmul.f32 v21, v4  }
0x39: {  	v51 =	vadd.f32 v53, v51;
	v34 =	vmul.f32 v19, v11;
	v8 =	vadd.f32 v8, v31  }
0x3a: {  	v10 =	vadd.f32 v18, v10;
	v17 =	vmul.f32 v20, v11;
	v7 =	vadd.f32 v30, v7  }
0x3b: {  	v16 =	vadd.f32 v32, v16;
	v18 =	vmul.f32 v9, v12;
	v8 =	vadd.f32 v34, v8  }
0x3c: {  	v45 =	vld [tilespmem:s31+$0x180];
	v30 =	vmul.f32 v49, v12;
	v7 =	vadd.f32 v17, v7;
	v17 =	vmul.f32 v24, v12  }
0x3d: {  	v10 =	vadd.f32 v18, v10;
	v54 =	vmul.f32 v33, v12;
	v8 =	vadd.f32 v15, v8  }
0x3e: {  	v15 =	vperm.xlane v2, v62;
	v7 =	vadd.f32 v30, v7;
	v16 =	vadd.f32 v17, v16  }
0x3f: {  	v51 =	vadd.f32 v54, v51;
	v30 =	vperm.xlane v3, v62;
	v18 =	vperm.xlane v8, v22  }
0x40: {  	v2 =	vadd.f32 v15, v2;
	v17 =	vperm.xlane v7, v22;
	v15 =	vperm.xlane v16, v22  }
0x41: {  	v46 =	vld [tilespmem:s31+$0x190];
	v57 =	vmul.f32 v45, v4;
	v3 =	vadd.f32 v30, v3;
	v8 =	vadd.f32 v18, v8  }
0x42: {  	v30 =	vperm.xlane v10, v22;
	v7 =	vadd.f32 v17, v7;
	v17 =	vperm.xlane v2, v22  }
0x43: {  	v40 =	vld [tilespmem:s31+$0x1A0];
	v18 =	vperm.xlane v3, v22;
	v31 =	vadd.f32 v15, v16;
	v58 =	vperm.xlane v8, v62  }
0x44: {  	v1 =	vimm.f32 $0.0e+00;
	v10 =	vadd.f32 v30, v10;
	v15 =	vmovc v13;
	v13 =	vmovc v0;
	v0 =	vadd.f32 v17, v2  }
0x45: {  	v30 =	vperm.xlane v7, v62;
	v2 =	vperm.xlane v31, v62;
	v8 =	vadd.f32 v58, v8  }
0x46: {  	v17 =	vadd.f32 v9, v1;
	v58 =	vmul.f32 v46, v5;
	[tilespmem:$0x1FF30] =	vst v0;
	v0 =	vadd.f32 v18, v3  }
0x47: {  	v3 =	vperm.xlane v10, v62;
	v7 =	vadd.f32 v30, v7;
	v2 =	vadd.f32 v2, v31  }
0x48: {  	v37 =	vld [tilespmem:s31+$0x1B0];
	v52 =	vmul.f32 v40, v11;
	v18 =	vadd.f32 v50, v1;
	v61 =	vadd.f32 v58, v57  }
0x49: {  	v39 =	vld [tilespmem:s31+$0x30];
	v3 =	vadd.f32 v3, v10;
	v7 =	vsel vm0, v8, v7;
	v8 =	vadd.f32 v44, v1  }
0x4a: {  	[tilespmem:$0x1FF40] =	vst v0;
	v10 =	vadd.f32 v48, v1;
	v0 =	vld [tilespmem:$0x1FFA0];
	v52 =	vadd.f32 v52, v61  }
0x4b: {  	v27 =	vld [tilespmem:s31+$0x10];
	v2 =	vsel vm1, v2, v7;
	v7 =	vadd.f32 v24, v17;
	v17 =	vadd.f32 v14, v18  }
0x4c: {  	v41 =	vld [tilespmem:s31+$0x100];
	v2 =	vsel vm2, v3, v2;
	v3 =	vadd.f32 v29, v8;
	v8 =	vadd.f32 v13, v10  }
0x4d: {  	v63 =	vmul.f32 v37, v12;
	v16 =	vld [tilespmem:s31+$0x20];
	v17 =	vadd.f32 v19, v17;
	v7 =	vadd.f32 v15, v7  }
0x4e: {  	v31 =	vmovc v24;
	v24 =	vmov v19;
	v19 =	vld [tilespmem:s31+$0x0];
	v8 =	vadd.f32 v23, v8;
	v3 =	vadd.f32 v26, v3  }
0x4f: {  	v52 =	vadd.f32 v63, v52;
	v10 =	vperm.xlane v2, v0;
	v7 =	vadd.f32 v49, v7;
	v0 =	vld [tilespmem:$0x1FFC0]  }
0x50: {  	v8 =	vadd.f32 v21, v8;
	v3 =	vadd.f32 v25, v3  }
0x51: {  	v34 =	vld [tilespmem:s31+$0x130];
	v2 =	vadd.f32 v2, v10;
	v7 =	vadd.f32 v39, v7  }
0x52: {  	v60 =	vmul.f32 v27, v5;
	v32 =	vld [tilespmem:s31+$0x110];
	v10 =	vadd.f32 v20, v17;
	v3 =	vadd.f32 v27, v3  }
0x53: {  	v56 =	vmul.f32 v41, v4;
	v18 =	vld [tilespmem:s31+$0x120];
	v8 =	vadd.f32 v19, v8;
	v7 =	vadd.f32 v33, v7  }
0x54: {  	v59 =	vperm.xlane v2, v0;
	v0 =	vmul.f32 $5.000000000e-01, v6;
	v6 =	vadd.f32 v16, v10  }
0x55: {  	v10 =	vmul.f32 v19, v4;
	v3 =	vadd.f32 v38, v3;
	v8 =	vadd.f32 v42, v8  }
0x56: {  	v55 =	vmul.f32 v16, v11;
	v7 =	vadd.f32 v34, v7;
	v47 =	vadd.f32 v2, v59  }
0x57: {  	v2 =	vmul.f32 v39, v12;
	v6 =	vadd.f32 v36, v6;
	v10 =	vadd.f32 v60, v10  }
0x58: {  	v59 =	vmul.f32 v32, v5;
	v60 =	vmul.f32 v18, v11;
	v8 =	vadd.f32 v41, v8  }
0x59: {  	v3 =	vadd.f32 v32, v3;
	vm3 =	vlt.f32 v47, v0;
	v10 =	vadd.f32 v55, v10  }
0x5a: {  	[tilespmem:$0x1FF50] =	vst v0;
	v58 =	vadd.f32 v59, v56;
	v0 =	vimm.s32 $0x0;
	v43 =	vsel vm3, $0x3F800000, v1  }
0x5b: {  	v6 =	vadd.f32 v18, v6;
	v2 =	vadd.f32 v2, v10;
	v10 =	vperm.xlane v43, v0  }
0x5c: {  	v59 =	vmul.f32 v34, v12;
	v55 =	vperm.xlane v52, v22;
	v53 =	vadd.f32 v60, v58  }
0x5d: {  	v0 =	vimm.s32 $0xC;
	v54 =	vperm.xlane v2, v22;
	v9 =	vmul.f32 v10, v9  }
0x5e: {  	v60 =	vmul.f32 v10, v48;
	v48 =	vperm.xlane v51, v22;
	v53 =	vadd.f32 v59, v53  }
0x5f: {  	v61 =	vmul.f32 v10, v50;
	v50 =	vadd.f32 v55, v52;
	v56 =	vmul.f32 v10, v44  }
0x60: {  	v44 =	vadd.f32 v45, v8;
	v52 =	vadd.f32 v37, v7;
	v8 =	vimm.f32 $0.0e+00  }
0x61: {  	v59 =	vadd.f32 v9, v1;
	v2 =	vadd.f32 v54, v2;
	v9 =	vperm.xlane v53, v22  }
0x62: {  	v7 =	vimm.f32 $0.0e+00;
	v48 =	vadd.f32 v48, v51;
	v58 =	vperm.xlane v50, v62  }
0x63: {  	v55 =	vimm.f32 $0.0e+00;
	v10 =	vperm.xlane v2, v62;
	v51 =	vadd.f32 v9, v53  }
0x64: {  	v54 =	vimm.f32 $0.0e+00;
	v57 =	vperm.xlane v48, v62;
	v58 =	vadd.f32 v58, v50  }
0x65: {  	[tilespmem:$0x1FF60] =	vst v5;
	v50 =	vimm.f32 $0.0e+00;
	v9 =	vadd.f32 v10, v2;
	v63 =	vperm.xlane v51, v62  }
0x66: {  	[tilespmem:$0x1FF70] =	vst v4;
	v10 =	vadd.f32 v57, v48;
	v2 =	vperm.xlane v43, v0;
	v48 =	vadd.f32 v46, v3  }
0x67: {  	[tilespmem:$0x1FF80] =	vst v11;
	v0 =	vimm.s32 $0x8;
	v63 =	vadd.f32 v63, v51;
	v51 =	vadd.f32 v40, v6  }
0x68: {  	[tilespmem:$0x1FF90] =	vst v12;
	s19 =	simm.s32 $0x1000;
	v35 =	vmovc v16;
	v28 =	vmovc v19;
	v6 =	vperm.xlane v43, v0;
	v53 =	vmul.f32 v2, v49;
	v49 =	vimm.f32 $0.0e+00  }
.LBB2_2:
0x69: {  	v3 =	vmul.f32 v2, v25  }
0x6a: {  	[tilespmem:$0x1FF10] =	vst v27;
	v0 =	vld [tilespmem:$0x1FF40];
	v57 =	vmul.f32 v2, v20;
	v27 =	vmovc v40;
	v1 =	vimm.s32 $0x4;
	v40 =	vsel vm0, v63, v58  }
0x6b: {  	v58 =	vmul.f32 v2, v21;
	v2 =	vsel vm1, v10, v40;
	v10 =	vperm.xlane v43, v1;
	v1 =	vld [tilespmem:$0x1FF30]  }
0x6c: {  	v4 =	vld [tilespmem:$0x1FFC0]  }
0x6d: {  	v19 =	vld [tilespmem:$0x1FF70]  }
0x6e: {  	s20 =	sshra.s32 s19, $0x2;
	v12 =	vld [tilespmem:$0x1FF80]  }
0x6f: {  	v62 =	vld [tilespmem:s20+$0x20]  }
0x70: {  	v30 =	vmov v46;
	v46 =	vsub.f32 v47, v1;
	v1 =	vld [tilespmem:$0x1FFA0]  }
0x71: {  	v54 =	vadd.f32 v43, v54;
	v63 =	vld [tilespmem:s20+$0x30]  }
0x72: {  	v20 =	vmov v45;
	v7 =	vadd.f32 v61, v7;
	v55 =	vadd.f32 v56, v55;
	v45 =	vld [tilespmem:s20+$0x130]  }
0x73: {  	v25 =	vmovc v41;
	v41 =	vld [tilespmem:s20+$0xB0];
	v8 =	vadd.f32 v60, v8;
	v60 =	vmul.f32 v10, v13;
	v61 =	vmul.f32 v10, v29  }
0x74: {  	v16 =	vld [tilespmem:s20+$0x90];
	v9 =	vsel vm2, v9, v2;
	v29 =	vmul.f32 v10, v31;
	v10 =	vmul.f32 v10, v14  }
0x75: {  	v2 =	vld [tilespmem:s20+$0x10];
	v0 =	vsub.f32 v47, v0;
	v8 =	vadd.f32 v60, v8;
	v40 =	vperm.xlane v9, v1  }
0x76: {  	v14 =	vld [tilespmem:$0x1FF90];
	v29 =	vadd.f32 v29, v59;
	v7 =	vadd.f32 v10, v7  }
0x77: {  	v5 =	vmul.f32 v6, v15;
	v13 =	vld [tilespmem:$0x1FF60];
	v10 =	vadd.f32 v63, v52;
	v9 =	vadd.f32 v9, v40  }
0x78: {  	v52 =	vmul.f32 v6, v26;
	v51 =	vadd.f32 v62, v51;
	v55 =	vadd.f32 v61, v55;
	v1 =	vmovc v42;
	v42 =	vld [tilespmem:s20+$0x120]  }
0x79: {  	v31 =	vmovc v33;
	v33 =	vmovc v41;
	v0 =	vand.u32 $0x7FFFFFFF, v0;
	v47 =	vmul.f32 v6, v23;
	v59 =	vperm.xlane v9, v4;
	v4 =	vld [tilespmem:$0x1FF50]  }
0x7a: {  	v6 =	vmul.f32 v6, v24;
	v15 =	vadd.f32 v5, v29;
	v10 =	vadd.f32 v33, v10;
	[tilespmem:$0x1FF20] =	vst v1;
	v1 =	vld [tilespmem:s20+$0x0]  }
0x7b: {  	v21 =	vmovc v34;
	v41 =	vld [tilespmem:s20+$0x100];
	v52 =	vadd.f32 v52, v55;
	v60 =	vmul.f32 v63, v14;
	v5 =	vand.u32 $0x7FFFFFFF, v46  }
0x7c: {  	v23 =	vmovc v36;
	v36 =	vld [tilespmem:s20+$0xA0];
	v8 =	vadd.f32 v47, v8;
	v0 =	vmin.f32 v5, v0;
	v47 =	vadd.f32 v9, v59  }
0x7d: {  	v34 =	vmovc v45;
	v45 =	vld [tilespmem:s20+$0x180];
	v6 =	vadd.f32 v6, v7;
	v5 =	vmul.f32 v33, v14;
	v50 =	vadd.f32 v0, v50  }
0x7e: {  	v46 =	vld [tilespmem:s20+$0x190];
	v0 =	vmul.f32 v0, v43;
	vm3 =	vlt.f32 v47, v4;
	v4 =	vimm.f32 $0.0e+00  }
0x7f: {  	v24 =	vmovc v18;
	v18 =	vmovc v42;
	v42 =	vld [tilespmem:s20+$0x80];
	v7 =	vmul.f32 v1, v19;
	v43 =	vsel vm3, $0x3F800000, v4;
	v4 =	vmul.f32 v2, v13  }
0x80: {  	v26 =	vmovc v32;
	v55 =	vadd.f32 v3, v52;
	v61 =	vmul.f32 v41, v19;
	v8 =	vadd.f32 v58, v8;
	v40 =	vld [tilespmem:s20+$0x1A0]  }
0x81: {  	v32 =	vld [tilespmem:s20+$0x110];
	v29 =	vmovc v38;
	v51 =	vadd.f32 v36, v51;
	v4 =	vadd.f32 v4, v7;
	v7 =	vmul.f32 v62, v12  }
0x82: {  	v38 =	vmovc v16;
	v49 =	vadd.f32 v0, v49;
	v0 =	vmul.f32 v36, v12;
	v59 =	vmul.f32 v16, v13;
	v16 =	vld [tilespmem:s20+$0x1B0]  }
0x83: {  	v56 =	vmul.f32 v46, v13;
	v4 =	vadd.f32 v7, v4;
	v7 =	vmul.f32 v45, v19  }
0x84: {  	v9 =	vadd.f32 v2, v48;
	v44 =	vadd.f32 v1, v44;
	v11 =	vmul.f32 v42, v19  }
0x85: {  	v51 =	vadd.f32 v18, v51;
	v17 =	vmul.f32 v40, v12;
	v7 =	vadd.f32 v56, v7  }
0x86: {  	v48 =	vmul.f32 v34, v14;
	v9 =	vadd.f32 v38, v9;
	v11 =	vadd.f32 v59, v11  }
0x87: {  	v13 =	vmul.f32 v32, v13;
	v14 =	vmul.f32 v16, v14;
	v7 =	vadd.f32 v17, v7  }
0x88: {  	v51 =	vadd.f32 v40, v51;
	v19 =	vimm.s32 $0x0;
	v0 =	vadd.f32 v0, v11  }
0x89: {  	v11 =	vadd.f32 v13, v61;
	v56 =	vperm.xlane v43, v19;
	v3 =	vadd.f32 v14, v7  }
0x8a: {  	v12 =	vmul.f32 v18, v12;
	v4 =	vadd.f32 v60, v4;
	v0 =	vadd.f32 v5, v0  }
0x8b: {  	v60 =	vmul.f32 v56, v28;
	v7 =	vadd.f32 v57, v6;
	v6 =	vperm.xlane v3, v22  }
0x8c: {  	v28 =	vmovc v1;
	v1 =	vadd.f32 v12, v11;
	v61 =	vmul.f32 v56, v35;
	v35 =	vmov v62;
	v62 =	vld [tilespmem:$0x1FFE0]  }
0x8d: {  	v5 =	vmul.f32 v56, v39;
	v11 =	vadd.f32 v53, v15;
	v3 =	vadd.f32 v6, v3;
	v6 =	vld [tilespmem:$0x1FF10]  }
0x8e: {  	v44 =	vadd.f32 v42, v44;
	v13 =	vadd.f32 v32, v9;
	v12 =	vperm.xlane v0, v22  }
0x8f: {  	v19 =	vperm.xlane v4, v22;
	v1 =	vadd.f32 v48, v1;
	v59 =	vadd.f32 v5, v11  }
0x90: {  	v15 =	vmov v21;
	v0 =	vadd.f32 v12, v0;
	v11 =	vadd.f32 v34, v10  }
0x91: {  	v21 =	vmovc v20;
	v4 =	vadd.f32 v19, v4;
	v48 =	vadd.f32 v46, v13;
	v5 =	vperm.xlane v1, v22  }
0x92: {  	p0 =	sne.s32 s19, $0xF800;
	v20 =	vmovc v27;
	v52 =	vadd.f32 v16, v11;
	v56 =	vmul.f32 v56, v6;
	v6 =	vperm.xlane v0, v62  }
.Ltmp0:
0x93: {  	v27 =	vmovc v2;
	v2 =	vperm.xlane v4, v62;
	v1 =	vadd.f32 v5, v1;
	v5 =	vadd.f32 v41, v44;
	(pc) =	sbr.rel @p0 .LBB2_2-.Ltmp0, $4  }
0x94: {  	v39 =	vmovc v63;
	v12 =	vperm.xlane v3, v62;
	v10 =	vadd.f32 v6, v0;
	v0 =	vimm.s32 $0xC  }
0x95: {  	v14 =	vmovc v23;
	v9 =	vadd.f32 v2, v4;
	v4 =	vperm.xlane v1, v62;
	v2 =	vperm.xlane v43, v0  }
0x96: {  	v23 =	vmovc v25;
	v25 =	vmovc v30;
	v44 =	vadd.f32 v45, v5;
	v58 =	vadd.f32 v12, v3;
	v0 =	vimm.s32 $0x8  }
0x97: {  	s19 =	sadd.s32 $0x800, s19;
	v13 =	vld [tilespmem:$0x1FF20];
	v63 =	vadd.f32 v4, v1;
	v6 =	vperm.xlane v43, v0;
	v53 =	vmul.f32 v2, v37;
	v37 =	vmovc v16  }
0x98: {  	v17 =	vld [tilespmem:$0x1FF40]  }
0x99: {  	v16 =	vld [tilespmem:$0x1FF30]  }
0x9a: {  	v19 =	vimm.s32 $0x4;
	v0 =	vsel vm0, v63, v58;
	v58 =	vld [tilespmem:$0x1FFA0]  }
0x9b: {  	v3 =	vmul.f32 v2, v25;
	v5 =	vperm.xlane v43, v19  }
0x9c: {  	v4 =	vmul.f32 v2, v20;
	v8 =	vadd.f32 v60, v8;
	v7 =	vadd.f32 v61, v7  }
0x9d: {  	v0 =	vsel vm1, v10, v0;
	v10 =	vadd.f32 v43, v54;
	v12 =	vmul.f32 v5, v13  }
0x9e: {  	v0 =	vsel vm2, v9, v0;
	v13 =	vmul.f32 v5, v14;
	v14 =	vmul.f32 v6, v23;
	v23 =	vld [tilespmem:$0x1FFC0]  }
0x9f: {  	s19 =	simm.s32 $0x0;
	v1 =	vsub.f32 v47, v17;
	v11 =	vsub.f32 v47, v16;
	v9 =	vperm.xlane v0, v58  }
0xa0: {  	v2 =	vmul.f32 v2, v21;
	[tilespmem:s19], [sflag:$0x1] =	stream.linear.gather [hbm4b:s6+s19], $0x4000, $0x38;
	v8 =	vadd.f32 v12, v8;
	v7 =	vadd.f32 v13, v7;
	[tilespmem:$0x8200] =	vst v63  }
0xa1: {  	v15 =	vmul.f32 v6, v15;
	_ =	swait.ge [sflag:s14], $0x4000;
	v13 =	vadd.f32 v56, v55;
	v0 =	vadd.f32 v0, v9  }
0xa2: {  	v1 =	vand.u32 $0x7FFFFFFF, v1;
	v9 =	vmul.f32 v5, v31;
	v8 =	vadd.f32 v14, v8;
	v14 =	vld [tilespmem:$0x1FF50]  }
0xa3: {  	v11 =	vand.u32 $0x7FFFFFFF, v11;
	v5 =	vmul.f32 v5, v29;
	v12 =	vperm.xlane v0, v23  }
0xa4: {  	[sflag:s14] =	ssyncset.done $0x0;
	v1 =	vmin.f32 v11, v1;
	v11 =	vimm.f32 $0.0e+00;
	v9 =	vadd.f32 v9, v59  }
0xa5: {  	s30 =	simm.s32 $0x0;
	[sflag:s14] =	ssyncadd.s32 $0xFFFFC000;
	v0 =	vadd.f32 v0, v12;
	v12 =	vmul.f32 v6, v26;
	v6 =	vmul.f32 v6, v24  }
0xa6: {  	v60 =	vld [tilespmem:s30+$0x4130];
	v5 =	vadd.f32 v5, v13;
	v13 =	vimm.s32 $0x0;
	v2 =	vadd.f32 v2, v8  }
0xa7: {  	v55 =	vld [tilespmem:s30+$0x4010];
	v9 =	vadd.f32 v15, v9;
	vm3 =	vlt.f32 v0, v14;
	v6 =	vadd.f32 v6, v7  }
0xa8: {  	v56 =	vld [tilespmem:s30+$0x4000];
	v7 =	vmul.f32 v1, v43;
	v1 =	vadd.f32 v1, v50;
	v11 =	vsel vm3, $0x3F800000, v11  }
0xa9: {  	v47 =	vld [tilespmem:s30+$0x4100];
	v5 =	vadd.f32 v12, v5;
	v9 =	vadd.f32 v53, v9;
	v13 =	vperm.xlane v11, v13  }
0xaa: {  	v20 =	vld [tilespmem:s30+$0x4180];
	v15 =	vsub.f32 v0, v17;
	v0 =	vsub.f32 v0, v16  }
0xab: {  	v25 =	vadd.f32 v11, v10;
	v10 =	vperm.xlane v11, v19;
	v19 =	vld [tilespmem:$0x1FF60];
	v12 =	vmul.f32 v13, v39  }
0xac: {  	v31 =	vld [tilespmem:s30+$0x4090];
	v3 =	vadd.f32 v3, v5;
	v14 =	vmul.f32 v13, v28;
	v5 =	vmul.f32 v13, v35  }
0xad: {  	v63 =	vmovc v22;
	v22 =	vld [tilespmem:s30+$0x4080];
	v4 =	vadd.f32 v4, v6;
	v8 =	vmul.f32 v13, v27;
	v26 =	vmul.f32 v10, v42  }
0xae: {  	v16 =	vld [tilespmem:$0x1FF90];
	v6 =	vadd.f32 v12, v9;
	v9 =	vimm.s32 $0xC;
	v12 =	vimm.s32 $0x8  }
0xaf: {  	v17 =	vld [tilespmem:$0x1FF80];
	v2 =	vadd.f32 v14, v2;
	v14 =	vmul.f32 v10, v33;
	v9 =	vperm.xlane v11, v9  }
0xb0: {  	v7 =	vadd.f32 v7, v49;
	v13 =	vld [tilespmem:$0x1FF70];
	v12 =	vperm.xlane v11, v12;
	v53 =	vmul.f32 v55, v19  }
0xb1: {  	v27 =	vld [tilespmem:s30+$0x4190];
	v2 =	vadd.f32 v26, v2;
	v26 =	vmul.f32 v31, v19;
	v49 =	vmul.f32 v9, v37  }
0xb2: {  	v15 =	vand.u32 $0x7FFFFFFF, v15;
	v28 =	vld [tilespmem:s30+$0x41A0];
	v43 =	vmul.f32 v9, v46;
	v50 =	vmul.f32 v9, v40  }
0xb3: {  	v29 =	vld [tilespmem:s30+$0x4110];
	v0 =	vand.u32 $0x7FFFFFFF, v0;
	v9 =	vmul.f32 v9, v45;
	v21 =	vmul.f32 v12, v41  }
0xb4: {  	v54 =	vld [tilespmem:s30+$0x4020];
	v0 =	vmin.f32 v0, v15;
	v41 =	vmul.f32 v10, v38;
	v10 =	vmul.f32 v10, v36  }
0xb5: {  	v24 =	vld [tilespmem:s30+$0x4120];
	v4 =	vadd.f32 v5, v4;
	v5 =	vmul.f32 v56, v13;
	v36 =	vmul.f32 v60, v16  }
0xb6: {  	v30 =	vld [tilespmem:s30+$0x40A0];
	v6 =	vadd.f32 v14, v6;
	v14 =	vmul.f32 v20, v13;
	v57 =	vmul.f32 v27, v19  }
0xb7: {  	v59 =	vld [tilespmem:s30+$0x41B0];
	v3 =	vadd.f32 v8, v3;
	v61 =	vmul.f32 v47, v13;
	v35 =	vmul.f32 v28, v17  }
0xb8: {  	v33 =	vld [tilespmem:s30+$0x40B0];
	v45 =	vmul.f32 v22, v13;
	v4 =	vadd.f32 v10, v4;
	v10 =	vmul.f32 v29, v19  }
0xb9: {  	v46 =	vld [tilespmem:s30+$0x4030];
	v34 =	vmul.f32 v12, v34;
	v32 =	vmul.f32 v12, v32;
	v5 =	vadd.f32 v53, v5  }
0xba: {  	v14 =	vadd.f32 v57, v14;
	v53 =	vmul.f32 v24, v17;
	v10 =	vadd.f32 v10, v61  }
0xbb: {  	v57 =	vmul.f32 v30, v17;
	v26 =	vadd.f32 v26, v45;
	v61 =	vmul.f32 v54, v17  }
0xbc: {  	v14 =	vadd.f32 v35, v14;
	v35 =	vmul.f32 v59, v16;
	v10 =	vadd.f32 v53, v10  }
0xbd: {  	v42 =	vmul.f32 v33, v16;
	v26 =	vadd.f32 v57, v26;
	v5 =	vadd.f32 v61, v5  }
0xbe: {  	v45 =	vmul.f32 v46, v16;
	v14 =	vadd.f32 v35, v14;
	v10 =	vadd.f32 v36, v10  }
0xbf: {  	v12 =	vmul.f32 v12, v18;
	v2 =	vadd.f32 v21, v2;
	v21 =	vadd.f32 v42, v26  }
0xc0: {  	v5 =	vadd.f32 v45, v5;
	v26 =	vperm.xlane v14, v63;
	v36 =	vperm.xlane v10, v63  }
0xc1: {  	v18 =	vadd.f32 v0, v1;
	v6 =	vadd.f32 v34, v6;
	v53 =	vperm.xlane v21, v63  }
0xc2: {  	v37 =	vperm.xlane v5, v63;
	v14 =	vadd.f32 v26, v14;
	v10 =	vadd.f32 v36, v10  }
0xc3: {  	s31 =	simm.s32 $0x200;
	v3 =	vadd.f32 v41, v3;
	v8 =	vadd.f32 v53, v21  }
0xc4: {  	v39 =	vld [tilespmem:s31+$0x4090];
	v5 =	vadd.f32 v37, v5;
	v21 =	vperm.xlane v14, v62;
	v26 =	vperm.xlane v10, v62  }
0xc5: {  	v38 =	vld [tilespmem:s31+$0x4030];
	v1 =	vadd.f32 v49, v6;
	v6 =	vadd.f32 v55, v48;
	v15 =	vperm.xlane v8, v62  }
0xc6: {  	v37 =	vld [tilespmem:s31+$0x4010];
	v57 =	vperm.xlane v5, v62;
	v14 =	vadd.f32 v21, v14;
	v10 =	vadd.f32 v26, v10  }
0xc7: {  	v11 =	vmul.f32 v0, v11;
	v4 =	vadd.f32 v12, v4;
	v61 =	vld [tilespmem:s31+$0x4000];
	v8 =	vadd.f32 v15, v8  }
0xc8: {  	v49 =	vld [tilespmem:s31+$0x4180];
	v6 =	vadd.f32 v31, v6;
	v5 =	vadd.f32 v57, v5;
	v10 =	vsel vm0, v10, v14  }
0xc9: {  	v40 =	vadd.f32 v11, v7;
	v3 =	vadd.f32 v32, v3;
	v35 =	vld [tilespmem:s31+$0x4020];
	v0 =	vsel vm1, v8, v10  }
0xca: {  	v45 =	vld [tilespmem:s31+$0x4100];
	v6 =	vadd.f32 v29, v6;
	v57 =	vadd.f32 v50, v4;
	v0 =	vsel vm2, v5, v0  }
0xcb: {  	v4 =	vmul.f32 v37, v19;
	v14 =	vmovc v47;
	v47 =	vadd.f32 v43, v3;
	v43 =	vld [tilespmem:s31+$0x4080];
	v3 =	vperm.xlane v0, v58  }
0xcc: {  	v34 =	vmovc v27;
	v50 =	vld [tilespmem:s31+$0x4190];
	v5 =	vadd.f32 v46, v52;
	v58 =	vadd.f32 v9, v2;
	v2 =	vmul.f32 v61, v13  }
0xcd: {  	v7 =	vmul.f32 v38, v16;
	v6 =	vadd.f32 v34, v6;
	v36 =	vld [tilespmem:s31+$0x40A0];
	v0 =	vadd.f32 v0, v3  }
0xce: {  	v26 =	vld [tilespmem:s31+$0x4110];
	v5 =	vadd.f32 v33, v5;
	v2 =	vadd.f32 v4, v2;
	v4 =	vmul.f32 v35, v17  }
0xcf: {  	v48 =	vld [tilespmem:s31+$0x41A0];
	v9 =	vmul.f32 v39, v19;
	v3 =	vadd.f32 v54, v51;
	v8 =	vperm.xlane v0, v23  }
0xd0: {  	v41 =	vld [tilespmem:s31+$0x40B0];
	v10 =	vmul.f32 v43, v13;
	v5 =	vadd.f32 v60, v5;
	v2 =	vadd.f32 v4, v2  }
0xd1: {  	v21 =	vld [tilespmem:s31+$0x4120];
	v4 =	vmul.f32 v50, v19;
	v53 =	vadd.f32 v0, v8;
	v0 =	vmul.f32 v49, v13  }
0xd2: {  	v42 =	vld [tilespmem:s31+$0x41B0];
	v8 =	vmul.f32 v36, v17;
	v2 =	vadd.f32 v7, v2;
	v7 =	vadd.f32 v9, v10  }
0xd3: {  	v32 =	vld [tilespmem:s31+$0x4130];
	v9 =	vmul.f32 v26, v19;
	v0 =	vadd.f32 v4, v0;
	v4 =	vmul.f32 v45, v13  }
0xd4: {  	v11 =	vld [tilespmem:$0x1FF50];
	v3 =	vadd.f32 v30, v3;
	v7 =	vadd.f32 v8, v7;
	v8 =	vmul.f32 v48, v17  }
0xd5: {  	v5 =	vadd.f32 v59, v5;
	v4 =	vadd.f32 v9, v4;
	v9 =	vmul.f32 v41, v16  }
0xd6: {  	v10 =	vadd.f32 v56, v44;
	v0 =	vadd.f32 v8, v0;
	v8 =	vmul.f32 v21, v17  }
0xd7: {  	v3 =	vadd.f32 v24, v3;
	v7 =	vadd.f32 v9, v7;
	v9 =	vmul.f32 v42, v16  }
0xd8: {  	v10 =	vadd.f32 v22, v10;
	v4 =	vadd.f32 v8, v4;
	v8 =	vmul.f32 v32, v16  }
0xd9: {  	v15 =	vmovc v33;
	v33 =	vmovc v30;
	vm3 =	vlt.f32 v53, v11;
	v0 =	vadd.f32 v9, v0;
	v9 =	vimm.f32 $0.0e+00  }
0xda: {  	v30 =	vmovc v29;
	v29 =	vmovc v37;
	v4 =	vadd.f32 v8, v4;
	v8 =	vimm.s32 $0x0;
	v44 =	vsel vm3, $0x3F800000, v9  }
0xdb: {  	v6 =	vadd.f32 v29, v6;
	v5 =	vadd.f32 v38, v5;
	v8 =	vperm.xlane v44, v8  }
0xdc: {  	v3 =	vadd.f32 v28, v3;
	v9 =	vadd.f32 v14, v10  }
0xdd: {  	v11 =	vadd.f32 v39, v6;
	v5 =	vadd.f32 v41, v5;
	v10 =	vmul.f32 v8, v46  }
0xde: {  	v3 =	vadd.f32 v35, v3;
	v9 =	vadd.f32 v20, v9  }
0xdf: {  	v19 =	vmovc v60;
	v11 =	vadd.f32 v26, v11;
	v60 =	vadd.f32 v10, v1;
	v1 =	vperm.xlane v2, v63  }
0xe0: {  	v3 =	vadd.f32 v36, v3;
	v9 =	vadd.f32 v61, v9;
	v10 =	vperm.xlane v0, v63  }
0xe1: {  	v6 =	vmul.f32 v8, v56;
	v1 =	vadd.f32 v1, v2;
	v2 =	vperm.xlane v7, v63  }
0xe2: {  	v56 =	vmul.f32 v8, v55;
	v9 =	vadd.f32 v43, v9;
	v0 =	vadd.f32 v10, v0  }
0xe3: {  	v2 =	vadd.f32 v2, v7;
	v7 =	vmul.f32 v8, v54;
	v8 =	vperm.xlane v1, v62  }
0xe4: {  	v5 =	vadd.f32 v32, v5;
	v3 =	vadd.f32 v21, v3;
	v10 =	vperm.xlane v4, v63  }
0xe5: {  	v12 =	vadd.f32 v45, v9;
	v9 =	vadd.f32 v8, v1;
	v1 =	vperm.xlane v0, v62  }
0xe6: {  	v51 =	vadd.f32 v50, v11;
	v4 =	vadd.f32 v10, v4;
	v10 =	vperm.xlane v2, v62  }
0xe7: {  	v27 =	vmovc v24;
	v24 =	vmovc v61;
	v52 =	vadd.f32 v48, v3;
	v61 =	vadd.f32 v1, v0;
	v0 =	vimm.s32 $0xC  }
0xe8: {  	v8 =	vperm.xlane v4, v62;
	v10 =	vadd.f32 v10, v2;
	v2 =	vperm.xlane v44, v0  }
0xe9: {  	v23 =	vmovc v38;
	v54 =	vadd.f32 v42, v5;
	v46 =	vadd.f32 v49, v12;
	v0 =	vimm.s32 $0x8  }
0xea: {  	s19 =	simm.s32 $0x1000;
	v37 =	vmovc v35;
	v63 =	vadd.f32 v8, v4;
	v8 =	vperm.xlane v44, v0;
	v55 =	vmul.f32 v2, v59  }
.LBB2_4:
0xeb: {  	v0 =	vld [tilespmem:$0x1FF40]  }
0xec: {  	v6 =	vadd.f32 v6, v58;
	v58 =	vld [tilespmem:$0x1FF90]  }
0xed: {  	s20 =	sshra.s32 s19, $0x2;
	v7 =	vadd.f32 v7, v57;
	v57 =	vld [tilespmem:$0x1FF60]  }
0xee: {  	v3 =	vmul.f32 v2, v34;
	v62 =	vld [tilespmem:s20+$0x4020]  }
0xef: {  	v59 =	vmul.f32 v2, v28;
	v1 =	vsel vm0, v63, v61;
	v63 =	vld [tilespmem:s20+$0x4030];
	v61 =	vmul.f32 v2, v20;
	v2 =	vmovc v49  }
0xf0: {  	v5 =	vimm.s32 $0x4;
	[tilespmem:$0x1FF00] =	vst v2;
	v2 =	vld [tilespmem:$0x1FF30]  }
0xf1: {  	v4 =	vperm.xlane v44, v5;
	v5 =	vld [tilespmem:s20+$0x4130]  }
0xf2: {  	v11 =	vld [tilespmem:s20+$0x40B0]  }
0xf3: {  	v25 =	vadd.f32 v44, v25;
	v16 =	vld [tilespmem:s20+$0x4120];
	v1 =	vsel vm1, v10, v1  }
0xf4: {  	v34 =	vmovc v50;
	v17 =	vmul.f32 v8, v19;
	v19 =	vld [tilespmem:$0x1FFC0];
	v1 =	vsel vm2, v9, v1;
	v13 =	vmul.f32 v4, v22  }
0xf5: {  	v50 =	vld [tilespmem:s20+$0x4190];
	v15 =	vmul.f32 v4, v15;
	v10 =	vmul.f32 v8, v14;
	v9 =	vsub.f32 v53, v2;
	v2 =	vmovc v45  }
0xf6: {  	v47 =	vadd.f32 v56, v47;
	v14 =	vmul.f32 v4, v31;
	v4 =	vmul.f32 v4, v33;
	[tilespmem:$0x1FEF0] =	vst v2;
	v2 =	vld [tilespmem:$0x1FFA0]  }
0xf7: {  	v38 =	vmovc v29;
	v29 =	vmovc v43;
	v33 =	vmov v36;
	v36 =	vld [tilespmem:s20+$0x40A0];
	v0 =	vsub.f32 v53, v0;
	v6 =	vadd.f32 v13, v6  }
0xf8: {  	v35 =	vmovc v41;
	v43 =	vld [tilespmem:s20+$0x4080];
	v15 =	vadd.f32 v15, v60;
	v13 =	vmul.f32 v63, v58;
	v4 =	vadd.f32 v4, v7  }
0xf9: {  	v20 =	vmovc v32;
	v60 =	vld [tilespmem:$0x1FF70];
	v32 =	vmovc v5;
	v5 =	vadd.f32 v63, v54;
	v41 =	vmov v11;
	v11 =	vadd.f32 v62, v52  }
0xfa: {  	v7 =	vld [tilespmem:s20+$0x4090];
	v56 =	vmul.f32 v50, v57;
	v14 =	vadd.f32 v14, v47;
	v10 =	vadd.f32 v10, v6  }
0xfb: {  	v54 =	vld [tilespmem:$0x1FF80];
	v6 =	vmul.f32 v8, v30;
	v15 =	vadd.f32 v17, v15;
	v12 =	vperm.xlane v1, v2  }
0xfc: {  	v0 =	vand.u32 $0x7FFFFFFF, v0;
	v30 =	vmovc v26;
	v26 =	vld [tilespmem:s20+$0x4110];
	v5 =	vadd.f32 v41, v5;
	v11 =	vadd.f32 v36, v11  }
0xfd: {  	v14 =	vadd.f32 v6, v14;
	v9 =	vand.u32 $0x7FFFFFFF, v9;
	v2 =	vld [tilespmem:s20+$0x4010];
	v1 =	vadd.f32 v1, v12  }
0xfe: {  	v52 =	vmul.f32 v43, v60;
	v5 =	vadd.f32 v32, v5;
	v0 =	vmin.f32 v9, v0;
	v12 =	vld [tilespmem:s20+$0x4000]  }
0xff: {  	v18 =	vadd.f32 v0, v18;
	v0 =	vmul.f32 v0, v44;
	v19 =	vperm.xlane v1, v19  }
0x100: {  	v28 =	vmovc v48;
	v17 =	vmul.f32 v7, v57;
	v47 =	vadd.f32 v3, v14;
	v14 =	vadd.f32 v55, v15  }
0x101: {  	v48 =	vld [tilespmem:s20+$0x41A0];
	v31 =	vmovc v39;
	v40 =	vadd.f32 v0, v40;
	v53 =	vadd.f32 v1, v19;
	v1 =	vmul.f32 v8, v27  }
0x102: {  	v39 =	vmovc v7;
	v0 =	vmul.f32 v36, v54;
	v7 =	vmul.f32 v2, v57;
	v27 =	vmovc v21;
	v21 =	vmov v16;
	v16 =	vld [tilespmem:$0x1FF50]  }
0x103: {  	v49 =	vld [tilespmem:s20+$0x4180];
	v57 =	vmul.f32 v26, v57;
	v1 =	vadd.f32 v1, v4;
	v4 =	vmul.f32 v12, v60  }
0x104: {  	v45 =	vld [tilespmem:s20+$0x4100];
	v8 =	vadd.f32 v2, v51;
	v19 =	vimm.f32 $0.0e+00;
	v51 =	vmul.f32 v41, v58  }
0x105: {  	v9 =	vadd.f32 v12, v46;
	v4 =	vadd.f32 v7, v4;
	v7 =	vmul.f32 v62, v54  }
0x106: {  	v46 =	vmul.f32 v48, v54;
	v11 =	vadd.f32 v21, v11;
	v8 =	vadd.f32 v39, v8  }
0x107: {  	v22 =	vld [tilespmem:$0x1FFF0];
	v9 =	vadd.f32 v43, v9;
	vm3 =	vlt.f32 v53, v16;
	v4 =	vadd.f32 v7, v4  }
0x108: {  	v54 =	vmul.f32 v21, v54;
	v44 =	vsel vm3, $0x3F800000, v19;
	v19 =	vld [tilespmem:s20+$0x41B0];
	v7 =	vmul.f32 v49, v60  }
0x109: {  	v4 =	vadd.f32 v13, v4;
	v13 =	vadd.f32 v17, v52;
	v17 =	vmul.f32 v45, v60  }
0x10a: {  	v16 =	vmul.f32 v32, v58;
	v7 =	vadd.f32 v56, v7;
	v60 =	vimm.s32 $0x0  }
0x10b: {  	v52 =	vperm.xlane v44, v60;
	v0 =	vadd.f32 v0, v13;
	v13 =	vadd.f32 v57, v17  }
0x10c: {  	v56 =	vperm.xlane v4, v22;
	v17 =	vadd.f32 v46, v7;
	v57 =	vadd.f32 v59, v1  }
0x10d: {  	v58 =	vmul.f32 v19, v58;
	v6 =	vmul.f32 v52, v24;
	v3 =	vadd.f32 v54, v13  }
0x10e: {  	v7 =	vmul.f32 v52, v37;
	v37 =	vmovc v62;
	v62 =	vld [tilespmem:$0x1FFE0];
	v0 =	vadd.f32 v51, v0;
	v4 =	vadd.f32 v56, v4  }
0x10f: {  	v24 =	vmovc v12;
	v13 =	vmul.f32 v52, v23;
	v12 =	vadd.f32 v58, v17;
	v3 =	vadd.f32 v16, v3  }
0x110: {  	v56 =	vmul.f32 v52, v38;
	v52 =	vadd.f32 v48, v11;
	v17 =	vperm.xlane v0, v22  }
0x111: {  	v58 =	vadd.f32 v61, v10;
	v1 =	vperm.xlane v12, v22;
	v10 =	vperm.xlane v3, v22  }
0x112: {  	v60 =	vadd.f32 v13, v14;
	v0 =	vadd.f32 v17, v0;
	v22 =	vmov v29  }
0x113: {  	v29 =	vmovc v2;
	v2 =	vperm.xlane v4, v62;
	v1 =	vadd.f32 v1, v12;
	v3 =	vadd.f32 v10, v3  }
0x114: {  	p0 =	sne.s32 s19, $0xF800;
	v14 =	vadd.f32 v26, v8;
	v10 =	vadd.f32 v45, v9;
	v12 =	vperm.xlane v0, v62  }
.Ltmp1:
0x115: {  	v9 =	vadd.f32 v2, v4;
	v13 =	vperm.xlane v1, v62;
	v4 =	vperm.xlane v3, v62;
	(pc) =	sbr.rel @p0 .LBB2_4-.Ltmp1, $4  }
0x116: {  	v46 =	vadd.f32 v49, v10;
	v10 =	vadd.f32 v12, v0;
	v0 =	vimm.s32 $0xC  }
0x117: {  	v54 =	vadd.f32 v19, v5;
	v51 =	vadd.f32 v50, v14;
	v2 =	vperm.xlane v44, v0  }
0x118: {  	v23 =	vmovc v63;
	v14 =	vld [tilespmem:$0x1FEF0];
	v61 =	vadd.f32 v13, v1;
	v0 =	vimm.s32 $0x8;
	v63 =	vadd.f32 v4, v3  }
0x119: {  	s19 =	sadd.s32 $0x800, s19;
	v15 =	vmovc v35;
	v8 =	vperm.xlane v44, v0;
	v55 =	vmul.f32 v2, v42;
	v42 =	vmovc v19;
	v19 =	vmov v20;
	v20 =	vld [tilespmem:$0x1FF00]  }
0x11a: {  	v17 =	vld [tilespmem:$0x1FF40]  }
0x11b: {  	v16 =	vld [tilespmem:$0x1FF30]  }
0x11c: {  	v4 =	vmul.f32 v2, v28;
	v28 =	vimm.s32 $0x4;
	v59 =	vld [tilespmem:$0x1FFA0]  }
0x11d: {  	v0 =	vsel vm0, v63, v61;
	v3 =	vmul.f32 v2, v34;
	v5 =	vperm.xlane v44, v28  }
0x11e: {  	v6 =	vadd.f32 v6, v58;
	v7 =	vadd.f32 v7, v57;
	v0 =	vsel vm1, v10, v0  }
0x11f: {  	v10 =	vadd.f32 v44, v25;
	v0 =	vsel vm2, v9, v0;
	v12 =	vmul.f32 v5, v22  }
0x120: {  	v13 =	vmul.f32 v5, v33;
	v1 =	vsub.f32 v53, v17;
	v11 =	vsub.f32 v53, v16;
	v53 =	vld [tilespmem:$0x1FFC0]  }
0x121: {  	s19 =	simm.s32 $0x0;
	v14 =	vmul.f32 v8, v14;
	v9 =	vperm.xlane v0, v59;
	v6 =	vadd.f32 v12, v6  }
0x122: {  	[tilespmem:s10], [sflag:$0x2] =	stream.linear.gather [hbm4b:s7+s19], $0x4000, $0x38;
	v2 =	vmul.f32 v2, v20;
	v7 =	vadd.f32 v13, v7;
	v13 =	vadd.f32 v56, v47;
	[tilespmem:$0x8200] =	vst v63  }
0x123: {  	_ =	swait.ge [sflag:s13], $0x4000;
	v1 =	vand.u32 $0x7FFFFFFF, v1;
	v0 =	vadd.f32 v0, v9;
	v9 =	vmul.f32 v5, v15  }
0x124: {  	v15 =	vmul.f32 v8, v19;
	v5 =	vmul.f32 v5, v31;
	v6 =	vadd.f32 v14, v6;
	v14 =	vld [tilespmem:$0x1FF50]  }
0x125: {  	v11 =	vand.u32 $0x7FFFFFFF, v11;
	v9 =	vadd.f32 v9, v60;
	v12 =	vperm.xlane v0, v53  }
0x126: {  	v1 =	vmin.f32 v11, v1;
	v11 =	vimm.f32 $0.0e+00;
	v5 =	vadd.f32 v5, v13  }
0x127: {  	[sflag:s13] =	ssyncset.done $0x0;
	v13 =	vimm.s32 $0x0;
	v9 =	vadd.f32 v15, v9;
	v0 =	vadd.f32 v0, v12  }
0x128: {  	s30 =	simm.s32 $0x0;
	v63 =	vld [tilespmem:$0x1FF70];
	[sflag:s13] =	ssyncadd.s32 $0xFFFFC000;
	v57 =	vadd.f32 v1, v18;
	v12 =	vmul.f32 v8, v30;
	v8 =	vmul.f32 v8, v27  }
0x129: {  	v58 =	vld [tilespmem:s30+$0x0];
	v2 =	vadd.f32 v2, v6;
	v9 =	vadd.f32 v55, v9;
	vm3 =	vlt.f32 v0, v14  }
0x12a: {  	v31 =	vld [tilespmem:s30+$0x90];
	v7 =	vadd.f32 v8, v7;
	v8 =	vmul.f32 v1, v44;
	v5 =	vadd.f32 v12, v5  }
0x12b: {  	v18 =	vld [tilespmem:s30+$0x130];
	v1 =	vimm.s32 $0xC;
	v15 =	vsub.f32 v0, v17;
	v11 =	vsel vm3, $0x3F800000, v11  }
0x12c: {  	v27 =	vld [tilespmem:s30+$0x1A0];
	v0 =	vsub.f32 v0, v16;
	v13 =	vperm.xlane v11, v13;
	v8 =	vadd.f32 v8, v40  }
0x12d: {  	v16 =	vld [tilespmem:$0x1FF90];
	v5 =	vadd.f32 v3, v5;
	v25 =	vadd.f32 v11, v10;
	v10 =	vperm.xlane v11, v28  }
0x12e: {  	v17 =	vld [tilespmem:$0x1FF80];
	v4 =	vadd.f32 v4, v7;
	v12 =	vmul.f32 v13, v23;
	v14 =	vmul.f32 v13, v24  }
0x12f: {  	v19 =	vld [tilespmem:s30+$0x100];
	v15 =	vand.u32 $0x7FFFFFFF, v15;
	v3 =	vmul.f32 v13, v37;
	v6 =	vmul.f32 v13, v29  }
0x130: {  	v61 =	vld [tilespmem:s30+$0x180];
	v28 =	vmul.f32 v10, v43;
	v35 =	vmul.f32 v10, v39;
	v7 =	vadd.f32 v12, v9  }
0x131: {  	v60 =	vld [tilespmem:s30+$0x10];
	v9 =	vperm.xlane v11, v1;
	v2 =	vadd.f32 v14, v2;
	v14 =	vmul.f32 v10, v41  }
0x132: {  	v30 =	vld [tilespmem:s30+$0x190];
	v1 =	vimm.s32 $0x8;
	v10 =	vmul.f32 v10, v36;
	v36 =	vmul.f32 v18, v16  }
0x133: {  	v0 =	vand.u32 $0x7FFFFFFF, v0;
	v13 =	vld [tilespmem:$0x1FF60];
	v41 =	vmul.f32 v27, v17;
	v12 =	vperm.xlane v11, v1  }
0x134: {  	v0 =	vmin.f32 v0, v15;
	v29 =	vld [tilespmem:s30+$0x110];
	v42 =	vmul.f32 v9, v42;
	v47 =	vmul.f32 v9, v50  }
0x135: {  	v56 =	vld [tilespmem:s30+$0x20];
	v39 =	vadd.f32 v0, v57;
	v44 =	vmul.f32 v9, v48;
	v9 =	vmul.f32 v9, v49  }
0x136: {  	v24 =	vld [tilespmem:s30+$0x80];
	v49 =	vmul.f32 v58, v63;
	v7 =	vadd.f32 v14, v7;
	v14 =	vmul.f32 v61, v63  }
0x137: {  	v4 =	vadd.f32 v3, v4;
	v1 =	vld [tilespmem:s30+$0x120];
	v48 =	vmul.f32 v19, v63;
	v20 =	vmul.f32 v12, v45  }
0x138: {  	v2 =	vadd.f32 v28, v2;
	v28 =	vld [tilespmem:s30+$0xA0];
	v37 =	vmul.f32 v31, v13;
	v38 =	vmul.f32 v60, v13  }
0x139: {  	v55 =	vld [tilespmem:s30+$0x1B0];
	v4 =	vadd.f32 v10, v4;
	v50 =	vmul.f32 v30, v13;
	v10 =	vmul.f32 v29, v13  }
0x13a: {  	v33 =	vld [tilespmem:s30+$0xB0];
	v5 =	vadd.f32 v6, v5;
	v32 =	vmul.f32 v12, v32;
	v26 =	vmul.f32 v12, v26  }
0x13b: {  	v45 =	vld [tilespmem:s30+$0x30];
	v34 =	vadd.f32 v38, v49;
	v49 =	vmul.f32 v24, v63;
	v14 =	vadd.f32 v50, v14  }
0x13c: {  	v10 =	vadd.f32 v10, v48;
	v48 =	vmul.f32 v56, v17;
	v50 =	vmul.f32 v1, v17  }
0x13d: {  	v22 =	vld [tilespmem:$0x1FFF0];
	v2 =	vadd.f32 v20, v2;
	v40 =	vmul.f32 v28, v17;
	v37 =	vadd.f32 v37, v49  }
0x13e: {  	v14 =	vadd.f32 v41, v14;
	v49 =	vmul.f32 v55, v16;
	v10 =	vadd.f32 v50, v10  }
0x13f: {  	v34 =	vadd.f32 v48, v34;
	v50 =	vmul.f32 v33, v16;
	v37 =	vadd.f32 v40, v37  }
0x140: {  	v40 =	vmul.f32 v45, v16;
	v14 =	vadd.f32 v49, v14;
	v10 =	vadd.f32 v36, v10  }
0x141: {  	v12 =	vmul.f32 v12, v21;
	v7 =	vadd.f32 v32, v7;
	v20 =	vadd.f32 v50, v37  }
0x142: {  	v34 =	vadd.f32 v40, v34;
	v41 =	vperm.xlane v14, v22;
	v43 =	vperm.xlane v10, v22  }
0x143: {  	v4 =	vadd.f32 v12, v4;
	v12 =	vadd.f32 v42, v7;
	v48 =	vperm.xlane v20, v22  }
0x144: {  	v38 =	vperm.xlane v34, v22;
	v14 =	vadd.f32 v41, v14;
	v10 =	vadd.f32 v43, v10  }
0x145: {  	v7 =	vadd.f32 v60, v51;
	v6 =	vadd.f32 v48, v20  }
0x146: {  	s31 =	simm.s32 $0x200;
	v20 =	vadd.f32 v38, v34;
	v49 =	vperm.xlane v14, v62;
	v50 =	vperm.xlane v10, v62  }
0x147: {  	v5 =	vadd.f32 v35, v5;
	v35 =	vld [tilespmem:s31+$0x10];
	v7 =	vadd.f32 v31, v7;
	v15 =	vperm.xlane v6, v62  }
0x148: {  	v23 =	vld [tilespmem:s31+$0x20];
	v38 =	vperm.xlane v20, v62;
	v14 =	vadd.f32 v49, v14;
	v10 =	vadd.f32 v50, v10  }
0x149: {  	v3 =	vld [tilespmem:s31+$0x0];
	v11 =	vmul.f32 v0, v11;
	v5 =	vadd.f32 v26, v5;
	v6 =	vadd.f32 v15, v6  }
0x14a: {  	v37 =	vld [tilespmem:s31+$0x30];
	v7 =	vadd.f32 v29, v7;
	v15 =	vadd.f32 v38, v20;
	v10 =	vsel vm0, v10, v14  }
0x14b: {  	v47 =	vadd.f32 v47, v5;
	v57 =	vadd.f32 v44, v4;
	v36 =	vld [tilespmem:s31+$0xA0];
	v34 =	vmovc v30;
	v0 =	vsel vm1, v6, v10  }
0x14c: {  	v5 =	vmul.f32 v35, v13;
	v43 =	vld [tilespmem:s31+$0x80];
	v7 =	vadd.f32 v34, v7;
	v0 =	vsel vm2, v15, v0  }
0x14d: {  	v40 =	vadd.f32 v11, v8;
	v38 =	vld [tilespmem:s31+$0x90];
	v6 =	vadd.f32 v45, v54;
	v4 =	vperm.xlane v0, v59  }
0x14e: {  	v50 =	vld [tilespmem:s31+$0x190];
	v7 =	vadd.f32 v35, v7;
	v59 =	vadd.f32 v9, v2;
	v2 =	vmul.f32 v3, v63  }
0x14f: {  	v8 =	vmul.f32 v37, v16;
	v49 =	vld [tilespmem:s31+$0x180];
	v6 =	vadd.f32 v33, v6;
	v0 =	vadd.f32 v0, v4  }
0x150: {  	v26 =	vld [tilespmem:s31+$0x110];
	v4 =	vadd.f32 v56, v52;
	v2 =	vadd.f32 v5, v2;
	v5 =	vmul.f32 v23, v17  }
0x151: {  	v44 =	vld [tilespmem:s31+$0x100];
	v11 =	vmul.f32 v43, v63;
	v6 =	vadd.f32 v18, v6;
	v9 =	vperm.xlane v0, v53  }
0x152: {  	v48 =	vld [tilespmem:s31+$0x1A0];
	v10 =	vmul.f32 v38, v13;
	v2 =	vadd.f32 v5, v2;
	v4 =	vadd.f32 v28, v4  }
0x153: {  	v41 =	vld [tilespmem:s31+$0xB0];
	v5 =	vmul.f32 v50, v13;
	v6 =	vadd.f32 v55, v6;
	v53 =	vadd.f32 v0, v9  }
0x154: {  	v20 =	vld [tilespmem:s31+$0x120];
	v0 =	vmul.f32 v49, v63;
	v9 =	vmul.f32 v36, v17;
	v2 =	vadd.f32 v8, v2  }
0x155: {  	v42 =	vld [tilespmem:s31+$0x1B0];
	v8 =	vadd.f32 v10, v11;
	v10 =	vmul.f32 v26, v13;
	v11 =	vadd.f32 v58, v46  }
0x156: {  	v32 =	vld [tilespmem:s31+$0x130];
	v4 =	vadd.f32 v1, v4;
	v0 =	vadd.f32 v5, v0;
	v5 =	vmul.f32 v44, v63  }
0x157: {  	v14 =	vmovc v24;
	v13 =	vld [tilespmem:$0x1FF50];
	v6 =	vadd.f32 v37, v6;
	v8 =	vadd.f32 v9, v8;
	v9 =	vmul.f32 v48, v17  }
0x158: {  	v11 =	vadd.f32 v14, v11;
	v5 =	vadd.f32 v10, v5;
	v10 =	vmul.f32 v41, v16  }
0x159: {  	v30 =	vmovc v28;
	v4 =	vadd.f32 v27, v4;
	v0 =	vadd.f32 v9, v0;
	v9 =	vmul.f32 v20, v17  }
0x15a: {  	v28 =	vmovc v1;
	v1 =	vperm.xlane v2, v22;
	v8 =	vadd.f32 v10, v8;
	v10 =	vmul.f32 v42, v16  }
0x15b: {  	v4 =	vadd.f32 v23, v4;
	v5 =	vadd.f32 v9, v5;
	v9 =	vmul.f32 v32, v16  }
0x15c: {  	vm3 =	vlt.f32 v53, v13;
	v0 =	vadd.f32 v10, v0;
	v10 =	vimm.f32 $0.0e+00  }
0x15d: {  	v5 =	vadd.f32 v9, v5;
	v9 =	vimm.s32 $0x0;
	v46 =	vsel vm3, $0x3F800000, v10  }
0x15e: {  	v1 =	vadd.f32 v1, v2;
	v2 =	vperm.xlane v8, v22;
	v9 =	vperm.xlane v46, v9  }
0x15f: {  	v4 =	vadd.f32 v36, v4;
	v10 =	vadd.f32 v19, v11  }
0x160: {  	v2 =	vadd.f32 v2, v8;
	v8 =	vperm.xlane v0, v22;
	v11 =	vmul.f32 v9, v45  }
0x161: {  	v4 =	vadd.f32 v20, v4;
	v10 =	vadd.f32 v61, v10  }
0x162: {  	v24 =	vmovc v19;
	v19 =	vmovc v18;
	v18 =	vmov v61;
	v0 =	vadd.f32 v8, v0;
	v61 =	vadd.f32 v11, v12  }
0x163: {  	v8 =	vperm.xlane v5, v22;
	v11 =	vadd.f32 v41, v6;
	v6 =	vadd.f32 v3, v10  }
0x164: {  	v10 =	vadd.f32 v38, v7;
	v7 =	vmul.f32 v9, v56;
	v56 =	vmul.f32 v9, v60  }
0x165: {  	v12 =	vadd.f32 v43, v6;
	v6 =	vmul.f32 v9, v58;
	v9 =	vperm.xlane v1, v62  }
0x166: {  	v5 =	vadd.f32 v8, v5;
	v8 =	vperm.xlane v2, v62  }
0x167: {  	v52 =	vadd.f32 v48, v4;
	v9 =	vadd.f32 v9, v1;
	v1 =	vperm.xlane v0, v62  }
0x168: {  	v13 =	vadd.f32 v26, v10;
	v10 =	vadd.f32 v8, v2;
	v8 =	vperm.xlane v5, v62  }
0x169: {  	v21 =	vmovc v37;
	v15 =	vmovc v33;
	v11 =	vadd.f32 v32, v11;
	v63 =	vadd.f32 v1, v0;
	v0 =	vimm.s32 $0xC  }
0x16a: {  	v33 =	vmovc v29;
	v12 =	vadd.f32 v44, v12;
	v60 =	vadd.f32 v8, v5;
	v2 =	vperm.xlane v46, v0  }
0x16b: {  	v29 =	vmovc v3;
	v37 =	vmovc v23;
	v51 =	vadd.f32 v50, v13;
	v54 =	vadd.f32 v42, v11;
	v0 =	vimm.s32 $0x8  }
0x16c: {  	s19 =	simm.s32 $0x1000;
	v23 =	vmovc v35;
	v45 =	vadd.f32 v49, v12;
	v8 =	vperm.xlane v46, v0;
	v55 =	vmul.f32 v2, v55  }
.LBB2_6:
0x16d: {  	_ =	sdelay $0x1  }
0x16e: {  	v0 =	vld [tilespmem:$0x1FF40]  }
0x16f: {  	s20 =	sshra.s32 s19, $0x2;
	v3 =	vmul.f32 v2, v34;
	v6 =	vadd.f32 v6, v59;
	v59 =	vld [tilespmem:$0x1FF90]  }
0x170: {  	v58 =	vmul.f32 v2, v27;
	v62 =	vld [tilespmem:s20+$0x20];
	v1 =	vsel vm0, v60, v63;
	v60 =	vmul.f32 v2, v18;
	v2 =	vmovc v49  }
0x171: {  	[tilespmem:$0x1FEE0] =	vst v2;
	v2 =	vld [tilespmem:$0x1FF30]  }
0x172: {  	v5 =	vimm.s32 $0x4;
	v63 =	vld [tilespmem:s20+$0x30]  }
0x173: {  	v4 =	vperm.xlane v46, v5;
	v5 =	vld [tilespmem:s20+$0x130]  }
0x174: {  	v11 =	vld [tilespmem:s20+$0xB0]  }
0x175: {  	v34 =	vmov v50;
	v50 =	vld [tilespmem:s20+$0x190];
	v1 =	vsel vm1, v10, v1  }
0x176: {  	v7 =	vadd.f32 v7, v57;
	v57 =	vld [tilespmem:$0x1FF60];
	v1 =	vsel vm2, v9, v1;
	v9 =	vsub.f32 v53, v2;
	v2 =	vmovc v44  }
0x177: {  	v13 =	vmul.f32 v4, v14;
	v14 =	vmul.f32 v4, v31;
	[tilespmem:$0x1FED0] =	vst v2;
	v2 =	vld [tilespmem:$0x1FFA0]  }
0x178: {  	v15 =	vmul.f32 v4, v15;
	v4 =	vmul.f32 v4, v30;
	v30 =	vmov v36;
	v36 =	vld [tilespmem:s20+$0xA0]  }
0x179: {  	v25 =	vadd.f32 v46, v25;
	v47 =	vadd.f32 v56, v47;
	v18 =	vld [tilespmem:$0x1FFC0]  }
0x17a: {  	v10 =	vmul.f32 v8, v24;
	v24 =	vmovc v43;
	v43 =	vld [tilespmem:s20+$0x80];
	v0 =	vsub.f32 v53, v0;
	v6 =	vadd.f32 v13, v6  }
0x17b: {  	v17 =	vmul.f32 v8, v19;
	v15 =	vadd.f32 v15, v61;
	v4 =	vadd.f32 v4, v7;
	v7 =	vld [tilespmem:s20+$0x90]  }
0x17c: {  	v35 =	vmovc v41;
	v61 =	vld [tilespmem:$0x1FF70];
	v14 =	vadd.f32 v14, v47;
	v13 =	vmul.f32 v63, v59;
	v12 =	vperm.xlane v1, v2  }
0x17d: {  	v19 =	vmovc v32;
	v32 =	vmovc v5;
	v5 =	vadd.f32 v63, v54;
	v41 =	vmov v11;
	v11 =	vadd.f32 v62, v52  }
0x17e: {  	v56 =	vmul.f32 v50, v57;
	v0 =	vand.u32 $0x7FFFFFFF, v0;
	v2 =	vld [tilespmem:s20+$0x10];
	v1 =	vadd.f32 v1, v12  }
0x17f: {  	v10 =	vadd.f32 v10, v6;
	v6 =	vmul.f32 v8, v33;
	v15 =	vadd.f32 v17, v15;
	v12 =	vld [tilespmem:s20+$0x0]  }
0x180: {  	v16 =	vld [tilespmem:s20+$0x120];
	v5 =	vadd.f32 v41, v5;
	v11 =	vadd.f32 v36, v11;
	v18 =	vperm.xlane v1, v18  }
0x181: {  	v54 =	vld [tilespmem:$0x1FF80];
	v14 =	vadd.f32 v6, v14;
	v17 =	vmul.f32 v7, v57;
	v52 =	vmul.f32 v43, v61  }
0x182: {  	v27 =	vmovc v48;
	v33 =	vmovc v26;
	v26 =	vld [tilespmem:s20+$0x110];
	v9 =	vand.u32 $0x7FFFFFFF, v9;
	v53 =	vadd.f32 v1, v18;
	v1 =	vmul.f32 v8, v28  }
0x183: {  	v31 =	vmovc v38;
	v5 =	vadd.f32 v32, v5;
	v47 =	vadd.f32 v3, v14;
	v0 =	vmin.f32 v9, v0  }
0x184: {  	v48 =	vld [tilespmem:s20+$0x1A0];
	v38 =	vmovc v7;
	v7 =	vmul.f32 v2, v57;
	v1 =	vadd.f32 v1, v4;
	v4 =	vmul.f32 v12, v61  }
0x185: {  	v49 =	vld [tilespmem:s20+$0x180];
	v14 =	vadd.f32 v55, v15;
	v39 =	vadd.f32 v0, v39;
	v0 =	vmul.f32 v0, v46  }
0x186: {  	v28 =	vmovc v20;
	v20 =	vmov v16;
	v16 =	vld [tilespmem:$0x1FF50];
	v4 =	vadd.f32 v7, v4;
	v7 =	vmul.f32 v62, v54  }
0x187: {  	v44 =	vld [tilespmem:s20+$0x100];
	v40 =	vadd.f32 v0, v40;
	v0 =	vmul.f32 v36, v54;
	v57 =	vmul.f32 v26, v57  }
0x188: {  	v8 =	vadd.f32 v2, v51;
	v18 =	vimm.f32 $0.0e+00;
	v4 =	vadd.f32 v7, v4  }
0x189: {  	v51 =	vmul.f32 v41, v59;
	v9 =	vadd.f32 v12, v45;
	v11 =	vadd.f32 v20, v11  }
0x18a: {  	v22 =	vld [tilespmem:$0x1FFF0];
	v45 =	vmul.f32 v48, v54;
	v4 =	vadd.f32 v13, v4;
	v13 =	vadd.f32 v17, v52  }
0x18b: {  	v8 =	vadd.f32 v38, v8;
	vm3 =	vlt.f32 v53, v16;
	v7 =	vmul.f32 v49, v61  }
0x18c: {  	v46 =	vsel vm3, $0x3F800000, v18;
	v18 =	vld [tilespmem:s20+$0x1B0];
	v17 =	vmul.f32 v44, v61;
	v0 =	vadd.f32 v0, v13  }
0x18d: {  	v54 =	vmul.f32 v20, v54;
	v16 =	vmul.f32 v32, v59;
	v7 =	vadd.f32 v56, v7  }
0x18e: {  	v61 =	vimm.s32 $0x0;
	v13 =	vadd.f32 v57, v17;
	v0 =	vadd.f32 v51, v0  }
0x18f: {  	v9 =	vadd.f32 v43, v9;
	v52 =	vperm.xlane v46, v61;
	v56 =	vperm.xlane v4, v22  }
0x190: {  	v17 =	vadd.f32 v45, v7;
	v3 =	vadd.f32 v54, v13;
	v15 =	vperm.xlane v0, v22  }
0x191: {  	v57 =	vadd.f32 v58, v1;
	v59 =	vmul.f32 v18, v59;
	v6 =	vmul.f32 v52, v29  }
0x192: {  	v7 =	vmul.f32 v52, v37;
	v3 =	vadd.f32 v16, v3;
	v0 =	vadd.f32 v15, v0;
	v15 =	vld [tilespmem:$0x1FFE0]  }
0x193: {  	v29 =	vmovc v12;
	v13 =	vmul.f32 v52, v21;
	v4 =	vadd.f32 v56, v4;
	v12 =	vadd.f32 v59, v17  }
0x194: {  	v56 =	vmul.f32 v52, v23;
	v59 =	vadd.f32 v60, v10;
	v10 =	vperm.xlane v3, v22  }
0x195: {  	v52 =	vadd.f32 v48, v11;
	v61 =	vadd.f32 v13, v14;
	v1 =	vperm.xlane v12, v22  }
0x196: {  	v3 =	vadd.f32 v10, v3;
	v10 =	vadd.f32 v44, v9  }
0x197: {  	p0 =	sne.s32 s19, $0xF800;
	v14 =	vadd.f32 v26, v8;
	v1 =	vadd.f32 v1, v12;
	v12 =	vperm.xlane v0, v15  }
.Ltmp2:
0x198: {  	v23 =	vmovc v2;
	v54 =	vadd.f32 v18, v5;
	v45 =	vadd.f32 v49, v10;
	v2 =	vperm.xlane v4, v15;
	(pc) =	sbr.rel @p0 .LBB2_6-.Ltmp2, $4  }
0x199: {  	v37 =	vmovc v62;
	v13 =	vperm.xlane v1, v15;
	v10 =	vadd.f32 v12, v0;
	v0 =	vimm.s32 $0xC  }
0x19a: {  	v21 =	vmovc v63;
	v9 =	vadd.f32 v2, v4;
	v4 =	vperm.xlane v3, v15;
	v2 =	vperm.xlane v46, v0  }
0x19b: {  	v51 =	vadd.f32 v50, v14;
	v14 =	vmovc v24;
	v24 =	vld [tilespmem:$0x1FED0];
	v15 =	vmovc v35;
	v63 =	vadd.f32 v13, v1;
	v0 =	vimm.s32 $0x8  }
0x19c: {  	s19 =	sadd.s32 $0x800, s19;
	v60 =	vadd.f32 v4, v3;
	v8 =	vperm.xlane v46, v0;
	v55 =	vmul.f32 v2, v42;
	v42 =	vmovc v18;
	v18 =	vld [tilespmem:$0x1FEE0]  }
0x19d: {  	v17 =	vld [tilespmem:$0x1FF40]  }
0x19e: {  	v58 =	vld [tilespmem:$0x1FFA0]  }
0x19f: {  	v16 =	vld [tilespmem:$0x1FF30]  }
0x1a0: {  	v3 =	vmul.f32 v2, v34;
	v4 =	vmul.f32 v2, v27;
	v22 =	vimm.s32 $0x4  }
0x1a1: {  	v6 =	vadd.f32 v6, v59;
	v0 =	vsel vm0, v60, v63;
	v5 =	vperm.xlane v46, v22  }
0x1a2: {  	v7 =	vadd.f32 v7, v57;
	v0 =	vsel vm1, v10, v0;
	v10 =	vadd.f32 v46, v25  }
0x1a3: {  	v63 =	vld [tilespmem:$0x1FFC0];
	v0 =	vsel vm2, v9, v0;
	v12 =	vmul.f32 v5, v14;
	v13 =	vmul.f32 v5, v30  }
0x1a4: {  	v1 =	vsub.f32 v53, v17;
	v9 =	vperm.xlane v0, v58;
	v11 =	vsub.f32 v53, v16  }
0x1a5: {  	v14 =	vmul.f32 v8, v24;
	v6 =	vadd.f32 v12, v6;
	v7 =	vadd.f32 v13, v7  }
0x1a6: {  	_ =	swait.ge [sflag:s14], $0x4000;
	v2 =	vmul.f32 v2, v18;
	v13 =	vadd.f32 v56, v47;
	v0 =	vadd.f32 v0, v9  }
0x1a7: {  	v1 =	vand.u32 $0x7FFFFFFF, v1;
	v9 =	vmul.f32 v5, v15;
	v6 =	vadd.f32 v14, v6;
	v14 =	vld [tilespmem:$0x1FF50]  }
0x1a8: {  	v5 =	vmul.f32 v5, v31;
	v11 =	vand.u32 $0x7FFFFFFF, v11;
	v12 =	vperm.xlane v0, v63  }
0x1a9: {  	[sflag:s14] =	ssyncset.done $0x0;
	v15 =	vmul.f32 v8, v19;
	v1 =	vmin.f32 v11, v1;
	v9 =	vadd.f32 v9, v61  }
0x1aa: {  	s19 =	simm.s32 $0x0;
	[sflag:s14] =	ssyncadd.s32 $0xFFFFC000;
	v11 =	vimm.f32 $0.0e+00;
	v5 =	vadd.f32 v5, v13;
	v0 =	vadd.f32 v0, v12  }
0x1ab: {  	v57 =	vld [tilespmem:s19+$0x4000];
	v31 =	vadd.f32 v1, v39;
	v12 =	vmul.f32 v8, v33;
	v8 =	vmul.f32 v8, v28  }
0x1ac: {  	v27 =	vld [tilespmem:s19+$0x40A0];
	v2 =	vadd.f32 v2, v6;
	v9 =	vadd.f32 v15, v9;
	vm3 =	vlt.f32 v0, v14  }
0x1ad: {  	v53 =	vld [tilespmem:s19+$0x4110];
	v7 =	vadd.f32 v8, v7;
	v8 =	vmul.f32 v1, v46;
	v5 =	vadd.f32 v12, v5  }
0x1ae: {  	v61 =	vld [tilespmem:s19+$0x4100];
	v9 =	vadd.f32 v55, v9;
	v47 =	vsel vm3, $0x3F800000, v11;
	v11 =	vimm.s32 $0x0  }
0x1af: {  	v15 =	vsub.f32 v0, v17;
	v0 =	vsub.f32 v0, v16;
	v17 =	vld [tilespmem:$0x1FF80];
	v13 =	vperm.xlane v47, v11  }
0x1b0: {  	v33 =	vld [tilespmem:s19+$0x4090];
	v1 =	vimm.s32 $0xC;
	v8 =	vadd.f32 v8, v40;
	v3 =	vadd.f32 v3, v5  }
0x1b1: {  	v28 =	vld [tilespmem:s19+$0x4190];
	v18 =	vadd.f32 v47, v10;
	v10 =	vperm.xlane v47, v22;
	v12 =	vmul.f32 v13, v21  }
0x1b2: {  	v16 =	vld [tilespmem:$0x1FF90];
	v4 =	vadd.f32 v4, v7;
	v14 =	vmul.f32 v13, v29;
	v5 =	vmul.f32 v13, v37  }
0x1b3: {  	v11 =	vld [tilespmem:s19+$0x4130];
	v15 =	vand.u32 $0x7FFFFFFF, v15;
	v6 =	vmul.f32 v13, v23;
	v25 =	vmul.f32 v10, v43  }
0x1b4: {  	v55 =	vld [tilespmem:s19+$0x4010];
	v0 =	vand.u32 $0x7FFFFFFF, v0;
	v34 =	vmul.f32 v10, v38;
	v39 =	vmul.f32 v27, v17  }
0x1b5: {  	v13 =	vld [tilespmem:$0x1FF60];
	v7 =	vadd.f32 v12, v9;
	v9 =	vperm.xlane v47, v1;
	v1 =	vimm.s32 $0x8  }
0x1b6: {  	v21 =	vld [tilespmem:s19+$0x41A0];
	v2 =	vadd.f32 v14, v2;
	v14 =	vmul.f32 v10, v41;
	v10 =	vmul.f32 v10, v36  }
0x1b7: {  	v0 =	vmin.f32 v0, v15;
	v12 =	vperm.xlane v47, v1;
	v56 =	vmul.f32 v9, v42;
	v42 =	vld [tilespmem:$0x1FF70]  }
0x1b8: {  	v29 =	vld [tilespmem:s19+$0x4180];
	v4 =	vadd.f32 v5, v4;
	v35 =	vmul.f32 v11, v16;
	v46 =	vmul.f32 v9, v50  }
0x1b9: {  	v3 =	vadd.f32 v6, v3;
	v1 =	vld [tilespmem:s19+$0x4080];
	v48 =	vmul.f32 v9, v48;
	v9 =	vmul.f32 v9, v49  }
0x1ba: {  	v22 =	vld [tilespmem:s19+$0x4120];
	v2 =	vadd.f32 v25, v2;
	v24 =	vmul.f32 v12, v44;
	v36 =	vmul.f32 v33, v13  }
0x1bb: {  	v62 =	vld [tilespmem:s19+$0x4020];
	v7 =	vadd.f32 v14, v7;
	v44 =	vmul.f32 v55, v13;
	v49 =	vmul.f32 v28, v13  }
0x1bc: {  	v59 =	vld [tilespmem:s19+$0x41B0];
	v4 =	vadd.f32 v10, v4;
	v10 =	vmul.f32 v53, v13;
	v5 =	vmul.f32 v57, v42  }
0x1bd: {  	v25 =	vld [tilespmem:s19+$0x40B0];
	v3 =	vadd.f32 v34, v3;
	v14 =	vmul.f32 v29, v42;
	v50 =	vmul.f32 v61, v42  }
0x1be: {  	v60 =	vld [tilespmem:s19+$0x4030];
	v40 =	vmul.f32 v21, v17;
	v5 =	vadd.f32 v44, v5;
	v44 =	vmul.f32 v1, v42  }
0x1bf: {  	v14 =	vadd.f32 v49, v14;
	v49 =	vmul.f32 v22, v17;
	v10 =	vadd.f32 v10, v50  }
0x1c0: {  	v23 =	vld [tilespmem:$0x1FFF0];
	v32 =	vmul.f32 v12, v32;
	v50 =	vmul.f32 v62, v17;
	v36 =	vadd.f32 v36, v44  }
0x1c1: {  	v14 =	vadd.f32 v40, v14;
	v44 =	vmul.f32 v59, v16;
	v10 =	vadd.f32 v49, v10  }
0x1c2: {  	v49 =	vmul.f32 v25, v16;
	v5 =	vadd.f32 v50, v5;
	v36 =	vadd.f32 v39, v36  }
0x1c3: {  	v50 =	vmul.f32 v60, v16;
	v14 =	vadd.f32 v44, v14;
	v10 =	vadd.f32 v35, v10  }
0x1c4: {  	[tilespmem:$0x1FEC0] =	vst v11;
	v11 =	vld [tilespmem:$0x1FFE0];
	v43 =	vmul.f32 v12, v26;
	v2 =	vadd.f32 v24, v2;
	v24 =	vadd.f32 v49, v36  }
0x1c5: {  	v5 =	vadd.f32 v50, v5;
	v40 =	vperm.xlane v14, v23;
	v41 =	vperm.xlane v10, v23  }
0x1c6: {  	v12 =	vmul.f32 v12, v20;
	v20 =	vadd.f32 v0, v31;
	v26 =	vperm.xlane v24, v23  }
0x1c7: {  	v44 =	vperm.xlane v5, v23;
	v14 =	vadd.f32 v40, v14;
	v10 =	vadd.f32 v41, v10  }
0x1c8: {  	v7 =	vadd.f32 v32, v7;
	v6 =	vadd.f32 v26, v24  }
0x1c9: {  	s31 =	simm.s32 $0x200;
	v5 =	vadd.f32 v44, v5;
	v24 =	vperm.xlane v14, v11;
	v49 =	vperm.xlane v10, v11  }
0x1ca: {  	v3 =	vadd.f32 v43, v3;
	v4 =	vadd.f32 v12, v4;
	v36 =	vld [tilespmem:s31+$0x4010];
	v15 =	vperm.xlane v6, v11  }
0x1cb: {  	v30 =	vld [tilespmem:s31+$0x4020];
	v50 =	vperm.xlane v5, v11;
	v14 =	vadd.f32 v24, v14;
	v10 =	vadd.f32 v49, v10  }
0x1cc: {  	v19 =	vld [tilespmem:s31+$0x4000];
	v12 =	vadd.f32 v56, v7;
	v6 =	vadd.f32 v15, v6  }
0x1cd: {  	v34 =	vld [tilespmem:s31+$0x4030];
	v56 =	vadd.f32 v48, v4;
	v5 =	vadd.f32 v50, v5;
	v10 =	vsel vm0, v10, v14  }
0x1ce: {  	v24 =	vmul.f32 v0, v47;
	v47 =	vadd.f32 v46, v3;
	v46 =	vld [tilespmem:s31+$0x4080];
	v0 =	vsel vm1, v6, v10  }
0x1cf: {  	v4 =	vmul.f32 v36, v13;
	v15 =	vmovc v21;
	v6 =	vadd.f32 v55, v51;
	v21 =	vld [tilespmem:$0x1FEC0];
	v0 =	vsel vm2, v5, v0  }
0x1d0: {  	v24 =	vadd.f32 v24, v8;
	v5 =	vadd.f32 v60, v54;
	v3 =	vperm.xlane v0, v58  }
0x1d1: {  	v39 =	vld [tilespmem:s31+$0x4090];
	v58 =	vadd.f32 v9, v2;
	v2 =	vmul.f32 v19, v42;
	v6 =	vadd.f32 v33, v6  }
0x1d2: {  	v7 =	vmul.f32 v34, v16;
	v49 =	vld [tilespmem:s31+$0x4190];
	v5 =	vadd.f32 v25, v5;
	v0 =	vadd.f32 v0, v3  }
0x1d3: {  	v50 =	vld [tilespmem:s31+$0x4180];
	v3 =	vadd.f32 v62, v52;
	v2 =	vadd.f32 v4, v2;
	v4 =	vmul.f32 v30, v17  }
0x1d4: {  	v35 =	vld [tilespmem:s31+$0x40A0];
	v10 =	vmul.f32 v46, v42;
	v6 =	vadd.f32 v53, v6;
	v5 =	vadd.f32 v21, v5  }
0x1d5: {  	v40 =	vld [tilespmem:s31+$0x4110];
	v8 =	vperm.xlane v0, v63;
	v2 =	vadd.f32 v4, v2;
	v3 =	vadd.f32 v27, v3  }
0x1d6: {  	v48 =	vld [tilespmem:s31+$0x4100];
	v9 =	vmul.f32 v39, v13;
	v6 =	vadd.f32 v28, v6;
	v5 =	vadd.f32 v59, v5  }
0x1d7: {  	v44 =	vld [tilespmem:s31+$0x41A0];
	v4 =	vmul.f32 v49, v13;
	v51 =	vadd.f32 v0, v8;
	v2 =	vadd.f32 v7, v2  }
0x1d8: {  	v43 =	vld [tilespmem:s31+$0x40B0];
	v0 =	vmul.f32 v50, v42;
	v7 =	vadd.f32 v9, v10;
	v10 =	vadd.f32 v57, v45  }
0x1d9: {  	v38 =	vld [tilespmem:s31+$0x4120];
	v8 =	vmul.f32 v35, v17;
	v3 =	vadd.f32 v22, v3;
	v6 =	vadd.f32 v36, v6  }
0x1da: {  	v41 =	vld [tilespmem:s31+$0x4130];
	v9 =	vmul.f32 v40, v13;
	v5 =	vadd.f32 v34, v5;
	v0 =	vadd.f32 v4, v0  }
0x1db: {  	v4 =	vmul.f32 v48, v42;
	v7 =	vadd.f32 v8, v7;
	v10 =	vadd.f32 v1, v10  }
0x1dc: {  	v31 =	vmovc v1;
	v8 =	vmul.f32 v44, v17;
	v1 =	vld [tilespmem:$0x1FF50];
	v3 =	vadd.f32 v15, v3;
	v14 =	vadd.f32 v39, v6  }
0x1dd: {  	v52 =	vld [tilespmem:s31+$0x41B0];
	v5 =	vadd.f32 v43, v5;
	v4 =	vadd.f32 v9, v4;
	v9 =	vmul.f32 v43, v16  }
0x1de: {  	v0 =	vadd.f32 v8, v0;
	v8 =	vmul.f32 v38, v17;
	v3 =	vadd.f32 v30, v3  }
0x1df: {  	v14 =	vadd.f32 v40, v14;
	v5 =	vadd.f32 v41, v5  }
0x1e0: {  	v7 =	vadd.f32 v9, v7;
	v4 =	vadd.f32 v8, v4  }
0x1e1: {  	v8 =	vmul.f32 v41, v16;
	vm3 =	vlt.f32 v51, v1;
	v1 =	vimm.f32 $0.0e+00  }
0x1e2: {  	v9 =	vmul.f32 v52, v16;
	v42 =	vsel vm3, $0x3F800000, v1;
	v1 =	vimm.s32 $0x0  }
0x1e3: {  	v4 =	vadd.f32 v8, v4;
	v8 =	vperm.xlane v42, v1;
	v1 =	vperm.xlane v2, v23  }
0x1e4: {  	v0 =	vadd.f32 v9, v0;
	v9 =	vadd.f32 v61, v10  }
0x1e5: {  	v10 =	vmul.f32 v8, v60;
	v1 =	vadd.f32 v1, v2;
	v2 =	vperm.xlane v7, v23  }
0x1e6: {  	v3 =	vadd.f32 v35, v3;
	v9 =	vadd.f32 v29, v9;
	v6 =	vmul.f32 v8, v57  }
0x1e7: {  	v60 =	vadd.f32 v10, v12;
	v10 =	vadd.f32 v2, v7;
	v2 =	vperm.xlane v0, v23  }
0x1e8: {  	v26 =	vmovc v53;
	v53 =	vmul.f32 v8, v55;
	v9 =	vadd.f32 v19, v9;
	v7 =	vmul.f32 v8, v62  }
0x1e9: {  	v8 =	vperm.xlane v1, v11;
	v0 =	vadd.f32 v2, v0;
	v2 =	vperm.xlane v4, v23  }
0x1ea: {  	v3 =	vadd.f32 v38, v3;
	v9 =	vadd.f32 v46, v9  }
0x1eb: {  	v4 =	vadd.f32 v2, v4;
	v2 =	vadd.f32 v8, v1;
	v1 =	vperm.xlane v0, v11  }
0x1ec: {  	v54 =	vadd.f32 v44, v3;
	v55 =	vadd.f32 v49, v14;
	v12 =	vperm.xlane v10, v11  }
0x1ed: {  	v32 =	vmovc v25;
	v25 =	vmovc v61;
	v13 =	vadd.f32 v48, v9;
	v61 =	vadd.f32 v1, v0;
	v0 =	vimm.s32 $0xC  }
0x1ee: {  	v23 =	vmovc v52;
	v9 =	vadd.f32 v12, v10;
	v8 =	vperm.xlane v4, v11;
	v10 =	vperm.xlane v42, v0  }
0x1ef: {  	v37 =	vmovc v34;
	v34 =	vmovc v30;
	v57 =	vadd.f32 v23, v5;
	v52 =	vadd.f32 v50, v13;
	v0 =	vimm.s32 $0x8  }
0x1f0: {  	s19 =	simm.s32 $0x1000;
	v30 =	vmovc v19;
	v63 =	vadd.f32 v8, v4;
	v8 =	vperm.xlane v42, v0;
	v45 =	vmul.f32 v10, v59  }
.LBB2_8:
0x1f1: {  	v0 =	vld [tilespmem:$0x1FF40];
	v1 =	vmov v44  }
0x1f2: {  	v6 =	vadd.f32 v6, v58;
	v58 =	vld [tilespmem:$0x1FF90];
	[tilespmem:$0x1FEA0] =	vst v1;
	v1 =	vsel vm0, v63, v61  }
0x1f3: {  	v19 =	vld [tilespmem:$0x1FFC0];
	v1 =	vsel vm1, v9, v1  }
0x1f4: {  	v1 =	vsel vm2, v2, v1;
	v2 =	vld [tilespmem:$0x1FF30]  }
0x1f5: {  	s20 =	sshra.s32 s19, $0x2;
	v7 =	vadd.f32 v7, v56;
	v56 =	vld [tilespmem:$0x1FF80]  }
0x1f6: {  	v4 =	vimm.s32 $0x4;
	v62 =	vld [tilespmem:s20+$0x4020]  }
0x1f7: {  	v63 =	vld [tilespmem:s20+$0x4030];
	v4 =	vperm.xlane v42, v4  }
0x1f8: {  	v5 =	vld [tilespmem:s20+$0x4130]  }
0x1f9: {  	v3 =	vmul.f32 v10, v28;
	v13 =	vmul.f32 v4, v31;
	v9 =	vsub.f32 v51, v2;
	v2 =	vld [tilespmem:$0x1FFA0]  }
0x1fa: {  	v11 =	vld [tilespmem:s20+$0x40B0];
	v14 =	vmul.f32 v4, v33;
	v59 =	vmul.f32 v10, v15  }
0x1fb: {  	v18 =	vadd.f32 v42, v18;
	v16 =	vld [tilespmem:s20+$0x4120];
	v15 =	vmul.f32 v4, v32;
	v4 =	vmul.f32 v4, v27  }
0x1fc: {  	v28 =	vmovc v35;
	v17 =	vmul.f32 v8, v21;
	v47 =	vadd.f32 v53, v47;
	v61 =	vmul.f32 v10, v29;
	v35 =	vld [tilespmem:s20+$0x40A0]  }
0x1fd: {  	v10 =	vmul.f32 v8, v25;
	v0 =	vsub.f32 v51, v0;
	v4 =	vadd.f32 v4, v7;
	v7 =	vld [tilespmem:s20+$0x4090]  }
0x1fe: {  	v6 =	vadd.f32 v13, v6;
	v15 =	vadd.f32 v15, v60;
	v60 =	vld [tilespmem:$0x1FF70];
	v12 =	vperm.xlane v1, v2  }
0x1ff: {  	v21 =	vmovc v41;
	v32 =	vmovc v43;
	v14 =	vadd.f32 v14, v47;
	v41 =	vmov v5;
	v5 =	vadd.f32 v63, v57;
	v57 =	vld [tilespmem:$0x1FF60]  }
0x200: {  	v13 =	vmul.f32 v63, v58;
	v43 =	vmovc v11;
	v11 =	vadd.f32 v62, v54;
	v2 =	vld [tilespmem:s20+$0x4010];
	v1 =	vadd.f32 v1, v12  }
0x201: {  	[tilespmem:$0x1FEB0] =	vst v23;
	v23 =	vmovc v49;
	v0 =	vand.u32 $0x7FFFFFFF, v0;
	v10 =	vadd.f32 v10, v6;
	v6 =	vmul.f32 v8, v26;
	v12 =	vld [tilespmem:s20+$0x4000]  }
0x202: {  	v49 =	vld [tilespmem:s20+$0x4190];
	v31 =	vmovc v46;
	v54 =	vmul.f32 v43, v58;
	v15 =	vadd.f32 v17, v15;
	v19 =	vperm.xlane v1, v19  }
0x203: {  	v33 =	vmovc v39;
	v46 =	vld [tilespmem:s20+$0x4080];
	v27 =	vmovc v38;
	v5 =	vadd.f32 v43, v5;
	v11 =	vadd.f32 v35, v11;
	v9 =	vand.u32 $0x7FFFFFFF, v9  }
0x204: {  	v26 =	vmovc v40;
	v40 =	vld [tilespmem:s20+$0x4110];
	v0 =	vmin.f32 v9, v0;
	v51 =	vadd.f32 v1, v19;
	v1 =	vmul.f32 v8, v22  }
0x205: {  	v38 =	vmovc v16;
	v16 =	vld [tilespmem:$0x1FF50];
	v17 =	vmul.f32 v7, v57;
	v20 =	vadd.f32 v0, v20;
	v0 =	vmul.f32 v0, v42  }
0x206: {  	v44 =	vld [tilespmem:s20+$0x41A0];
	v39 =	vmovc v7;
	v7 =	vmul.f32 v2, v57;
	v1 =	vadd.f32 v1, v4;
	v4 =	vmul.f32 v12, v60  }
0x207: {  	v25 =	vmovc v48;
	v48 =	vld [tilespmem:s20+$0x4100];
	v14 =	vadd.f32 v6, v14;
	v53 =	vmul.f32 v49, v57;
	v24 =	vadd.f32 v0, v24  }
0x208: {  	v29 =	vmovc v50;
	v50 =	vld [tilespmem:s20+$0x4180];
	v0 =	vmul.f32 v35, v56;
	v4 =	vadd.f32 v7, v4;
	v7 =	vmul.f32 v62, v56  }
0x209: {  	v57 =	vmul.f32 v40, v57;
	v8 =	vadd.f32 v2, v55;
	v19 =	vimm.f32 $0.0e+00  }
0x20a: {  	v55 =	vmul.f32 v46, v60;
	vm3 =	vlt.f32 v51, v16;
	v4 =	vadd.f32 v7, v4  }
0x20b: {  	v9 =	vadd.f32 v12, v52;
	v52 =	vmul.f32 v44, v56;
	v42 =	vsel vm3, $0x3F800000, v19  }
0x20c: {  	v19 =	vld [tilespmem:s20+$0x41B0];
	v4 =	vadd.f32 v13, v4;
	v13 =	vadd.f32 v17, v55;
	v17 =	vmul.f32 v48, v60  }
0x20d: {  	v5 =	vadd.f32 v41, v5;
	v22 =	vld [tilespmem:$0x1FFF0];
	v56 =	vmul.f32 v38, v56;
	v7 =	vmul.f32 v50, v60  }
0x20e: {  	v60 =	vimm.s32 $0x0;
	v0 =	vadd.f32 v0, v13;
	v13 =	vadd.f32 v57, v17  }
0x20f: {  	v47 =	vadd.f32 v3, v14;
	v7 =	vadd.f32 v53, v7;
	v53 =	vperm.xlane v42, v60  }
0x210: {  	v16 =	vmul.f32 v41, v58;
	v0 =	vadd.f32 v54, v0;
	v3 =	vadd.f32 v56, v13  }
0x211: {  	v58 =	vmul.f32 v19, v58;
	v17 =	vadd.f32 v52, v7;
	v7 =	vmul.f32 v53, v34;
	v34 =	vmovc v62;
	v62 =	vld [tilespmem:$0x1FFE0]  }
0x212: {  	v14 =	vadd.f32 v45, v15;
	v15 =	vperm.xlane v0, v22;
	v3 =	vadd.f32 v16, v3  }
0x213: {  	v9 =	vadd.f32 v46, v9;
	v6 =	vmul.f32 v53, v30;
	v30 =	vmovc v12;
	v12 =	vadd.f32 v58, v17  }
0x214: {  	v58 =	vadd.f32 v61, v10;
	v0 =	vadd.f32 v15, v0;
	v10 =	vperm.xlane v3, v22  }
0x215: {  	v8 =	vadd.f32 v39, v8;
	v9 =	vadd.f32 v48, v9  }
0x216: {  	v55 =	vperm.xlane v4, v22;
	v3 =	vadd.f32 v10, v3;
	v10 =	vperm.xlane v0, v62  }
0x217: {  	v52 =	vadd.f32 v50, v9;
	v13 =	vmul.f32 v53, v37;
	v56 =	vadd.f32 v59, v1  }
0x218: {  	v4 =	vadd.f32 v55, v4;
	v9 =	vadd.f32 v10, v0;
	v0 =	vimm.s32 $0xC  }
0x219: {  	v1 =	vperm.xlane v12, v22;
	v10 =	vperm.xlane v42, v0;
	v0 =	vimm.s32 $0x8  }
0x21a: {  	p0 =	sne.s32 s19, $0xF800;
	v60 =	vadd.f32 v13, v14;
	v13 =	vadd.f32 v40, v8;
	v8 =	vperm.xlane v42, v0;
	v0 =	vld [tilespmem:$0x1FEB0]  }
.Ltmp3:
0x21b: {  	v53 =	vmul.f32 v53, v36;
	v36 =	vmovc v2;
	v1 =	vadd.f32 v1, v12;
	v2 =	vperm.xlane v4, v62;
	(pc) =	sbr.rel @p0 .LBB2_8-.Ltmp3, $4  }
0x21c: {  	v11 =	vadd.f32 v38, v11;
	v57 =	vadd.f32 v19, v5  }
0x21d: {  	v37 =	vmovc v63;
	v12 =	vperm.xlane v1, v62;
	v2 =	vadd.f32 v2, v4;
	v4 =	vperm.xlane v3, v62  }
0x21e: {  	v54 =	vadd.f32 v44, v11;
	v22 =	vmovc v27;
	v27 =	vmovc v28;
	v28 =	vmov v23;
	v55 =	vadd.f32 v49, v13  }
0x21f: {  	s19 =	sadd.s32 $0x800, s19;
	v15 =	vld [tilespmem:$0x1FEA0];
	v23 =	vmovc v19;
	v61 =	vadd.f32 v12, v1;
	v63 =	vadd.f32 v4, v3;
	v45 =	vmul.f32 v10, v0  }
0x220: {  	v1 =	vld [tilespmem:$0x1FFA0];
	_ =	sdelay $0x1  }
0x221: {  	v0 =	vsel vm0, v63, v61  }
0x222: {  	v17 =	vld [tilespmem:$0x1FF40];
	v59 =	vimm.s32 $0x4;
	v4 =	vmul.f32 v10, v28;
	v0 =	vsel vm1, v9, v0  }
0x223: {  	v6 =	vadd.f32 v6, v58;
	v11 =	vmul.f32 v8, v25;
	v12 =	vld [tilespmem:$0x1FFC0];
	v0 =	vsel vm2, v2, v0  }
0x224: {  	v16 =	vld [tilespmem:$0x1FF30];
	v7 =	vadd.f32 v7, v56;
	v3 =	vperm.xlane v42, v59;
	v1 =	vperm.xlane v0, v1  }
0x225: {  	v58 =	vadd.f32 v53, v47;
	v14 =	vmul.f32 v8, v21;
	v61 =	vmul.f32 v8, v26  }
0x226: {  	v63 =	vmul.f32 v8, v22;
	v31 =	vmul.f32 v3, v31;
	v0 =	vadd.f32 v0, v1  }
0x227: {  	v19 =	vld [tilespmem:$0x1FF50];
	v25 =	vimm.s32 $0x0;
	v13 =	vmul.f32 v3, v32;
	v56 =	vmul.f32 v3, v33  }
0x228: {  	v3 =	vmul.f32 v3, v27;
	v2 =	vsub.f32 v51, v17;
	v12 =	vperm.xlane v0, v12  }
0x229: {  	v33 =	vimm.s32 $0xC;
	v51 =	vsub.f32 v51, v16;
	v6 =	vadd.f32 v31, v6  }
0x22a: {  	v5 =	vmul.f32 v10, v15;
	v13 =	vadd.f32 v13, v60;
	v0 =	vadd.f32 v0, v12  }
0x22b: {  	v9 =	vadd.f32 v56, v58;
	v3 =	vadd.f32 v3, v7;
	v31 =	vimm.s32 $0x8  }
0x22c: {  	v56 =	vadd.f32 v42, v18;
	vm3 =	vlt.f32 v0, v19;
	v19 =	vimm.f32 $0.0e+00  }
0x22d: {  	v1 =	vmul.f32 v10, v29;
	v3 =	vadd.f32 v63, v3;
	v8 =	vsel vm3, $0x3F800000, v19  }
0x22e: {  	v6 =	vadd.f32 v11, v6;
	v9 =	vadd.f32 v61, v9;
	v11 =	vperm.xlane v8, v25  }
0x22f: {  	v2 =	vand.u32 $0x7FFFFFFF, v2;
	v3 =	vadd.f32 v5, v3;
	v5 =	vperm.xlane v8, v31  }
0x230: {  	v26 =	vadd.f32 v14, v13;
	v13 =	vperm.xlane v8, v33;
	v27 =	vmul.f32 v11, v30  }
0x231: {  	v4 =	vadd.f32 v4, v9;
	v28 =	vmul.f32 v11, v34;
	v29 =	vmul.f32 v11, v37  }
0x232: {  	v1 =	vadd.f32 v1, v6;
	v30 =	vperm.xlane v8, v59;
	v11 =	vmul.f32 v11, v36  }
0x233: {  	v12 =	vadd.f32 v45, v26;
	v34 =	vmul.f32 v5, v48;
	v37 =	vmul.f32 v13, v50  }
0x234: {  	v60 =	vadd.f32 v8, v56;
	v45 =	vmul.f32 v5, v40;
	v47 =	vmul.f32 v5, v38  }
0x235: {  	v48 =	vand.u32 $0x7FFFFFFF, v51;
	v51 =	vsub.f32 v0, v17;
	v0 =	vsub.f32 v0, v16  }
0x236: {  	v50 =	vmin.f32 v48, v2;
	v1 =	vadd.f32 v27, v1;
	v32 =	vmul.f32 v30, v46  }
0x237: {  	v12 =	vadd.f32 v29, v12;
	v36 =	vmul.f32 v30, v39;
	v4 =	vadd.f32 v11, v4  }
0x238: {  	v3 =	vadd.f32 v28, v3;
	v39 =	vmul.f32 v30, v35;
	v6 =	vmul.f32 v30, v43  }
0x239: {  	v58 =	vmul.f32 v50, v42;
	v2 =	vand.u32 $0x7FFFFFFF, v51;
	v0 =	vand.u32 $0x7FFFFFFF, v0  }
0x23a: {  	[tilespmem:$0x8140] =	vst v52;
	v0 =	vmin.f32 v0, v2;
	v1 =	vadd.f32 v32, v1;
	v4 =	vadd.f32 v36, v4  }
0x23b: {  	[tilespmem:$0x8150] =	vst v55;
	v3 =	vadd.f32 v39, v3;
	v59 =	vadd.f32 v58, v24;
	v61 =	vmul.f32 v0, v8  }
0x23c: {  	[tilespmem:$0x8160] =	vst v54;
	v5 =	vmul.f32 v5, v41;
	v6 =	vadd.f32 v6, v12;
	v1 =	vadd.f32 v34, v1  }
0x23d: {  	[tilespmem:$0x8170] =	vst v57;
	v46 =	vmul.f32 v13, v49;
	v4 =	vadd.f32 v45, v4;
	v63 =	vadd.f32 v61, v59  }
0x23e: {  	[tilespmem:$0x8180] =	vst v60;
	v49 =	vmul.f32 v13, v44;
	v3 =	vadd.f32 v47, v3;
	v1 =	vadd.f32 v37, v1  }
0x23f: {  	v53 =	vmul.f32 v13, v23;
	v5 =	vadd.f32 v5, v6;
	v4 =	vadd.f32 v46, v4;
	[tilespmem:$0x81A0] =	vst v63  }
0x240: {  	v3 =	vadd.f32 v49, v3;
	[tilespmem:$0x8100] =	vst v1;
	v1 =	vadd.f32 v50, v20  }
0x241: {  	v5 =	vadd.f32 v53, v5;
	[tilespmem:$0x8110] =	vst v4  }
0x242: {  	s18 =	sadd.s32 $0x1, s18;
	[tilespmem:$0x8120] =	vst v3;
	v0 =	vadd.f32 v0, v1  }
0x243: {  	p0 =	sne.s32 s18, s9;
	[tilespmem:$0x8130] =	vst v5  }
.Ltmp4:
0x244: {  	[tilespmem:$0x8190] =	vst v0;
	(pc) =	sbr.rel @p0 .LBB2_1-.Ltmp4, $4  }
0x245: {  	[hbm4b:s8+s15] =	stream.strided.scatter [tilespmem:s17], [sflag:$0x3], $0x100, s16, s15, $0x38;
	[tilespmem:$0x8200] =	vst v63  }
0x246: {  	_ =	swait.ge [sflag:s12], $0x100  }
0x247: {  	[sflag:s12] =	ssyncset.done $0x0  }
0x248: {  	v22 =	vld [tilespmem:$0x1FFF0];
	[sflag:s12] =	ssyncadd.s32 $0xFFFFFF00  }
0x249: {  	_ =	sfence.sel $0x180000  }
0x24a: {  	[bflag:$0x0] =	sbarrier.arrive $0xFFFF  }
0x24b: {  	p0 =	sne.s32 s2, $0x0;
	_ =	strace $0x90000047  }
0x24c: {  	s0 =	sadd.s32 @!p0 $0x100000, s0;
	[bflag:$0x2] =	sbarrier.arrive $0xFFFF  }
0x24d: {  	[sflag:s0] =	ssyncadd.tile.s32 @!p0 $0x1;
	_ =	shalt  }
.Lfunc_end2:
_tile_overlayer_lowered:
.L_overlay_start_2:
0x24e: {  	(tag) =	ssettag $0x2  }
0x24f: {  	s0 =	rddreg [dreg:$0x0];
	s2 =	stileid.u32  }
0x250: {  	s1 =	rddreg [dreg:$0x1];
	p0 =	sne.s32 s2, $0x0  }
0x251: {  	s3 =	rddreg [dreg:$0x2];
	[bflag:$0x3] =	sbarrier.arrive $0xFFFF;
	s2 =	simm.s32 @!p0 $0x1C03  }
0x252: {  	[timem:s3], [sflag:s2] =	dma.local @!p0 [hbm:s0], s1  }
0x253: {  	s0 =	simm.s32 @!p0 $0x3  }
0x254: {  	_ =	swait.ge @!p0 [sflag:s0], s1  }
0x255: {  	s1 =	ssub.s32 @!p0 $0x0, s1;
	[sflag:s0] =	ssyncset.done @!p0 $0x0  }
0x256: {  	[sflag:s0] =	ssyncadd.s32 @!p0 s1  }
0x257: {  	[bflag:$0x3] =	sbarrier.arrive $0xFFFF  }
0x258: {  	_ =	shalt  }

</sc_bundles>
